<compile_context>
chip_gen: v7x
topology: tpu7x:2x2x1
jax: 0.10.2.dev20260603
libtpu: 0.0.44.dev20260713+nightly
codegen_flags: <defaults>
</compile_context>

<pallas_src>
import functools

import jax
import jax.numpy as jnp
from jax import lax
from jax.experimental import pallas as pl
from jax.experimental.pallas import tpu as pltpu
from jax.experimental.pallas import tpu_sc as plsc

_NC = 2
_NS = 16
_NW = _NC * _NS
_L = 16
_V = 1000000
_TOTAL = 8 * 16384
_NPW = _TOTAL // _NW
_CHUNK = 128
_NCH = _NPW // _CHUNK
_WPB = _NW // 8
_SWEEP_CH = 16384


def _sweep_body(t_ref, o_ref):
    x = t_ref[...]
    o_ref[...] = jnp.sqrt(jnp.sum(x * x, axis=0, keepdims=True))


_sweep_tc = pl.pallas_call(
    _sweep_body,
    grid=(pl.cdiv(_V, _SWEEP_CH),),
    in_specs=[pl.BlockSpec((_L, _SWEEP_CH), lambda i: (0, i))],
    out_specs=pl.BlockSpec((1, _SWEEP_CH), lambda i: (0, i)),
    out_shape=jax.ShapeDtypeStruct((1, _V), jnp.float32),
)


def _make_gather():
    mesh = plsc.VectorSubcoreMesh(core_axis_name="c", subcore_axis_name="s")

    @functools.partial(
        pl.kernel,
        mesh=mesh,
        compiler_params=pltpu.CompilerParams(needs_layout_passes=False),
        out_type=jax.ShapeDtypeStruct((_NW, _L), jnp.float32),
        scratch_types=[
            pltpu.VMEM((_NCH, _CHUNK), jnp.int32),
            pltpu.VMEM((_NCH, _CHUNK), jnp.float32),
            pltpu.VMEM((_L,), jnp.float32),
            pltpu.SemaphoreType.DMA,
            pltpu.SemaphoreType.DMA,
        ],
    )
    def k(norms_hbm, idx_hbm, out_hbm, idx_v, nrm_v, acc_v, sem_i, sem_g):
        wid = lax.axis_index("s") * _NC + lax.axis_index("c")
        brow = wid // _WPB
        c0 = (wid % _WPB) * _NPW

        idx_copies = [
            pltpu.make_async_copy(
                idx_hbm.at[brow, pl.ds(c0 + j * _CHUNK, _CHUNK)],
                idx_v.at[j], sem_i)
            for j in range(_NCH)
        ]
        for cp in idx_copies:
            cp.start()
        for cp in idx_copies:
            cp.wait()

        gathers = [
            pltpu.make_async_copy(
                norms_hbm.at[idx_v.at[j]], nrm_v.at[j], sem_g)
            for j in range(_NCH)
        ]
        for cp in gathers:
            cp.start()
        for cp in gathers:
            cp.wait()

        def chunk_sum(j, acc):
            for g in range(_CHUNK // _L):
                acc = acc + nrm_v[j, pl.ds(g * _L, _L)]
            return acc

        acc = lax.fori_loop(0, _NCH, chunk_sum,
                            jnp.zeros((_L,), jnp.float32))
        acc_v[...] = acc
        pltpu.sync_copy(acc_v, out_hbm.at[wid])

    return k


_gather_kernel = _make_gather()


def kernel(table, indices):
    norms = _sweep_tc(table.T).reshape(_V)
    partials = _gather_kernel(norms, indices.astype(jnp.int32))
    return jnp.sum(partials) * (1.0 / _TOTAL)

# --- scband reference (transcript-rebuilt; emitter-appended) ---
"""Pipeline reference for scband-latent-prior-loss-77421080477782 (READ-ONLY COPY).

The authoritative reference and input builder live on the scoring server;
editing this copy changes nothing except your own understanding.
"""

import jax, jax.numpy as jnp
import numpy as np


def setup_inputs(seed: int = 0) -> dict:
    key = jax.random.key(seed)
    k_tab, k_idx = jax.random.split(key)
    vocab, embed_dim = 1000000, 16
    B, L = 8, 16384
    table = jax.random.normal(k_tab, (vocab, embed_dim), dtype=jnp.float32)
    indices = jax.random.randint(k_idx, (B, L), 0, vocab, dtype=jnp.int64 if jax.config.jax_enable_x64 else jnp.int32)
    return {"table": table, "indices": indices}


def reference(table, indices):
    # Faithful translation of LatentPriorLoss.forward:
    # embeddings(indices) -> gather rows from the embedding table
    # Loss = (1/B) * sum_b mean(||lat_vecs_b||_2 along last dim)
    B = indices.shape[0]
    loss = jnp.float32(0.0)
    for b in range(B):
        lat_vecs = jnp.take(table, indices[b], axis=0)  # gather -> SparseCore
        loss = loss + jnp.mean(jnp.linalg.norm(lat_vecs, axis=-1))
    loss = loss / B
    return loss

if __name__ == "__main__":
    import jax
    _d = setup_inputs()
    print(jax.jit(kernel)(*tuple(_d.values())))

</pallas_src>

<mosaic_0001>
#map = affine_map<(d0, d1) -> (0)>
#map1 = affine_map<(d0, d1) -> (0, 0)>
module attributes {stable_mosaic.version = 14 : i64} {
  func.func @k(%arg0: i32, %arg1: i32, %arg2: memref<1000000xf32, #tpu.memory_space<hbm>>, %arg3: memref<8x16384xi32, #tpu.memory_space<hbm>>, %arg4: memref<32x16xf32, #tpu.memory_space<hbm>>, %arg5: memref<32x128xi32, #tpu.memory_space<vmem>>, %arg6: memref<32x128xf32, #tpu.memory_space<vmem>>, %arg7: memref<16xf32, #tpu.memory_space<vmem>>, %arg8: memref<!tpu.dma_semaphore, #tpu.memory_space<semaphore_mem>>, %arg9: memref<!tpu.dma_semaphore, #tpu.memory_space<semaphore_mem>>) attributes {dimension_semantics = [#tpu.dimension_semantics<core_parallel>, #tpu.dimension_semantics<subcore_parallel>], iteration_bounds = array<i64: 2, 16>, scalar_prefetch = 0 : i64, scratch_operands = 5 : i64, tpu.core_type = #tpu.core_type<sc_vector_subcore>, window_params = [{transform_indices = #map}, {transform_indices = #map1}, {transform_indices = #map1}]} {
    %mul3A = arith.constant 2 : i32
    %mul3A_0 = arith.muli %arg1, %mul3A : i32
    %add3A = arith.addi %mul3A_0, %arg0 : i32
    %jit3A = arith.constant 4 : i32
    %div3A = arith.divsi %add3A, %jit3A : i32
    %sign3A = arith.constant 0 : i32
    %sign3A_1 = arith.cmpi sgt, %add3A, %sign3A : i32
    %sign3A_2 = arith.extui %sign3A_1 : i1 to i32
    %sign3A_3 = arith.constant 0 : i32
    %sign3A_4 = arith.cmpi slt, %add3A, %sign3A_3 : i32
    %sign3A_5 = arith.extui %sign3A_4 : i1 to i32
    %sign3A_6 = arith.subi %sign3A_2, %sign3A_5 : i32
    %sign3A_7 = arith.constant 0 : i32
    %sign3A_8 = arith.cmpi sgt, %jit3A, %sign3A_7 : i32
    %sign3A_9 = arith.extui %sign3A_8 : i1 to i32
    %sign3A_10 = arith.constant 0 : i32
    %sign3A_11 = arith.cmpi slt, %jit3A, %sign3A_10 : i32
    %sign3A_12 = arith.extui %sign3A_11 : i1 to i32
    %sign3A_13 = arith.subi %sign3A_9, %sign3A_12 : i32
    %ne3A = arith.cmpi ne, %sign3A_6, %sign3A_13 : i32
    %rem3A = arith.remsi %add3A, %jit3A : i32
    %ne3A_14 = arith.constant 0 : i32
    %ne3A_15 = arith.cmpi ne, %rem3A, %ne3A_14 : i32
    %and3A = arith.andi %ne3A, %ne3A_15 : i1
    %sub3A = arith.constant 1 : i32
    %sub3A_16 = arith.subi %div3A, %sub3A : i32
    %select_n3A = arith.select %and3A, %sub3A_16, %div3A : i32
    %jit3A_17 = arith.constant 4 : i32
    %eq3A = arith.constant 0 : i32
    %eq3A_18 = arith.cmpi eq, %jit3A_17, %eq3A : i32
    %jit3A_19 = arith.constant 1 : i32
    %select_n3A_20 = arith.select %eq3A_18, %jit3A_19, %jit3A_17 : i32
    %rem3A_21 = arith.remsi %add3A, %select_n3A_20 : i32
    %ne3A_22 = arith.constant 0 : i32
    %ne3A_23 = arith.cmpi ne, %rem3A_21, %ne3A_22 : i32
    %lt3A = arith.constant 0 : i32
    %lt3A_24 = arith.cmpi slt, %rem3A_21, %lt3A : i32
    %lt3A_25 = arith.constant 0 : i32
    %lt3A_26 = arith.cmpi slt, %select_n3A_20, %lt3A_25 : i32
    %ne3A_27 = arith.xori %lt3A_24, %lt3A_26 : i1
    %and3A_28 = arith.andi %ne3A_27, %ne3A_23 : i1
    %add3A_29 = arith.addi %rem3A_21, %select_n3A_20 : i32
    %select_n3A_30 = arith.select %and3A_28, %add3A_29, %rem3A_21 : i32
    %mul3A_31 = arith.constant 4096 : i32
    %mul3A_32 = arith.muli %select_n3A_30, %mul3A_31 : i32
    %add3A_33 = arith.constant 0 : i32
    %add3A_34 = arith.addi %mul3A_32, %add3A_33 : i32
    %add3A_35 = arith.constant 128 : i32
    %add3A_36 = arith.addi %mul3A_32, %add3A_35 : i32
    %add3A_37 = arith.constant 256 : i32
    %add3A_38 = arith.addi %mul3A_32, %add3A_37 : i32
    %add3A_39 = arith.constant 384 : i32
    %add3A_40 = arith.addi %mul3A_32, %add3A_39 : i32
    %add3A_41 = arith.constant 512 : i32
    %add3A_42 = arith.addi %mul3A_32, %add3A_41 : i32
    %add3A_43 = arith.constant 640 : i32
    %add3A_44 = arith.addi %mul3A_32, %add3A_43 : i32
    %add3A_45 = arith.constant 768 : i32
    %add3A_46 = arith.addi %mul3A_32, %add3A_45 : i32
    %add3A_47 = arith.constant 896 : i32
    %add3A_48 = arith.addi %mul3A_32, %add3A_47 : i32
    %add3A_49 = arith.constant 1024 : i32
    %add3A_50 = arith.addi %mul3A_32, %add3A_49 : i32
    %add3A_51 = arith.constant 1152 : i32
    %add3A_52 = arith.addi %mul3A_32, %add3A_51 : i32
    %add3A_53 = arith.constant 1280 : i32
    %add3A_54 = arith.addi %mul3A_32, %add3A_53 : i32
    %add3A_55 = arith.constant 1408 : i32
    %add3A_56 = arith.addi %mul3A_32, %add3A_55 : i32
    %add3A_57 = arith.constant 1536 : i32
    %add3A_58 = arith.addi %mul3A_32, %add3A_57 : i32
    %add3A_59 = arith.constant 1664 : i32
    %add3A_60 = arith.addi %mul3A_32, %add3A_59 : i32
    %add3A_61 = arith.constant 1792 : i32
    %add3A_62 = arith.addi %mul3A_32, %add3A_61 : i32
    %add3A_63 = arith.constant 1920 : i32
    %add3A_64 = arith.addi %mul3A_32, %add3A_63 : i32
    %add3A_65 = arith.constant 2048 : i32
    %add3A_66 = arith.addi %mul3A_32, %add3A_65 : i32
    %add3A_67 = arith.constant 2176 : i32
    %add3A_68 = arith.addi %mul3A_32, %add3A_67 : i32
    %add3A_69 = arith.constant 2304 : i32
    %add3A_70 = arith.addi %mul3A_32, %add3A_69 : i32
    %add3A_71 = arith.constant 2432 : i32
    %add3A_72 = arith.addi %mul3A_32, %add3A_71 : i32
    %add3A_73 = arith.constant 2560 : i32
    %add3A_74 = arith.addi %mul3A_32, %add3A_73 : i32
    %add3A_75 = arith.constant 2688 : i32
    %add3A_76 = arith.addi %mul3A_32, %add3A_75 : i32
    %add3A_77 = arith.constant 2816 : i32
    %add3A_78 = arith.addi %mul3A_32, %add3A_77 : i32
    %add3A_79 = arith.constant 2944 : i32
    %add3A_80 = arith.addi %mul3A_32, %add3A_79 : i32
    %add3A_81 = arith.constant 3072 : i32
    %add3A_82 = arith.addi %mul3A_32, %add3A_81 : i32
    %add3A_83 = arith.constant 3200 : i32
    %add3A_84 = arith.addi %mul3A_32, %add3A_83 : i32
    %add3A_85 = arith.constant 3328 : i32
    %add3A_86 = arith.addi %mul3A_32, %add3A_85 : i32
    %add3A_87 = arith.constant 3456 : i32
    %add3A_88 = arith.addi %mul3A_32, %add3A_87 : i32
    %add3A_89 = arith.constant 3584 : i32
    %add3A_90 = arith.addi %mul3A_32, %add3A_89 : i32
    %add3A_91 = arith.constant 3712 : i32
    %add3A_92 = arith.addi %mul3A_32, %add3A_91 : i32
    %add3A_93 = arith.constant 3840 : i32
    %add3A_94 = arith.addi %mul3A_32, %add3A_93 : i32
    %add3A_95 = arith.constant 3968 : i32
    %add3A_96 = arith.addi %mul3A_32, %add3A_95 : i32
    %dma_start3A = arith.constant 0 : i32
    %dma_start3A_97 = arith.constant 0 : i32
    %dma_start3A_98 = tpu.memref_slice %arg5[%dma_start3A, %dma_start3A_97] : memref<32x128xi32, #tpu.memory_space<vmem>> -> memref<1x128xi32, #tpu.memory_space<vmem>>
    %dma_start3A_99 = tpu.memref_squeeze %dma_start3A_98 : memref<1x128xi32, #tpu.memory_space<vmem>> -> memref<128xi32, #tpu.memory_space<vmem>>
    %dma_start3A_100 = tpu.memref_slice %arg3[%select_n3A, %add3A_34] : memref<8x16384xi32, #tpu.memory_space<hbm>> -> memref<1x128xi32, #tpu.memory_space<hbm>>
    %dma_start3A_101 = tpu.memref_squeeze %dma_start3A_100 : memref<1x128xi32, #tpu.memory_space<hbm>> -> memref<128xi32, #tpu.memory_space<hbm>>
    %dma_start3A_102 = arith.constant 0 : i32
    %dma_start3A_103 = tpu.memref_slice %arg5[%dma_start3A, %dma_start3A_102] : memref<32x128xi32, #tpu.memory_space<vmem>> -> memref<1x128xi32, #tpu.memory_space<vmem>>
    %dma_start3A_104 = tpu.memref_squeeze %dma_start3A_103 : memref<1x128xi32, #tpu.memory_space<vmem>> -> memref<128xi32, #tpu.memory_space<vmem>>
    %dma_start3A_105 = tpu.memref_slice %arg3[%select_n3A, %add3A_34] : memref<8x16384xi32, #tpu.memory_space<hbm>> -> memref<1x128xi32, #tpu.memory_space<hbm>>
    %dma_start3A_106 = tpu.memref_squeeze %dma_start3A_105 : memref<1x128xi32, #tpu.memory_space<hbm>> -> memref<128xi32, #tpu.memory_space<hbm>>
    tpu.enqueue_dma source(%dma_start3A_106 : memref<128xi32, #tpu.memory_space<hbm>>) target(%dma_start3A_104 : memref<128xi32, #tpu.memory_space<vmem>>) target_semaphore(%arg8 : memref<!tpu.dma_semaphore, #tpu.memory_space<semaphore_mem>>)
    %dma_start3A_107 = arith.constant 1 : i32
    %dma_start3A_108 = arith.constant 0 : i32
    %dma_start3A_109 = tpu.memref_slice %arg5[%dma_start3A_107, %dma_start3A_108] : memref<32x128xi32, #tpu.memory_space<vmem>> -> memref<1x128xi32, #tpu.memory_space<vmem>>
    %dma_start3A_110 = tpu.memref_squeeze %dma_start3A_109 : memref<1x128xi32, #tpu.memory_space<vmem>> -> memref<128xi32, #tpu.memory_space<vmem>>
    %dma_start3A_111 = tpu.memref_slice %arg3[%select_n3A, %add3A_36] : memref<8x16384xi32, #tpu.memory_space<hbm>> -> memref<1x128xi32, #tpu.memory_space<hbm>>
    %dma_start3A_112 = tpu.memref_squeeze %dma_start3A_111 : memref<1x128xi32, #tpu.memory_space<hbm>> -> memref<128xi32, #tpu.memory_space<hbm>>
    %dma_start3A_113 = arith.constant 0 : i32
    %dma_start3A_114 = tpu.memref_slice %arg5[%dma_start3A_107, %dma_start3A_113] : memref<32x128xi32, #tpu.memory_space<vmem>> -> memref<1x128xi32, #tpu.memory_space<vmem>>
    %dma_start3A_115 = tpu.memref_squeeze %dma_start3A_114 : memref<1x128xi32, #tpu.memory_space<vmem>> -> memref<128xi32, #tpu.memory_space<vmem>>
    %dma_start3A_116 = tpu.memref_slice %arg3[%select_n3A, %add3A_36] : memref<8x16384xi32, #tpu.memory_space<hbm>> -> memref<1x128xi32, #tpu.memory_space<hbm>>
    %dma_start3A_117 = tpu.memref_squeeze %dma_start3A_116 : memref<1x128xi32, #tpu.memory_space<hbm>> -> memref<128xi32, #tpu.memory_space<hbm>>
    tpu.enqueue_dma source(%dma_start3A_117 : memref<128xi32, #tpu.memory_space<hbm>>) target(%dma_start3A_115 : memref<128xi32, #tpu.memory_space<vmem>>) target_semaphore(%arg8 : memref<!tpu.dma_semaphore, #tpu.memory_space<semaphore_mem>>)
    %dma_start3A_118 = arith.constant 2 : i32
    %dma_start3A_119 = arith.constant 0 : i32
    %dma_start3A_120 = tpu.memref_slice %arg5[%dma_start3A_118, %dma_start3A_119] : memref<32x128xi32, #tpu.memory_space<vmem>> -> memref<1x128xi32, #tpu.memory_space<vmem>>
    %dma_start3A_121 = tpu.memref_squeeze %dma_start3A_120 : memref<1x128xi32, #tpu.memory_space<vmem>> -> memref<128xi32, #tpu.memory_space<vmem>>
    %dma_start3A_122 = tpu.memref_slice %arg3[%select_n3A, %add3A_38] : memref<8x16384xi32, #tpu.memory_space<hbm>> -> memref<1x128xi32, #tpu.memory_space<hbm>>
    %dma_start3A_123 = tpu.memref_squeeze %dma_start3A_122 : memref<1x128xi32, #tpu.memory_space<hbm>> -> memref<128xi32, #tpu.memory_space<hbm>>
    %dma_start3A_124 = arith.constant 0 : i32
    %dma_start3A_125 = tpu.memref_slice %arg5[%dma_start3A_118, %dma_start3A_124] : memref<32x128xi32, #tpu.memory_space<vmem>> -> memref<1x128xi32, #tpu.memory_space<vmem>>
    %dma_start3A_126 = tpu.memref_squeeze %dma_start3A_125 : memref<1x128xi32, #tpu.memory_space<vmem>> -> memref<128xi32, #tpu.memory_space<vmem>>
    %dma_start3A_127 = tpu.memref_slice %arg3[%select_n3A, %add3A_38] : memref<8x16384xi32, #tpu.memory_space<hbm>> -> memref<1x128xi32, #tpu.memory_space<hbm>>
    %dma_start3A_128 = tpu.memref_squeeze %dma_start3A_127 : memref<1x128xi32, #tpu.memory_space<hbm>> -> memref<128xi32, #tpu.memory_space<hbm>>
    tpu.enqueue_dma source(%dma_start3A_128 : memref<128xi32, #tpu.memory_space<hbm>>) target(%dma_start3A_126 : memref<128xi32, #tpu.memory_space<vmem>>) target_semaphore(%arg8 : memref<!tpu.dma_semaphore, #tpu.memory_space<semaphore_mem>>)
    %dma_start3A_129 = arith.constant 3 : i32
    %dma_start3A_130 = arith.constant 0 : i32
    %dma_start3A_131 = tpu.memref_slice %arg5[%dma_start3A_129, %dma_start3A_130] : memref<32x128xi32, #tpu.memory_space<vmem>> -> memref<1x128xi32, #tpu.memory_space<vmem>>
    %dma_start3A_132 = tpu.memref_squeeze %dma_start3A_131 : memref<1x128xi32, #tpu.memory_space<vmem>> -> memref<128xi32, #tpu.memory_space<vmem>>
    %dma_start3A_133 = tpu.memref_slice %arg3[%select_n3A, %add3A_40] : memref<8x16384xi32, #tpu.memory_space<hbm>> -> memref<1x128xi32, #tpu.memory_space<hbm>>
    %dma_start3A_134 = tpu.memref_squeeze %dma_start3A_133 : memref<1x128xi32, #tpu.memory_space<hbm>> -> memref<128xi32, #tpu.memory_space<hbm>>
    %dma_start3A_135 = arith.constant 0 : i32
    %dma_start3A_136 = tpu.memref_slice %arg5[%dma_start3A_129, %dma_start3A_135] : memref<32x128xi32, #tpu.memory_space<vmem>> -> memref<1x128xi32, #tpu.memory_space<vmem>>
    %dma_start3A_137 = tpu.memref_squeeze %dma_start3A_136 : memref<1x128xi32, #tpu.memory_space<vmem>> -> memref<128xi32, #tpu.memory_space<vmem>>
    %dma_start3A_138 = tpu.memref_slice %arg3[%select_n3A, %add3A_40] : memref<8x16384xi32, #tpu.memory_space<hbm>> -> memref<1x128xi32, #tpu.memory_space<hbm>>
    %dma_start3A_139 = tpu.memref_squeeze %dma_start3A_138 : memref<1x128xi32, #tpu.memory_space<hbm>> -> memref<128xi32, #tpu.memory_space<hbm>>
    tpu.enqueue_dma source(%dma_start3A_139 : memref<128xi32, #tpu.memory_space<hbm>>) target(%dma_start3A_137 : memref<128xi32, #tpu.memory_space<vmem>>) target_semaphore(%arg8 : memref<!tpu.dma_semaphore, #tpu.memory_space<semaphore_mem>>)
    %dma_start3A_140 = arith.constant 4 : i32
    %dma_start3A_141 = arith.constant 0 : i32
    %dma_start3A_142 = tpu.memref_slice %arg5[%dma_start3A_140, %dma_start3A_141] : memref<32x128xi32, #tpu.memory_space<vmem>> -> memref<1x128xi32, #tpu.memory_space<vmem>>
    %dma_start3A_143 = tpu.memref_squeeze %dma_start3A_142 : memref<1x128xi32, #tpu.memory_space<vmem>> -> memref<128xi32, #tpu.memory_space<vmem>>
    %dma_start3A_144 = tpu.memref_slice %arg3[%select_n3A, %add3A_42] : memref<8x16384xi32, #tpu.memory_space<hbm>> -> memref<1x128xi32, #tpu.memory_space<hbm>>
    %dma_start3A_145 = tpu.memref_squeeze %dma_start3A_144 : memref<1x128xi32, #tpu.memory_space<hbm>> -> memref<128xi32, #tpu.memory_space<hbm>>
    %dma_start3A_146 = arith.constant 0 : i32
    %dma_start3A_147 = tpu.memref_slice %arg5[%dma_start3A_140, %dma_start3A_146] : memref<32x128xi32, #tpu.memory_space<vmem>> -> memref<1x128xi32, #tpu.memory_space<vmem>>
    %dma_start3A_148 = tpu.memref_squeeze %dma_start3A_147 : memref<1x128xi32, #tpu.memory_space<vmem>> -> memref<128xi32, #tpu.memory_space<vmem>>
    %dma_start3A_149 = tpu.memref_slice %arg3[%select_n3A, %add3A_42] : memref<8x16384xi32, #tpu.memory_space<hbm>> -> memref<1x128xi32, #tpu.memory_space<hbm>>
    %dma_start3A_150 = tpu.memref_squeeze %dma_start3A_149 : memref<1x128xi32, #tpu.memory_space<hbm>> -> memref<128xi32, #tpu.memory_space<hbm>>
    tpu.enqueue_dma source(%dma_start3A_150 : memref<128xi32, #tpu.memory_space<hbm>>) target(%dma_start3A_148 : memref<128xi32, #tpu.memory_space<vmem>>) target_semaphore(%arg8 : memref<!tpu.dma_semaphore, #tpu.memory_space<semaphore_mem>>)
    %dma_start3A_151 = arith.constant 5 : i32
    %dma_start3A_152 = arith.constant 0 : i32
    %dma_start3A_153 = tpu.memref_slice %arg5[%dma_start3A_151, %dma_start3A_152] : memref<32x128xi32, #tpu.memory_space<vmem>> -> memref<1x128xi32, #tpu.memory_space<vmem>>
    %dma_start3A_154 = tpu.memref_squeeze %dma_start3A_153 : memref<1x128xi32, #tpu.memory_space<vmem>> -> memref<128xi32, #tpu.memory_space<vmem>>
    %dma_start3A_155 = tpu.memref_slice %arg3[%select_n3A, %add3A_44] : memref<8x16384xi32, #tpu.memory_space<hbm>> -> memref<1x128xi32, #tpu.memory_space<hbm>>
    %dma_start3A_156 = tpu.memref_squeeze %dma_start3A_155 : memref<1x128xi32, #tpu.memory_space<hbm>> -> memref<128xi32, #tpu.memory_space<hbm>>
    %dma_start3A_157 = arith.constant 0 : i32
    %dma_start3A_158 = tpu.memref_slice %arg5[%dma_start3A_151, %dma_start3A_157] : memref<32x128xi32, #tpu.memory_space<vmem>> -> memref<1x128xi32, #tpu.memory_space<vmem>>
    %dma_start3A_159 = tpu.memref_squeeze %dma_start3A_158 : memref<1x128xi32, #tpu.memory_space<vmem>> -> memref<128xi32, #tpu.memory_space<vmem>>
    %dma_start3A_160 = tpu.memref_slice %arg3[%select_n3A, %add3A_44] : memref<8x16384xi32, #tpu.memory_space<hbm>> -> memref<1x128xi32, #tpu.memory_space<hbm>>
    %dma_start3A_161 = tpu.memref_squeeze %dma_start3A_160 : memref<1x128xi32, #tpu.memory_space<hbm>> -> memref<128xi32, #tpu.memory_space<hbm>>
    tpu.enqueue_dma source(%dma_start3A_161 : memref<128xi32, #tpu.memory_space<hbm>>) target(%dma_start3A_159 : memref<128xi32, #tpu.memory_space<vmem>>) target_semaphore(%arg8 : memref<!tpu.dma_semaphore, #tpu.memory_space<semaphore_mem>>)
    %dma_start3A_162 = arith.constant 6 : i32
    %dma_start3A_163 = arith.constant 0 : i32
    %dma_start3A_164 = tpu.memref_slice %arg5[%dma_start3A_162, %dma_start3A_163] : memref<32x128xi32, #tpu.memory_space<vmem>> -> memref<1x128xi32, #tpu.memory_space<vmem>>
    %dma_start3A_165 = tpu.memref_squeeze %dma_start3A_164 : memref<1x128xi32, #tpu.memory_space<vmem>> -> memref<128xi32, #tpu.memory_space<vmem>>
    %dma_start3A_166 = tpu.memref_slice %arg3[%select_n3A, %add3A_46] : memref<8x16384xi32, #tpu.memory_space<hbm>> -> memref<1x128xi32, #tpu.memory_space<hbm>>
    %dma_start3A_167 = tpu.memref_squeeze %dma_start3A_166 : memref<1x128xi32, #tpu.memory_space<hbm>> -> memref<128xi32, #tpu.memory_space<hbm>>
    %dma_start3A_168 = arith.constant 0 : i32
    %dma_start3A_169 = tpu.memref_slice %arg5[%dma_start3A_162, %dma_start3A_168] : memref<32x128xi32, #tpu.memory_space<vmem>> -> memref<1x128xi32, #tpu.memory_space<vmem>>
    %dma_start3A_170 = tpu.memref_squeeze %dma_start3A_169 : memref<1x128xi32, #tpu.memory_space<vmem>> -> memref<128xi32, #tpu.memory_space<vmem>>
    %dma_start3A_171 = tpu.memref_slice %arg3[%select_n3A, %add3A_46] : memref<8x16384xi32, #tpu.memory_space<hbm>> -> memref<1x128xi32, #tpu.memory_space<hbm>>
    %dma_start3A_172 = tpu.memref_squeeze %dma_start3A_171 : memref<1x128xi32, #tpu.memory_space<hbm>> -> memref<128xi32, #tpu.memory_space<hbm>>
    tpu.enqueue_dma source(%dma_start3A_172 : memref<128xi32, #tpu.memory_space<hbm>>) target(%dma_start3A_170 : memref<128xi32, #tpu.memory_space<vmem>>) target_semaphore(%arg8 : memref<!tpu.dma_semaphore, #tpu.memory_space<semaphore_mem>>)
    %dma_start3A_173 = arith.constant 7 : i32
    %dma_start3A_174 = arith.constant 0 : i32
    %dma_start3A_175 = tpu.memref_slice %arg5[%dma_start3A_173, %dma_start3A_174] : memref<32x128xi32, #tpu.memory_space<vmem>> -> memref<1x128xi32, #tpu.memory_space<vmem>>
    %dma_start3A_176 = tpu.memref_squeeze %dma_start3A_175 : memref<1x128xi32, #tpu.memory_space<vmem>> -> memref<128xi32, #tpu.memory_space<vmem>>
    %dma_start3A_177 = tpu.memref_slice %arg3[%select_n3A, %add3A_48] : memref<8x16384xi32, #tpu.memory_space<hbm>> -> memref<1x128xi32, #tpu.memory_space<hbm>>
    %dma_start3A_178 = tpu.memref_squeeze %dma_start3A_177 : memref<1x128xi32, #tpu.memory_space<hbm>> -> memref<128xi32, #tpu.memory_space<hbm>>
    %dma_start3A_179 = arith.constant 0 : i32
    %dma_start3A_180 = tpu.memref_slice %arg5[%dma_start3A_173, %dma_start3A_179] : memref<32x128xi32, #tpu.memory_space<vmem>> -> memref<1x128xi32, #tpu.memory_space<vmem>>
    %dma_start3A_181 = tpu.memref_squeeze %dma_start3A_180 : memref<1x128xi32, #tpu.memory_space<vmem>> -> memref<128xi32, #tpu.memory_space<vmem>>
    %dma_start3A_182 = tpu.memref_slice %arg3[%select_n3A, %add3A_48] : memref<8x16384xi32, #tpu.memory_space<hbm>> -> memref<1x128xi32, #tpu.memory_space<hbm>>
    %dma_start3A_183 = tpu.memref_squeeze %dma_start3A_182 : memref<1x128xi32, #tpu.memory_space<hbm>> -> memref<128xi32, #tpu.memory_space<hbm>>
    tpu.enqueue_dma source(%dma_start3A_183 : memref<128xi32, #tpu.memory_space<hbm>>) target(%dma_start3A_181 : memref<128xi32, #tpu.memory_space<vmem>>) target_semaphore(%arg8 : memref<!tpu.dma_semaphore, #tpu.memory_space<semaphore_mem>>)
    %dma_start3A_184 = arith.constant 8 : i32
    %dma_start3A_185 = arith.constant 0 : i32
    %dma_start3A_186 = tpu.memref_slice %arg5[%dma_start3A_184, %dma_start3A_185] : memref<32x128xi32, #tpu.memory_space<vmem>> -> memref<1x128xi32, #tpu.memory_space<vmem>>
    %dma_start3A_187 = tpu.memref_squeeze %dma_start3A_186 : memref<1x128xi32, #tpu.memory_space<vmem>> -> memref<128xi32, #tpu.memory_space<vmem>>
    %dma_start3A_188 = tpu.memref_slice %arg3[%select_n3A, %add3A_50] : memref<8x16384xi32, #tpu.memory_space<hbm>> -> memref<1x128xi32, #tpu.memory_space<hbm>>
    %dma_start3A_189 = tpu.memref_squeeze %dma_start3A_188 : memref<1x128xi32, #tpu.memory_space<hbm>> -> memref<128xi32, #tpu.memory_space<hbm>>
    %dma_start3A_190 = arith.constant 0 : i32
    %dma_start3A_191 = tpu.memref_slice %arg5[%dma_start3A_184, %dma_start3A_190] : memref<32x128xi32, #tpu.memory_space<vmem>> -> memref<1x128xi32, #tpu.memory_space<vmem>>
    %dma_start3A_192 = tpu.memref_squeeze %dma_start3A_191 : memref<1x128xi32, #tpu.memory_space<vmem>> -> memref<128xi32, #tpu.memory_space<vmem>>
    %dma_start3A_193 = tpu.memref_slice %arg3[%select_n3A, %add3A_50] : memref<8x16384xi32, #tpu.memory_space<hbm>> -> memref<1x128xi32, #tpu.memory_space<hbm>>
    %dma_start3A_194 = tpu.memref_squeeze %dma_start3A_193 : memref<1x128xi32, #tpu.memory_space<hbm>> -> memref<128xi32, #tpu.memory_space<hbm>>
    tpu.enqueue_dma source(%dma_start3A_194 : memref<128xi32, #tpu.memory_space<hbm>>) target(%dma_start3A_192 : memref<128xi32, #tpu.memory_space<vmem>>) target_semaphore(%arg8 : memref<!tpu.dma_semaphore, #tpu.memory_space<semaphore_mem>>)
    %dma_start3A_195 = arith.constant 9 : i32
    %dma_start3A_196 = arith.constant 0 : i32
    %dma_start3A_197 = tpu.memref_slice %arg5[%dma_start3A_195, %dma_start3A_196] : memref<32x128xi32, #tpu.memory_space<vmem>> -> memref<1x128xi32, #tpu.memory_space<vmem>>
    %dma_start3A_198 = tpu.memref_squeeze %dma_start3A_197 : memref<1x128xi32, #tpu.memory_space<vmem>> -> memref<128xi32, #tpu.memory_space<vmem>>
    %dma_start3A_199 = tpu.memref_slice %arg3[%select_n3A, %add3A_52] : memref<8x16384xi32, #tpu.memory_space<hbm>> -> memref<1x128xi32, #tpu.memory_space<hbm>>
    %dma_start3A_200 = tpu.memref_squeeze %dma_start3A_199 : memref<1x128xi32, #tpu.memory_space<hbm>> -> memref<128xi32, #tpu.memory_space<hbm>>
    %dma_start3A_201 = arith.constant 0 : i32
    %dma_start3A_202 = tpu.memref_slice %arg5[%dma_start3A_195, %dma_start3A_201] : memref<32x128xi32, #tpu.memory_space<vmem>> -> memref<1x128xi32, #tpu.memory_space<vmem>>
    %dma_start3A_203 = tpu.memref_squeeze %dma_start3A_202 : memref<1x128xi32, #tpu.memory_space<vmem>> -> memref<128xi32, #tpu.memory_space<vmem>>
    %dma_start3A_204 = tpu.memref_slice %arg3[%select_n3A, %add3A_52] : memref<8x16384xi32, #tpu.memory_space<hbm>> -> memref<1x128xi32, #tpu.memory_space<hbm>>
    %dma_start3A_205 = tpu.memref_squeeze %dma_start3A_204 : memref<1x128xi32, #tpu.memory_space<hbm>> -> memref<128xi32, #tpu.memory_space<hbm>>
    tpu.enqueue_dma source(%dma_start3A_205 : memref<128xi32, #tpu.memory_space<hbm>>) target(%dma_start3A_203 : memref<128xi32, #tpu.memory_space<vmem>>) target_semaphore(%arg8 : memref<!tpu.dma_semaphore, #tpu.memory_space<semaphore_mem>>)
    %dma_start3A_206 = arith.constant 10 : i32
    %dma_start3A_207 = arith.constant 0 : i32
    %dma_start3A_208 = tpu.memref_slice %arg5[%dma_start3A_206, %dma_start3A_207] : memref<32x128xi32, #tpu.memory_space<vmem>> -> memref<1x128xi32, #tpu.memory_space<vmem>>
    %dma_start3A_209 = tpu.memref_squeeze %dma_start3A_208 : memref<1x128xi32, #tpu.memory_space<vmem>> -> memref<128xi32, #tpu.memory_space<vmem>>
    %dma_start3A_210 = tpu.memref_slice %arg3[%select_n3A, %add3A_54] : memref<8x16384xi32, #tpu.memory_space<hbm>> -> memref<1x128xi32, #tpu.memory_space<hbm>>
    %dma_start3A_211 = tpu.memref_squeeze %dma_start3A_210 : memref<1x128xi32, #tpu.memory_space<hbm>> -> memref<128xi32, #tpu.memory_space<hbm>>
    %dma_start3A_212 = arith.constant 0 : i32
    %dma_start3A_213 = tpu.memref_slice %arg5[%dma_start3A_206, %dma_start3A_212] : memref<32x128xi32, #tpu.memory_space<vmem>> -> memref<1x128xi32, #tpu.memory_space<vmem>>
    %dma_start3A_214 = tpu.memref_squeeze %dma_start3A_213 : memref<1x128xi32, #tpu.memory_space<vmem>> -> memref<128xi32, #tpu.memory_space<vmem>>
    %dma_start3A_215 = tpu.memref_slice %arg3[%select_n3A, %add3A_54] : memref<8x16384xi32, #tpu.memory_space<hbm>> -> memref<1x128xi32, #tpu.memory_space<hbm>>
    %dma_start3A_216 = tpu.memref_squeeze %dma_start3A_215 : memref<1x128xi32, #tpu.memory_space<hbm>> -> memref<128xi32, #tpu.memory_space<hbm>>
    tpu.enqueue_dma source(%dma_start3A_216 : memref<128xi32, #tpu.memory_space<hbm>>) target(%dma_start3A_214 : memref<128xi32, #tpu.memory_space<vmem>>) target_semaphore(%arg8 : memref<!tpu.dma_semaphore, #tpu.memory_space<semaphore_mem>>)
    %dma_start3A_217 = arith.constant 11 : i32
    %dma_start3A_218 = arith.constant 0 : i32
    %dma_start3A_219 = tpu.memref_slice %arg5[%dma_start3A_217, %dma_start3A_218] : memref<32x128xi32, #tpu.memory_space<vmem>> -> memref<1x128xi32, #tpu.memory_space<vmem>>
    %dma_start3A_220 = tpu.memref_squeeze %dma_start3A_219 : memref<1x128xi32, #tpu.memory_space<vmem>> -> memref<128xi32, #tpu.memory_space<vmem>>
    %dma_start3A_221 = tpu.memref_slice %arg3[%select_n3A, %add3A_56] : memref<8x16384xi32, #tpu.memory_space<hbm>> -> memref<1x128xi32, #tpu.memory_space<hbm>>
    %dma_start3A_222 = tpu.memref_squeeze %dma_start3A_221 : memref<1x128xi32, #tpu.memory_space<hbm>> -> memref<128xi32, #tpu.memory_space<hbm>>
    %dma_start3A_223 = arith.constant 0 : i32
    %dma_start3A_224 = tpu.memref_slice %arg5[%dma_start3A_217, %dma_start3A_223] : memref<32x128xi32, #tpu.memory_space<vmem>> -> memref<1x128xi32, #tpu.memory_space<vmem>>
    %dma_start3A_225 = tpu.memref_squeeze %dma_start3A_224 : memref<1x128xi32, #tpu.memory_space<vmem>> -> memref<128xi32, #tpu.memory_space<vmem>>
    %dma_start3A_226 = tpu.memref_slice %arg3[%select_n3A, %add3A_56] : memref<8x16384xi32, #tpu.memory_space<hbm>> -> memref<1x128xi32, #tpu.memory_space<hbm>>
    %dma_start3A_227 = tpu.memref_squeeze %dma_start3A_226 : memref<1x128xi32, #tpu.memory_space<hbm>> -> memref<128xi32, #tpu.memory_space<hbm>>
    tpu.enqueue_dma source(%dma_start3A_227 : memref<128xi32, #tpu.memory_space<hbm>>) target(%dma_start3A_225 : memref<128xi32, #tpu.memory_space<vmem>>) target_semaphore(%arg8 : memref<!tpu.dma_semaphore, #tpu.memory_space<semaphore_mem>>)
    %dma_start3A_228 = arith.constant 12 : i32
    %dma_start3A_229 = arith.constant 0 : i32
    %dma_start3A_230 = tpu.memref_slice %arg5[%dma_start3A_228, %dma_start3A_229] : memref<32x128xi32, #tpu.memory_space<vmem>> -> memref<1x128xi32, #tpu.memory_space<vmem>>
    %dma_start3A_231 = tpu.memref_squeeze %dma_start3A_230 : memref<1x128xi32, #tpu.memory_space<vmem>> -> memref<128xi32, #tpu.memory_space<vmem>>
    %dma_start3A_232 = tpu.memref_slice %arg3[%select_n3A, %add3A_58] : memref<8x16384xi32, #tpu.memory_space<hbm>> -> memref<1x128xi32, #tpu.memory_space<hbm>>
    %dma_start3A_233 = tpu.memref_squeeze %dma_start3A_232 : memref<1x128xi32, #tpu.memory_space<hbm>> -> memref<128xi32, #tpu.memory_space<hbm>>
    %dma_start3A_234 = arith.constant 0 : i32
    %dma_start3A_235 = tpu.memref_slice %arg5[%dma_start3A_228, %dma_start3A_234] : memref<32x128xi32, #tpu.memory_space<vmem>> -> memref<1x128xi32, #tpu.memory_space<vmem>>
    %dma_start3A_236 = tpu.memref_squeeze %dma_start3A_235 : memref<1x128xi32, #tpu.memory_space<vmem>> -> memref<128xi32, #tpu.memory_space<vmem>>
    %dma_start3A_237 = tpu.memref_slice %arg3[%select_n3A, %add3A_58] : memref<8x16384xi32, #tpu.memory_space<hbm>> -> memref<1x128xi32, #tpu.memory_space<hbm>>
    %dma_start3A_238 = tpu.memref_squeeze %dma_start3A_237 : memref<1x128xi32, #tpu.memory_space<hbm>> -> memref<128xi32, #tpu.memory_space<hbm>>
    tpu.enqueue_dma source(%dma_start3A_238 : memref<128xi32, #tpu.memory_space<hbm>>) target(%dma_start3A_236 : memref<128xi32, #tpu.memory_space<vmem>>) target_semaphore(%arg8 : memref<!tpu.dma_semaphore, #tpu.memory_space<semaphore_mem>>)
    %dma_start3A_239 = arith.constant 13 : i32
    %dma_start3A_240 = arith.constant 0 : i32
    %dma_start3A_241 = tpu.memref_slice %arg5[%dma_start3A_239, %dma_start3A_240] : memref<32x128xi32, #tpu.memory_space<vmem>> -> memref<1x128xi32, #tpu.memory_space<vmem>>
    %dma_start3A_242 = tpu.memref_squeeze %dma_start3A_241 : memref<1x128xi32, #tpu.memory_space<vmem>> -> memref<128xi32, #tpu.memory_space<vmem>>
    %dma_start3A_243 = tpu.memref_slice %arg3[%select_n3A, %add3A_60] : memref<8x16384xi32, #tpu.memory_space<hbm>> -> memref<1x128xi32, #tpu.memory_space<hbm>>
    %dma_start3A_244 = tpu.memref_squeeze %dma_start3A_243 : memref<1x128xi32, #tpu.memory_space<hbm>> -> memref<128xi32, #tpu.memory_space<hbm>>
    %dma_start3A_245 = arith.constant 0 : i32
    %dma_start3A_246 = tpu.memref_slice %arg5[%dma_start3A_239, %dma_start3A_245] : memref<32x128xi32, #tpu.memory_space<vmem>> -> memref<1x128xi32, #tpu.memory_space<vmem>>
    %dma_start3A_247 = tpu.memref_squeeze %dma_start3A_246 : memref<1x128xi32, #tpu.memory_space<vmem>> -> memref<128xi32, #tpu.memory_space<vmem>>
    %dma_start3A_248 = tpu.memref_slice %arg3[%select_n3A, %add3A_60] : memref<8x16384xi32, #tpu.memory_space<hbm>> -> memref<1x128xi32, #tpu.memory_space<hbm>>
    %dma_start3A_249 = tpu.memref_squeeze %dma_start3A_248 : memref<1x128xi32, #tpu.memory_space<hbm>> -> memref<128xi32, #tpu.memory_space<hbm>>
    tpu.enqueue_dma source(%dma_start3A_249 : memref<128xi32, #tpu.memory_space<hbm>>) target(%dma_start3A_247 : memref<128xi32, #tpu.memory_space<vmem>>) target_semaphore(%arg8 : memref<!tpu.dma_semaphore, #tpu.memory_space<semaphore_mem>>)
    %dma_start3A_250 = arith.constant 14 : i32
    %dma_start3A_251 = arith.constant 0 : i32
    %dma_start3A_252 = tpu.memref_slice %arg5[%dma_start3A_250, %dma_start3A_251] : memref<32x128xi32, #tpu.memory_space<vmem>> -> memref<1x128xi32, #tpu.memory_space<vmem>>
    %dma_start3A_253 = tpu.memref_squeeze %dma_start3A_252 : memref<1x128xi32, #tpu.memory_space<vmem>> -> memref<128xi32, #tpu.memory_space<vmem>>
    %dma_start3A_254 = tpu.memref_slice %arg3[%select_n3A, %add3A_62] : memref<8x16384xi32, #tpu.memory_space<hbm>> -> memref<1x128xi32, #tpu.memory_space<hbm>>
    %dma_start3A_255 = tpu.memref_squeeze %dma_start3A_254 : memref<1x128xi32, #tpu.memory_space<hbm>> -> memref<128xi32, #tpu.memory_space<hbm>>
    %dma_start3A_256 = arith.constant 0 : i32
    %dma_start3A_257 = tpu.memref_slice %arg5[%dma_start3A_250, %dma_start3A_256] : memref<32x128xi32, #tpu.memory_space<vmem>> -> memref<1x128xi32, #tpu.memory_space<vmem>>
    %dma_start3A_258 = tpu.memref_squeeze %dma_start3A_257 : memref<1x128xi32, #tpu.memory_space<vmem>> -> memref<128xi32, #tpu.memory_space<vmem>>
    %dma_start3A_259 = tpu.memref_slice %arg3[%select_n3A, %add3A_62] : memref<8x16384xi32, #tpu.memory_space<hbm>> -> memref<1x128xi32, #tpu.memory_space<hbm>>
    %dma_start3A_260 = tpu.memref_squeeze %dma_start3A_259 : memref<1x128xi32, #tpu.memory_space<hbm>> -> memref<128xi32, #tpu.memory_space<hbm>>
    tpu.enqueue_dma source(%dma_start3A_260 : memref<128xi32, #tpu.memory_space<hbm>>) target(%dma_start3A_258 : memref<128xi32, #tpu.memory_space<vmem>>) target_semaphore(%arg8 : memref<!tpu.dma_semaphore, #tpu.memory_space<semaphore_mem>>)
    %dma_start3A_261 = arith.constant 15 : i32
    %dma_start3A_262 = arith.constant 0 : i32
    %dma_start3A_263 = tpu.memref_slice %arg5[%dma_start3A_261, %dma_start3A_262] : memref<32x128xi32, #tpu.memory_space<vmem>> -> memref<1x128xi32, #tpu.memory_space<vmem>>
    %dma_start3A_264 = tpu.memref_squeeze %dma_start3A_263 : memref<1x128xi32, #tpu.memory_space<vmem>> -> memref<128xi32, #tpu.memory_space<vmem>>
    %dma_start3A_265 = tpu.memref_slice %arg3[%select_n3A, %add3A_64] : memref<8x16384xi32, #tpu.memory_space<hbm>> -> memref<1x128xi32, #tpu.memory_space<hbm>>
    %dma_start3A_266 = tpu.memref_squeeze %dma_start3A_265 : memref<1x128xi32, #tpu.memory_space<hbm>> -> memref<128xi32, #tpu.memory_space<hbm>>
    %dma_start3A_267 = arith.constant 0 : i32
    %dma_start3A_268 = tpu.memref_slice %arg5[%dma_start3A_261, %dma_start3A_267] : memref<32x128xi32, #tpu.memory_space<vmem>> -> memref<1x128xi32, #tpu.memory_space<vmem>>
    %dma_start3A_269 = tpu.memref_squeeze %dma_start3A_268 : memref<1x128xi32, #tpu.memory_space<vmem>> -> memref<128xi32, #tpu.memory_space<vmem>>
    %dma_start3A_270 = tpu.memref_slice %arg3[%select_n3A, %add3A_64] : memref<8x16384xi32, #tpu.memory_space<hbm>> -> memref<1x128xi32, #tpu.memory_space<hbm>>
    %dma_start3A_271 = tpu.memref_squeeze %dma_start3A_270 : memref<1x128xi32, #tpu.memory_space<hbm>> -> memref<128xi32, #tpu.memory_space<hbm>>
    tpu.enqueue_dma source(%dma_start3A_271 : memref<128xi32, #tpu.memory_space<hbm>>) target(%dma_start3A_269 : memref<128xi32, #tpu.memory_space<vmem>>) target_semaphore(%arg8 : memref<!tpu.dma_semaphore, #tpu.memory_space<semaphore_mem>>)
    %dma_start3A_272 = arith.constant 16 : i32
    %dma_start3A_273 = arith.constant 0 : i32
    %dma_start3A_274 = tpu.memref_slice %arg5[%dma_start3A_272, %dma_start3A_273] : memref<32x128xi32, #tpu.memory_space<vmem>> -> memref<1x128xi32, #tpu.memory_space<vmem>>
    %dma_start3A_275 = tpu.memref_squeeze %dma_start3A_274 : memref<1x128xi32, #tpu.memory_space<vmem>> -> memref<128xi32, #tpu.memory_space<vmem>>
    %dma_start3A_276 = tpu.memref_slice %arg3[%select_n3A, %add3A_66] : memref<8x16384xi32, #tpu.memory_space<hbm>> -> memref<1x128xi32, #tpu.memory_space<hbm>>
    %dma_start3A_277 = tpu.memref_squeeze %dma_start3A_276 : memref<1x128xi32, #tpu.memory_space<hbm>> -> memref<128xi32, #tpu.memory_space<hbm>>
    %dma_start3A_278 = arith.constant 0 : i32
    %dma_start3A_279 = tpu.memref_slice %arg5[%dma_start3A_272, %dma_start3A_278] : memref<32x128xi32, #tpu.memory_space<vmem>> -> memref<1x128xi32, #tpu.memory_space<vmem>>
    %dma_start3A_280 = tpu.memref_squeeze %dma_start3A_279 : memref<1x128xi32, #tpu.memory_space<vmem>> -> memref<128xi32, #tpu.memory_space<vmem>>
    %dma_start3A_281 = tpu.memref_slice %arg3[%select_n3A, %add3A_66] : memref<8x16384xi32, #tpu.memory_space<hbm>> -> memref<1x128xi32, #tpu.memory_space<hbm>>
    %dma_start3A_282 = tpu.memref_squeeze %dma_start3A_281 : memref<1x128xi32, #tpu.memory_space<hbm>> -> memref<128xi32, #tpu.memory_space<hbm>>
    tpu.enqueue_dma source(%dma_start3A_282 : memref<128xi32, #tpu.memory_space<hbm>>) target(%dma_start3A_280 : memref<128xi32, #tpu.memory_space<vmem>>) target_semaphore(%arg8 : memref<!tpu.dma_semaphore, #tpu.memory_space<semaphore_mem>>)
    %dma_start3A_283 = arith.constant 17 : i32
    %dma_start3A_284 = arith.constant 0 : i32
    %dma_start3A_285 = tpu.memref_slice %arg5[%dma_start3A_283, %dma_start3A_284] : memref<32x128xi32, #tpu.memory_space<vmem>> -> memref<1x128xi32, #tpu.memory_space<vmem>>
    %dma_start3A_286 = tpu.memref_squeeze %dma_start3A_285 : memref<1x128xi32, #tpu.memory_space<vmem>> -> memref<128xi32, #tpu.memory_space<vmem>>
    %dma_start3A_287 = tpu.memref_slice %arg3[%select_n3A, %add3A_68] : memref<8x16384xi32, #tpu.memory_space<hbm>> -> memref<1x128xi32, #tpu.memory_space<hbm>>
    %dma_start3A_288 = tpu.memref_squeeze %dma_start3A_287 : memref<1x128xi32, #tpu.memory_space<hbm>> -> memref<128xi32, #tpu.memory_space<hbm>>
    %dma_start3A_289 = arith.constant 0 : i32
    %dma_start3A_290 = tpu.memref_slice %arg5[%dma_start3A_283, %dma_start3A_289] : memref<32x128xi32, #tpu.memory_space<vmem>> -> memref<1x128xi32, #tpu.memory_space<vmem>>
    %dma_start3A_291 = tpu.memref_squeeze %dma_start3A_290 : memref<1x128xi32, #tpu.memory_space<vmem>> -> memref<128xi32, #tpu.memory_space<vmem>>
    %dma_start3A_292 = tpu.memref_slice %arg3[%select_n3A, %add3A_68] : memref<8x16384xi32, #tpu.memory_space<hbm>> -> memref<1x128xi32, #tpu.memory_space<hbm>>
    %dma_start3A_293 = tpu.memref_squeeze %dma_start3A_292 : memref<1x128xi32, #tpu.memory_space<hbm>> -> memref<128xi32, #tpu.memory_space<hbm>>
    tpu.enqueue_dma source(%dma_start3A_293 : memref<128xi32, #tpu.memory_space<hbm>>) target(%dma_start3A_291 : memref<128xi32, #tpu.memory_space<vmem>>) target_semaphore(%arg8 : memref<!tpu.dma_semaphore, #tpu.memory_space<semaphore_mem>>)
    %dma_start3A_294 = arith.constant 18 : i32
    %dma_start3A_295 = arith.constant 0 : i32
    %dma_start3A_296 = tpu.memref_slice %arg5[%dma_start3A_294, %dma_start3A_295] : memref<32x128xi32, #tpu.memory_space<vmem>> -> memref<1x128xi32, #tpu.memory_space<vmem>>
    %dma_start3A_297 = tpu.memref_squeeze %dma_start3A_296 : memref<1x128xi32, #tpu.memory_space<vmem>> -> memref<128xi32, #tpu.memory_space<vmem>>
    %dma_start3A_298 = tpu.memref_slice %arg3[%select_n3A, %add3A_70] : memref<8x16384xi32, #tpu.memory_space<hbm>> -> memref<1x128xi32, #tpu.memory_space<hbm>>
    %dma_start3A_299 = tpu.memref_squeeze %dma_start3A_298 : memref<1x128xi32, #tpu.memory_space<hbm>> -> memref<128xi32, #tpu.memory_space<hbm>>
    %dma_start3A_300 = arith.constant 0 : i32
    %dma_start3A_301 = tpu.memref_slice %arg5[%dma_start3A_294, %dma_start3A_300] : memref<32x128xi32, #tpu.memory_space<vmem>> -> memref<1x128xi32, #tpu.memory_space<vmem>>
    %dma_start3A_302 = tpu.memref_squeeze %dma_start3A_301 : memref<1x128xi32, #tpu.memory_space<vmem>> -> memref<128xi32, #tpu.memory_space<vmem>>
    %dma_start3A_303 = tpu.memref_slice %arg3[%select_n3A, %add3A_70] : memref<8x16384xi32, #tpu.memory_space<hbm>> -> memref<1x128xi32, #tpu.memory_space<hbm>>
    %dma_start3A_304 = tpu.memref_squeeze %dma_start3A_303 : memref<1x128xi32, #tpu.memory_space<hbm>> -> memref<128xi32, #tpu.memory_space<hbm>>
    tpu.enqueue_dma source(%dma_start3A_304 : memref<128xi32, #tpu.memory_space<hbm>>) target(%dma_start3A_302 : memref<128xi32, #tpu.memory_space<vmem>>) target_semaphore(%arg8 : memref<!tpu.dma_semaphore, #tpu.memory_space<semaphore_mem>>)
    %dma_start3A_305 = arith.constant 19 : i32
    %dma_start3A_306 = arith.constant 0 : i32
    %dma_start3A_307 = tpu.memref_slice %arg5[%dma_start3A_305, %dma_start3A_306] : memref<32x128xi32, #tpu.memory_space<vmem>> -> memref<1x128xi32, #tpu.memory_space<vmem>>
    %dma_start3A_308 = tpu.memref_squeeze %dma_start3A_307 : memref<1x128xi32, #tpu.memory_space<vmem>> -> memref<128xi32, #tpu.memory_space<vmem>>
    %dma_start3A_309 = tpu.memref_slice %arg3[%select_n3A, %add3A_72] : memref<8x16384xi32, #tpu.memory_space<hbm>> -> memref<1x128xi32, #tpu.memory_space<hbm>>
    %dma_start3A_310 = tpu.memref_squeeze %dma_start3A_309 : memref<1x128xi32, #tpu.memory_space<hbm>> -> memref<128xi32, #tpu.memory_space<hbm>>
    %dma_start3A_311 = arith.constant 0 : i32
    %dma_start3A_312 = tpu.memref_slice %arg5[%dma_start3A_305, %dma_start3A_311] : memref<32x128xi32, #tpu.memory_space<vmem>> -> memref<1x128xi32, #tpu.memory_space<vmem>>
    %dma_start3A_313 = tpu.memref_squeeze %dma_start3A_312 : memref<1x128xi32, #tpu.memory_space<vmem>> -> memref<128xi32, #tpu.memory_space<vmem>>
    %dma_start3A_314 = tpu.memref_slice %arg3[%select_n3A, %add3A_72] : memref<8x16384xi32, #tpu.memory_space<hbm>> -> memref<1x128xi32, #tpu.memory_space<hbm>>
    %dma_start3A_315 = tpu.memref_squeeze %dma_start3A_314 : memref<1x128xi32, #tpu.memory_space<hbm>> -> memref<128xi32, #tpu.memory_space<hbm>>
    tpu.enqueue_dma source(%dma_start3A_315 : memref<128xi32, #tpu.memory_space<hbm>>) target(%dma_start3A_313 : memref<128xi32, #tpu.memory_space<vmem>>) target_semaphore(%arg8 : memref<!tpu.dma_semaphore, #tpu.memory_space<semaphore_mem>>)
    %dma_start3A_316 = arith.constant 20 : i32
    %dma_start3A_317 = arith.constant 0 : i32
    %dma_start3A_318 = tpu.memref_slice %arg5[%dma_start3A_316, %dma_start3A_317] : memref<32x128xi32, #tpu.memory_space<vmem>> -> memref<1x128xi32, #tpu.memory_space<vmem>>
    %dma_start3A_319 = tpu.memref_squeeze %dma_start3A_318 : memref<1x128xi32, #tpu.memory_space<vmem>> -> memref<128xi32, #tpu.memory_space<vmem>>
    %dma_start3A_320 = tpu.memref_slice %arg3[%select_n3A, %add3A_74] : memref<8x16384xi32, #tpu.memory_space<hbm>> -> memref<1x128xi32, #tpu.memory_space<hbm>>
    %dma_start3A_321 = tpu.memref_squeeze %dma_start3A_320 : memref<1x128xi32, #tpu.memory_space<hbm>> -> memref<128xi32, #tpu.memory_space<hbm>>
    %dma_start3A_322 = arith.constant 0 : i32
    %dma_start3A_323 = tpu.memref_slice %arg5[%dma_start3A_316, %dma_start3A_322] : memref<32x128xi32, #tpu.memory_space<vmem>> -> memref<1x128xi32, #tpu.memory_space<vmem>>
    %dma_start3A_324 = tpu.memref_squeeze %dma_start3A_323 : memref<1x128xi32, #tpu.memory_space<vmem>> -> memref<128xi32, #tpu.memory_space<vmem>>
    %dma_start3A_325 = tpu.memref_slice %arg3[%select_n3A, %add3A_74] : memref<8x16384xi32, #tpu.memory_space<hbm>> -> memref<1x128xi32, #tpu.memory_space<hbm>>
    %dma_start3A_326 = tpu.memref_squeeze %dma_start3A_325 : memref<1x128xi32, #tpu.memory_space<hbm>> -> memref<128xi32, #tpu.memory_space<hbm>>
    tpu.enqueue_dma source(%dma_start3A_326 : memref<128xi32, #tpu.memory_space<hbm>>) target(%dma_start3A_324 : memref<128xi32, #tpu.memory_space<vmem>>) target_semaphore(%arg8 : memref<!tpu.dma_semaphore, #tpu.memory_space<semaphore_mem>>)
    %dma_start3A_327 = arith.constant 21 : i32
    %dma_start3A_328 = arith.constant 0 : i32
    %dma_start3A_329 = tpu.memref_slice %arg5[%dma_start3A_327, %dma_start3A_328] : memref<32x128xi32, #tpu.memory_space<vmem>> -> memref<1x128xi32, #tpu.memory_space<vmem>>
    %dma_start3A_330 = tpu.memref_squeeze %dma_start3A_329 : memref<1x128xi32, #tpu.memory_space<vmem>> -> memref<128xi32, #tpu.memory_space<vmem>>
    %dma_start3A_331 = tpu.memref_slice %arg3[%select_n3A, %add3A_76] : memref<8x16384xi32, #tpu.memory_space<hbm>> -> memref<1x128xi32, #tpu.memory_space<hbm>>
    %dma_start3A_332 = tpu.memref_squeeze %dma_start3A_331 : memref<1x128xi32, #tpu.memory_space<hbm>> -> memref<128xi32, #tpu.memory_space<hbm>>
    %dma_start3A_333 = arith.constant 0 : i32
    %dma_start3A_334 = tpu.memref_slice %arg5[%dma_start3A_327, %dma_start3A_333] : memref<32x128xi32, #tpu.memory_space<vmem>> -> memref<1x128xi32, #tpu.memory_space<vmem>>
    %dma_start3A_335 = tpu.memref_squeeze %dma_start3A_334 : memref<1x128xi32, #tpu.memory_space<vmem>> -> memref<128xi32, #tpu.memory_space<vmem>>
    %dma_start3A_336 = tpu.memref_slice %arg3[%select_n3A, %add3A_76] : memref<8x16384xi32, #tpu.memory_space<hbm>> -> memref<1x128xi32, #tpu.memory_space<hbm>>
    %dma_start3A_337 = tpu.memref_squeeze %dma_start3A_336 : memref<1x128xi32, #tpu.memory_space<hbm>> -> memref<128xi32, #tpu.memory_space<hbm>>
    tpu.enqueue_dma source(%dma_start3A_337 : memref<128xi32, #tpu.memory_space<hbm>>) target(%dma_start3A_335 : memref<128xi32, #tpu.memory_space<vmem>>) target_semaphore(%arg8 : memref<!tpu.dma_semaphore, #tpu.memory_space<semaphore_mem>>)
    %dma_start3A_338 = arith.constant 22 : i32
    %dma_start3A_339 = arith.constant 0 : i32
    %dma_start3A_340 = tpu.memref_slice %arg5[%dma_start3A_338, %dma_start3A_339] : memref<32x128xi32, #tpu.memory_space<vmem>> -> memref<1x128xi32, #tpu.memory_space<vmem>>
    %dma_start3A_341 = tpu.memref_squeeze %dma_start3A_340 : memref<1x128xi32, #tpu.memory_space<vmem>> -> memref<128xi32, #tpu.memory_space<vmem>>
    %dma_start3A_342 = tpu.memref_slice %arg3[%select_n3A, %add3A_78] : memref<8x16384xi32, #tpu.memory_space<hbm>> -> memref<1x128xi32, #tpu.memory_space<hbm>>
    %dma_start3A_343 = tpu.memref_squeeze %dma_start3A_342 : memref<1x128xi32, #tpu.memory_space<hbm>> -> memref<128xi32, #tpu.memory_space<hbm>>
    %dma_start3A_344 = arith.constant 0 : i32
    %dma_start3A_345 = tpu.memref_slice %arg5[%dma_start3A_338, %dma_start3A_344] : memref<32x128xi32, #tpu.memory_space<vmem>> -> memref<1x128xi32, #tpu.memory_space<vmem>>
    %dma_start3A_346 = tpu.memref_squeeze %dma_start3A_345 : memref<1x128xi32, #tpu.memory_space<vmem>> -> memref<128xi32, #tpu.memory_space<vmem>>
    %dma_start3A_347 = tpu.memref_slice %arg3[%select_n3A, %add3A_78] : memref<8x16384xi32, #tpu.memory_space<hbm>> -> memref<1x128xi32, #tpu.memory_space<hbm>>
    %dma_start3A_348 = tpu.memref_squeeze %dma_start3A_347 : memref<1x128xi32, #tpu.memory_space<hbm>> -> memref<128xi32, #tpu.memory_space<hbm>>
    tpu.enqueue_dma source(%dma_start3A_348 : memref<128xi32, #tpu.memory_space<hbm>>) target(%dma_start3A_346 : memref<128xi32, #tpu.memory_space<vmem>>) target_semaphore(%arg8 : memref<!tpu.dma_semaphore, #tpu.memory_space<semaphore_mem>>)
    %dma_start3A_349 = arith.constant 23 : i32
    %dma_start3A_350 = arith.constant 0 : i32
    %dma_start3A_351 = tpu.memref_slice %arg5[%dma_start3A_349, %dma_start3A_350] : memref<32x128xi32, #tpu.memory_space<vmem>> -> memref<1x128xi32, #tpu.memory_space<vmem>>
    %dma_start3A_352 = tpu.memref_squeeze %dma_start3A_351 : memref<1x128xi32, #tpu.memory_space<vmem>> -> memref<128xi32, #tpu.memory_space<vmem>>
    %dma_start3A_353 = tpu.memref_slice %arg3[%select_n3A, %add3A_80] : memref<8x16384xi32, #tpu.memory_space<hbm>> -> memref<1x128xi32, #tpu.memory_space<hbm>>
    %dma_start3A_354 = tpu.memref_squeeze %dma_start3A_353 : memref<1x128xi32, #tpu.memory_space<hbm>> -> memref<128xi32, #tpu.memory_space<hbm>>
    %dma_start3A_355 = arith.constant 0 : i32
    %dma_start3A_356 = tpu.memref_slice %arg5[%dma_start3A_349, %dma_start3A_355] : memref<32x128xi32, #tpu.memory_space<vmem>> -> memref<1x128xi32, #tpu.memory_space<vmem>>
    %dma_start3A_357 = tpu.memref_squeeze %dma_start3A_356 : memref<1x128xi32, #tpu.memory_space<vmem>> -> memref<128xi32, #tpu.memory_space<vmem>>
    %dma_start3A_358 = tpu.memref_slice %arg3[%select_n3A, %add3A_80] : memref<8x16384xi32, #tpu.memory_space<hbm>> -> memref<1x128xi32, #tpu.memory_space<hbm>>
    %dma_start3A_359 = tpu.memref_squeeze %dma_start3A_358 : memref<1x128xi32, #tpu.memory_space<hbm>> -> memref<128xi32, #tpu.memory_space<hbm>>
    tpu.enqueue_dma source(%dma_start3A_359 : memref<128xi32, #tpu.memory_space<hbm>>) target(%dma_start3A_357 : memref<128xi32, #tpu.memory_space<vmem>>) target_semaphore(%arg8 : memref<!tpu.dma_semaphore, #tpu.memory_space<semaphore_mem>>)
    %dma_start3A_360 = arith.constant 24 : i32
    %dma_start3A_361 = arith.constant 0 : i32
    %dma_start3A_362 = tpu.memref_slice %arg5[%dma_start3A_360, %dma_start3A_361] : memref<32x128xi32, #tpu.memory_space<vmem>> -> memref<1x128xi32, #tpu.memory_space<vmem>>
    %dma_start3A_363 = tpu.memref_squeeze %dma_start3A_362 : memref<1x128xi32, #tpu.memory_space<vmem>> -> memref<128xi32, #tpu.memory_space<vmem>>
    %dma_start3A_364 = tpu.memref_slice %arg3[%select_n3A, %add3A_82] : memref<8x16384xi32, #tpu.memory_space<hbm>> -> memref<1x128xi32, #tpu.memory_space<hbm>>
    %dma_start3A_365 = tpu.memref_squeeze %dma_start3A_364 : memref<1x128xi32, #tpu.memory_space<hbm>> -> memref<128xi32, #tpu.memory_space<hbm>>
    %dma_start3A_366 = arith.constant 0 : i32
    %dma_start3A_367 = tpu.memref_slice %arg5[%dma_start3A_360, %dma_start3A_366] : memref<32x128xi32, #tpu.memory_space<vmem>> -> memref<1x128xi32, #tpu.memory_space<vmem>>
    %dma_start3A_368 = tpu.memref_squeeze %dma_start3A_367 : memref<1x128xi32, #tpu.memory_space<vmem>> -> memref<128xi32, #tpu.memory_space<vmem>>
    %dma_start3A_369 = tpu.memref_slice %arg3[%select_n3A, %add3A_82] : memref<8x16384xi32, #tpu.memory_space<hbm>> -> memref<1x128xi32, #tpu.memory_space<hbm>>
    %dma_start3A_370 = tpu.memref_squeeze %dma_start3A_369 : memref<1x128xi32, #tpu.memory_space<hbm>> -> memref<128xi32, #tpu.memory_space<hbm>>
    tpu.enqueue_dma source(%dma_start3A_370 : memref<128xi32, #tpu.memory_space<hbm>>) target(%dma_start3A_368 : memref<128xi32, #tpu.memory_space<vmem>>) target_semaphore(%arg8 : memref<!tpu.dma_semaphore, #tpu.memory_space<semaphore_mem>>)
    %dma_start3A_371 = arith.constant 25 : i32
    %dma_start3A_372 = arith.constant 0 : i32
    %dma_start3A_373 = tpu.memref_slice %arg5[%dma_start3A_371, %dma_start3A_372] : memref<32x128xi32, #tpu.memory_space<vmem>> -> memref<1x128xi32, #tpu.memory_space<vmem>>
    %dma_start3A_374 = tpu.memref_squeeze %dma_start3A_373 : memref<1x128xi32, #tpu.memory_space<vmem>> -> memref<128xi32, #tpu.memory_space<vmem>>
    %dma_start3A_375 = tpu.memref_slice %arg3[%select_n3A, %add3A_84] : memref<8x16384xi32, #tpu.memory_space<hbm>> -> memref<1x128xi32, #tpu.memory_space<hbm>>
    %dma_start3A_376 = tpu.memref_squeeze %dma_start3A_375 : memref<1x128xi32, #tpu.memory_space<hbm>> -> memref<128xi32, #tpu.memory_space<hbm>>
    %dma_start3A_377 = arith.constant 0 : i32
    %dma_start3A_378 = tpu.memref_slice %arg5[%dma_start3A_371, %dma_start3A_377] : memref<32x128xi32, #tpu.memory_space<vmem>> -> memref<1x128xi32, #tpu.memory_space<vmem>>
    %dma_start3A_379 = tpu.memref_squeeze %dma_start3A_378 : memref<1x128xi32, #tpu.memory_space<vmem>> -> memref<128xi32, #tpu.memory_space<vmem>>
    %dma_start3A_380 = tpu.memref_slice %arg3[%select_n3A, %add3A_84] : memref<8x16384xi32, #tpu.memory_space<hbm>> -> memref<1x128xi32, #tpu.memory_space<hbm>>
    %dma_start3A_381 = tpu.memref_squeeze %dma_start3A_380 : memref<1x128xi32, #tpu.memory_space<hbm>> -> memref<128xi32, #tpu.memory_space<hbm>>
    tpu.enqueue_dma source(%dma_start3A_381 : memref<128xi32, #tpu.memory_space<hbm>>) target(%dma_start3A_379 : memref<128xi32, #tpu.memory_space<vmem>>) target_semaphore(%arg8 : memref<!tpu.dma_semaphore, #tpu.memory_space<semaphore_mem>>)
    %dma_start3A_382 = arith.constant 26 : i32
    %dma_start3A_383 = arith.constant 0 : i32
    %dma_start3A_384 = tpu.memref_slice %arg5[%dma_start3A_382, %dma_start3A_383] : memref<32x128xi32, #tpu.memory_space<vmem>> -> memref<1x128xi32, #tpu.memory_space<vmem>>
    %dma_start3A_385 = tpu.memref_squeeze %dma_start3A_384 : memref<1x128xi32, #tpu.memory_space<vmem>> -> memref<128xi32, #tpu.memory_space<vmem>>
    %dma_start3A_386 = tpu.memref_slice %arg3[%select_n3A, %add3A_86] : memref<8x16384xi32, #tpu.memory_space<hbm>> -> memref<1x128xi32, #tpu.memory_space<hbm>>
    %dma_start3A_387 = tpu.memref_squeeze %dma_start3A_386 : memref<1x128xi32, #tpu.memory_space<hbm>> -> memref<128xi32, #tpu.memory_space<hbm>>
    %dma_start3A_388 = arith.constant 0 : i32
    %dma_start3A_389 = tpu.memref_slice %arg5[%dma_start3A_382, %dma_start3A_388] : memref<32x128xi32, #tpu.memory_space<vmem>> -> memref<1x128xi32, #tpu.memory_space<vmem>>
    %dma_start3A_390 = tpu.memref_squeeze %dma_start3A_389 : memref<1x128xi32, #tpu.memory_space<vmem>> -> memref<128xi32, #tpu.memory_space<vmem>>
    %dma_start3A_391 = tpu.memref_slice %arg3[%select_n3A, %add3A_86] : memref<8x16384xi32, #tpu.memory_space<hbm>> -> memref<1x128xi32, #tpu.memory_space<hbm>>
    %dma_start3A_392 = tpu.memref_squeeze %dma_start3A_391 : memref<1x128xi32, #tpu.memory_space<hbm>> -> memref<128xi32, #tpu.memory_space<hbm>>
    tpu.enqueue_dma source(%dma_start3A_392 : memref<128xi32, #tpu.memory_space<hbm>>) target(%dma_start3A_390 : memref<128xi32, #tpu.memory_space<vmem>>) target_semaphore(%arg8 : memref<!tpu.dma_semaphore, #tpu.memory_space<semaphore_mem>>)
    %dma_start3A_393 = arith.constant 27 : i32
    %dma_start3A_394 = arith.constant 0 : i32
    %dma_start3A_395 = tpu.memref_slice %arg5[%dma_start3A_393, %dma_start3A_394] : memref<32x128xi32, #tpu.memory_space<vmem>> -> memref<1x128xi32, #tpu.memory_space<vmem>>
    %dma_start3A_396 = tpu.memref_squeeze %dma_start3A_395 : memref<1x128xi32, #tpu.memory_space<vmem>> -> memref<128xi32, #tpu.memory_space<vmem>>
    %dma_start3A_397 = tpu.memref_slice %arg3[%select_n3A, %add3A_88] : memref<8x16384xi32, #tpu.memory_space<hbm>> -> memref<1x128xi32, #tpu.memory_space<hbm>>
    %dma_start3A_398 = tpu.memref_squeeze %dma_start3A_397 : memref<1x128xi32, #tpu.memory_space<hbm>> -> memref<128xi32, #tpu.memory_space<hbm>>
    %dma_start3A_399 = arith.constant 0 : i32
    %dma_start3A_400 = tpu.memref_slice %arg5[%dma_start3A_393, %dma_start3A_399] : memref<32x128xi32, #tpu.memory_space<vmem>> -> memref<1x128xi32, #tpu.memory_space<vmem>>
    %dma_start3A_401 = tpu.memref_squeeze %dma_start3A_400 : memref<1x128xi32, #tpu.memory_space<vmem>> -> memref<128xi32, #tpu.memory_space<vmem>>
    %dma_start3A_402 = tpu.memref_slice %arg3[%select_n3A, %add3A_88] : memref<8x16384xi32, #tpu.memory_space<hbm>> -> memref<1x128xi32, #tpu.memory_space<hbm>>
    %dma_start3A_403 = tpu.memref_squeeze %dma_start3A_402 : memref<1x128xi32, #tpu.memory_space<hbm>> -> memref<128xi32, #tpu.memory_space<hbm>>
    tpu.enqueue_dma source(%dma_start3A_403 : memref<128xi32, #tpu.memory_space<hbm>>) target(%dma_start3A_401 : memref<128xi32, #tpu.memory_space<vmem>>) target_semaphore(%arg8 : memref<!tpu.dma_semaphore, #tpu.memory_space<semaphore_mem>>)
    %dma_start3A_404 = arith.constant 28 : i32
    %dma_start3A_405 = arith.constant 0 : i32
    %dma_start3A_406 = tpu.memref_slice %arg5[%dma_start3A_404, %dma_start3A_405] : memref<32x128xi32, #tpu.memory_space<vmem>> -> memref<1x128xi32, #tpu.memory_space<vmem>>
    %dma_start3A_407 = tpu.memref_squeeze %dma_start3A_406 : memref<1x128xi32, #tpu.memory_space<vmem>> -> memref<128xi32, #tpu.memory_space<vmem>>
    %dma_start3A_408 = tpu.memref_slice %arg3[%select_n3A, %add3A_90] : memref<8x16384xi32, #tpu.memory_space<hbm>> -> memref<1x128xi32, #tpu.memory_space<hbm>>
    %dma_start3A_409 = tpu.memref_squeeze %dma_start3A_408 : memref<1x128xi32, #tpu.memory_space<hbm>> -> memref<128xi32, #tpu.memory_space<hbm>>
    %dma_start3A_410 = arith.constant 0 : i32
    %dma_start3A_411 = tpu.memref_slice %arg5[%dma_start3A_404, %dma_start3A_410] : memref<32x128xi32, #tpu.memory_space<vmem>> -> memref<1x128xi32, #tpu.memory_space<vmem>>
    %dma_start3A_412 = tpu.memref_squeeze %dma_start3A_411 : memref<1x128xi32, #tpu.memory_space<vmem>> -> memref<128xi32, #tpu.memory_space<vmem>>
    %dma_start3A_413 = tpu.memref_slice %arg3[%select_n3A, %add3A_90] : memref<8x16384xi32, #tpu.memory_space<hbm>> -> memref<1x128xi32, #tpu.memory_space<hbm>>
    %dma_start3A_414 = tpu.memref_squeeze %dma_start3A_413 : memref<1x128xi32, #tpu.memory_space<hbm>> -> memref<128xi32, #tpu.memory_space<hbm>>
    tpu.enqueue_dma source(%dma_start3A_414 : memref<128xi32, #tpu.memory_space<hbm>>) target(%dma_start3A_412 : memref<128xi32, #tpu.memory_space<vmem>>) target_semaphore(%arg8 : memref<!tpu.dma_semaphore, #tpu.memory_space<semaphore_mem>>)
    %dma_start3A_415 = arith.constant 29 : i32
    %dma_start3A_416 = arith.constant 0 : i32
    %dma_start3A_417 = tpu.memref_slice %arg5[%dma_start3A_415, %dma_start3A_416] : memref<32x128xi32, #tpu.memory_space<vmem>> -> memref<1x128xi32, #tpu.memory_space<vmem>>
    %dma_start3A_418 = tpu.memref_squeeze %dma_start3A_417 : memref<1x128xi32, #tpu.memory_space<vmem>> -> memref<128xi32, #tpu.memory_space<vmem>>
    %dma_start3A_419 = tpu.memref_slice %arg3[%select_n3A, %add3A_92] : memref<8x16384xi32, #tpu.memory_space<hbm>> -> memref<1x128xi32, #tpu.memory_space<hbm>>
    %dma_start3A_420 = tpu.memref_squeeze %dma_start3A_419 : memref<1x128xi32, #tpu.memory_space<hbm>> -> memref<128xi32, #tpu.memory_space<hbm>>
    %dma_start3A_421 = arith.constant 0 : i32
    %dma_start3A_422 = tpu.memref_slice %arg5[%dma_start3A_415, %dma_start3A_421] : memref<32x128xi32, #tpu.memory_space<vmem>> -> memref<1x128xi32, #tpu.memory_space<vmem>>
    %dma_start3A_423 = tpu.memref_squeeze %dma_start3A_422 : memref<1x128xi32, #tpu.memory_space<vmem>> -> memref<128xi32, #tpu.memory_space<vmem>>
    %dma_start3A_424 = tpu.memref_slice %arg3[%select_n3A, %add3A_92] : memref<8x16384xi32, #tpu.memory_space<hbm>> -> memref<1x128xi32, #tpu.memory_space<hbm>>
    %dma_start3A_425 = tpu.memref_squeeze %dma_start3A_424 : memref<1x128xi32, #tpu.memory_space<hbm>> -> memref<128xi32, #tpu.memory_space<hbm>>
    tpu.enqueue_dma source(%dma_start3A_425 : memref<128xi32, #tpu.memory_space<hbm>>) target(%dma_start3A_423 : memref<128xi32, #tpu.memory_space<vmem>>) target_semaphore(%arg8 : memref<!tpu.dma_semaphore, #tpu.memory_space<semaphore_mem>>)
    %dma_start3A_426 = arith.constant 30 : i32
    %dma_start3A_427 = arith.constant 0 : i32
    %dma_start3A_428 = tpu.memref_slice %arg5[%dma_start3A_426, %dma_start3A_427] : memref<32x128xi32, #tpu.memory_space<vmem>> -> memref<1x128xi32, #tpu.memory_space<vmem>>
    %dma_start3A_429 = tpu.memref_squeeze %dma_start3A_428 : memref<1x128xi32, #tpu.memory_space<vmem>> -> memref<128xi32, #tpu.memory_space<vmem>>
    %dma_start3A_430 = tpu.memref_slice %arg3[%select_n3A, %add3A_94] : memref<8x16384xi32, #tpu.memory_space<hbm>> -> memref<1x128xi32, #tpu.memory_space<hbm>>
    %dma_start3A_431 = tpu.memref_squeeze %dma_start3A_430 : memref<1x128xi32, #tpu.memory_space<hbm>> -> memref<128xi32, #tpu.memory_space<hbm>>
    %dma_start3A_432 = arith.constant 0 : i32
    %dma_start3A_433 = tpu.memref_slice %arg5[%dma_start3A_426, %dma_start3A_432] : memref<32x128xi32, #tpu.memory_space<vmem>> -> memref<1x128xi32, #tpu.memory_space<vmem>>
    %dma_start3A_434 = tpu.memref_squeeze %dma_start3A_433 : memref<1x128xi32, #tpu.memory_space<vmem>> -> memref<128xi32, #tpu.memory_space<vmem>>
    %dma_start3A_435 = tpu.memref_slice %arg3[%select_n3A, %add3A_94] : memref<8x16384xi32, #tpu.memory_space<hbm>> -> memref<1x128xi32, #tpu.memory_space<hbm>>
    %dma_start3A_436 = tpu.memref_squeeze %dma_start3A_435 : memref<1x128xi32, #tpu.memory_space<hbm>> -> memref<128xi32, #tpu.memory_space<hbm>>
    tpu.enqueue_dma source(%dma_start3A_436 : memref<128xi32, #tpu.memory_space<hbm>>) target(%dma_start3A_434 : memref<128xi32, #tpu.memory_space<vmem>>) target_semaphore(%arg8 : memref<!tpu.dma_semaphore, #tpu.memory_space<semaphore_mem>>)
    %dma_start3A_437 = arith.constant 31 : i32
    %dma_start3A_438 = arith.constant 0 : i32
    %dma_start3A_439 = tpu.memref_slice %arg5[%dma_start3A_437, %dma_start3A_438] : memref<32x128xi32, #tpu.memory_space<vmem>> -> memref<1x128xi32, #tpu.memory_space<vmem>>
    %dma_start3A_440 = tpu.memref_squeeze %dma_start3A_439 : memref<1x128xi32, #tpu.memory_space<vmem>> -> memref<128xi32, #tpu.memory_space<vmem>>
    %dma_start3A_441 = tpu.memref_slice %arg3[%select_n3A, %add3A_96] : memref<8x16384xi32, #tpu.memory_space<hbm>> -> memref<1x128xi32, #tpu.memory_space<hbm>>
    %dma_start3A_442 = tpu.memref_squeeze %dma_start3A_441 : memref<1x128xi32, #tpu.memory_space<hbm>> -> memref<128xi32, #tpu.memory_space<hbm>>
    %dma_start3A_443 = arith.constant 0 : i32
    %dma_start3A_444 = tpu.memref_slice %arg5[%dma_start3A_437, %dma_start3A_443] : memref<32x128xi32, #tpu.memory_space<vmem>> -> memref<1x128xi32, #tpu.memory_space<vmem>>
    %dma_start3A_445 = tpu.memref_squeeze %dma_start3A_444 : memref<1x128xi32, #tpu.memory_space<vmem>> -> memref<128xi32, #tpu.memory_space<vmem>>
    %dma_start3A_446 = tpu.memref_slice %arg3[%select_n3A, %add3A_96] : memref<8x16384xi32, #tpu.memory_space<hbm>> -> memref<1x128xi32, #tpu.memory_space<hbm>>
    %dma_start3A_447 = tpu.memref_squeeze %dma_start3A_446 : memref<1x128xi32, #tpu.memory_space<hbm>> -> memref<128xi32, #tpu.memory_space<hbm>>
    tpu.enqueue_dma source(%dma_start3A_447 : memref<128xi32, #tpu.memory_space<hbm>>) target(%dma_start3A_445 : memref<128xi32, #tpu.memory_space<vmem>>) target_semaphore(%arg8 : memref<!tpu.dma_semaphore, #tpu.memory_space<semaphore_mem>>)
    %dma_wait3A = arith.constant 0 : i32
    %dma_wait3A_448 = arith.constant 0 : i32
    %dma_wait3A_449 = tpu.memref_slice %arg5[%dma_wait3A, %dma_wait3A_448] : memref<32x128xi32, #tpu.memory_space<vmem>> -> memref<1x128xi32, #tpu.memory_space<vmem>>
    %dma_wait3A_450 = tpu.memref_squeeze %dma_wait3A_449 : memref<1x128xi32, #tpu.memory_space<vmem>> -> memref<128xi32, #tpu.memory_space<vmem>>
    %dma_wait3A_451 = tpu.memref_slice %arg3[%select_n3A, %add3A_34] : memref<8x16384xi32, #tpu.memory_space<hbm>> -> memref<1x128xi32, #tpu.memory_space<hbm>>
    %dma_wait3A_452 = tpu.memref_squeeze %dma_wait3A_451 : memref<1x128xi32, #tpu.memory_space<hbm>> -> memref<128xi32, #tpu.memory_space<hbm>>
    %dma_wait3A_453 = arith.constant 0 : i32
    %dma_wait3A_454 = tpu.memref_slice %arg5[%dma_wait3A, %dma_wait3A_453] : memref<32x128xi32, #tpu.memory_space<vmem>> -> memref<1x128xi32, #tpu.memory_space<vmem>>
    %dma_wait3A_455 = tpu.memref_squeeze %dma_wait3A_454 : memref<1x128xi32, #tpu.memory_space<vmem>> -> memref<128xi32, #tpu.memory_space<vmem>>
    %dma_wait3A_456 = tpu.memref_slice %arg3[%select_n3A, %add3A_34] : memref<8x16384xi32, #tpu.memory_space<hbm>> -> memref<1x128xi32, #tpu.memory_space<hbm>>
    %dma_wait3A_457 = tpu.memref_squeeze %dma_wait3A_456 : memref<1x128xi32, #tpu.memory_space<hbm>> -> memref<128xi32, #tpu.memory_space<hbm>>
    tpu.wait_dma2 semaphore(%arg8 : memref<!tpu.dma_semaphore, #tpu.memory_space<semaphore_mem>>) src(%dma_wait3A_457 : memref<128xi32, #tpu.memory_space<hbm>>) dst(%dma_wait3A_455 : memref<128xi32, #tpu.memory_space<vmem>>)
    %dma_wait3A_458 = arith.constant 1 : i32
    %dma_wait3A_459 = arith.constant 0 : i32
    %dma_wait3A_460 = tpu.memref_slice %arg5[%dma_wait3A_458, %dma_wait3A_459] : memref<32x128xi32, #tpu.memory_space<vmem>> -> memref<1x128xi32, #tpu.memory_space<vmem>>
    %dma_wait3A_461 = tpu.memref_squeeze %dma_wait3A_460 : memref<1x128xi32, #tpu.memory_space<vmem>> -> memref<128xi32, #tpu.memory_space<vmem>>
    %dma_wait3A_462 = tpu.memref_slice %arg3[%select_n3A, %add3A_36] : memref<8x16384xi32, #tpu.memory_space<hbm>> -> memref<1x128xi32, #tpu.memory_space<hbm>>
    %dma_wait3A_463 = tpu.memref_squeeze %dma_wait3A_462 : memref<1x128xi32, #tpu.memory_space<hbm>> -> memref<128xi32, #tpu.memory_space<hbm>>
    %dma_wait3A_464 = arith.constant 0 : i32
    %dma_wait3A_465 = tpu.memref_slice %arg5[%dma_wait3A_458, %dma_wait3A_464] : memref<32x128xi32, #tpu.memory_space<vmem>> -> memref<1x128xi32, #tpu.memory_space<vmem>>
    %dma_wait3A_466 = tpu.memref_squeeze %dma_wait3A_465 : memref<1x128xi32, #tpu.memory_space<vmem>> -> memref<128xi32, #tpu.memory_space<vmem>>
    %dma_wait3A_467 = tpu.memref_slice %arg3[%select_n3A, %add3A_36] : memref<8x16384xi32, #tpu.memory_space<hbm>> -> memref<1x128xi32, #tpu.memory_space<hbm>>
    %dma_wait3A_468 = tpu.memref_squeeze %dma_wait3A_467 : memref<1x128xi32, #tpu.memory_space<hbm>> -> memref<128xi32, #tpu.memory_space<hbm>>
    tpu.wait_dma2 semaphore(%arg8 : memref<!tpu.dma_semaphore, #tpu.memory_space<semaphore_mem>>) src(%dma_wait3A_468 : memref<128xi32, #tpu.memory_space<hbm>>) dst(%dma_wait3A_466 : memref<128xi32, #tpu.memory_space<vmem>>)
    %dma_wait3A_469 = arith.constant 2 : i32
    %dma_wait3A_470 = arith.constant 0 : i32
    %dma_wait3A_471 = tpu.memref_slice %arg5[%dma_wait3A_469, %dma_wait3A_470] : memref<32x128xi32, #tpu.memory_space<vmem>> -> memref<1x128xi32, #tpu.memory_space<vmem>>
    %dma_wait3A_472 = tpu.memref_squeeze %dma_wait3A_471 : memref<1x128xi32, #tpu.memory_space<vmem>> -> memref<128xi32, #tpu.memory_space<vmem>>
    %dma_wait3A_473 = tpu.memref_slice %arg3[%select_n3A, %add3A_38] : memref<8x16384xi32, #tpu.memory_space<hbm>> -> memref<1x128xi32, #tpu.memory_space<hbm>>
    %dma_wait3A_474 = tpu.memref_squeeze %dma_wait3A_473 : memref<1x128xi32, #tpu.memory_space<hbm>> -> memref<128xi32, #tpu.memory_space<hbm>>
    %dma_wait3A_475 = arith.constant 0 : i32
    %dma_wait3A_476 = tpu.memref_slice %arg5[%dma_wait3A_469, %dma_wait3A_475] : memref<32x128xi32, #tpu.memory_space<vmem>> -> memref<1x128xi32, #tpu.memory_space<vmem>>
    %dma_wait3A_477 = tpu.memref_squeeze %dma_wait3A_476 : memref<1x128xi32, #tpu.memory_space<vmem>> -> memref<128xi32, #tpu.memory_space<vmem>>
    %dma_wait3A_478 = tpu.memref_slice %arg3[%select_n3A, %add3A_38] : memref<8x16384xi32, #tpu.memory_space<hbm>> -> memref<1x128xi32, #tpu.memory_space<hbm>>
    %dma_wait3A_479 = tpu.memref_squeeze %dma_wait3A_478 : memref<1x128xi32, #tpu.memory_space<hbm>> -> memref<128xi32, #tpu.memory_space<hbm>>
    tpu.wait_dma2 semaphore(%arg8 : memref<!tpu.dma_semaphore, #tpu.memory_space<semaphore_mem>>) src(%dma_wait3A_479 : memref<128xi32, #tpu.memory_space<hbm>>) dst(%dma_wait3A_477 : memref<128xi32, #tpu.memory_space<vmem>>)
    %dma_wait3A_480 = arith.constant 3 : i32
    %dma_wait3A_481 = arith.constant 0 : i32
    %dma_wait3A_482 = tpu.memref_slice %arg5[%dma_wait3A_480, %dma_wait3A_481] : memref<32x128xi32, #tpu.memory_space<vmem>> -> memref<1x128xi32, #tpu.memory_space<vmem>>
    %dma_wait3A_483 = tpu.memref_squeeze %dma_wait3A_482 : memref<1x128xi32, #tpu.memory_space<vmem>> -> memref<128xi32, #tpu.memory_space<vmem>>
    %dma_wait3A_484 = tpu.memref_slice %arg3[%select_n3A, %add3A_40] : memref<8x16384xi32, #tpu.memory_space<hbm>> -> memref<1x128xi32, #tpu.memory_space<hbm>>
    %dma_wait3A_485 = tpu.memref_squeeze %dma_wait3A_484 : memref<1x128xi32, #tpu.memory_space<hbm>> -> memref<128xi32, #tpu.memory_space<hbm>>
    %dma_wait3A_486 = arith.constant 0 : i32
    %dma_wait3A_487 = tpu.memref_slice %arg5[%dma_wait3A_480, %dma_wait3A_486] : memref<32x128xi32, #tpu.memory_space<vmem>> -> memref<1x128xi32, #tpu.memory_space<vmem>>
    %dma_wait3A_488 = tpu.memref_squeeze %dma_wait3A_487 : memref<1x128xi32, #tpu.memory_space<vmem>> -> memref<128xi32, #tpu.memory_space<vmem>>
    %dma_wait3A_489 = tpu.memref_slice %arg3[%select_n3A, %add3A_40] : memref<8x16384xi32, #tpu.memory_space<hbm>> -> memref<1x128xi32, #tpu.memory_space<hbm>>
    %dma_wait3A_490 = tpu.memref_squeeze %dma_wait3A_489 : memref<1x128xi32, #tpu.memory_space<hbm>> -> memref<128xi32, #tpu.memory_space<hbm>>
    tpu.wait_dma2 semaphore(%arg8 : memref<!tpu.dma_semaphore, #tpu.memory_space<semaphore_mem>>) src(%dma_wait3A_490 : memref<128xi32, #tpu.memory_space<hbm>>) dst(%dma_wait3A_488 : memref<128xi32, #tpu.memory_space<vmem>>)
    %dma_wait3A_491 = arith.constant 4 : i32
    %dma_wait3A_492 = arith.constant 0 : i32
    %dma_wait3A_493 = tpu.memref_slice %arg5[%dma_wait3A_491, %dma_wait3A_492] : memref<32x128xi32, #tpu.memory_space<vmem>> -> memref<1x128xi32, #tpu.memory_space<vmem>>
    %dma_wait3A_494 = tpu.memref_squeeze %dma_wait3A_493 : memref<1x128xi32, #tpu.memory_space<vmem>> -> memref<128xi32, #tpu.memory_space<vmem>>
    %dma_wait3A_495 = tpu.memref_slice %arg3[%select_n3A, %add3A_42] : memref<8x16384xi32, #tpu.memory_space<hbm>> -> memref<1x128xi32, #tpu.memory_space<hbm>>
    %dma_wait3A_496 = tpu.memref_squeeze %dma_wait3A_495 : memref<1x128xi32, #tpu.memory_space<hbm>> -> memref<128xi32, #tpu.memory_space<hbm>>
    %dma_wait3A_497 = arith.constant 0 : i32
    %dma_wait3A_498 = tpu.memref_slice %arg5[%dma_wait3A_491, %dma_wait3A_497] : memref<32x128xi32, #tpu.memory_space<vmem>> -> memref<1x128xi32, #tpu.memory_space<vmem>>
    %dma_wait3A_499 = tpu.memref_squeeze %dma_wait3A_498 : memref<1x128xi32, #tpu.memory_space<vmem>> -> memref<128xi32, #tpu.memory_space<vmem>>
    %dma_wait3A_500 = tpu.memref_slice %arg3[%select_n3A, %add3A_42] : memref<8x16384xi32, #tpu.memory_space<hbm>> -> memref<1x128xi32, #tpu.memory_space<hbm>>
    %dma_wait3A_501 = tpu.memref_squeeze %dma_wait3A_500 : memref<1x128xi32, #tpu.memory_space<hbm>> -> memref<128xi32, #tpu.memory_space<hbm>>
    tpu.wait_dma2 semaphore(%arg8 : memref<!tpu.dma_semaphore, #tpu.memory_space<semaphore_mem>>) src(%dma_wait3A_501 : memref<128xi32, #tpu.memory_space<hbm>>) dst(%dma_wait3A_499 : memref<128xi32, #tpu.memory_space<vmem>>)
    %dma_wait3A_502 = arith.constant 5 : i32
    %dma_wait3A_503 = arith.constant 0 : i32
    %dma_wait3A_504 = tpu.memref_slice %arg5[%dma_wait3A_502, %dma_wait3A_503] : memref<32x128xi32, #tpu.memory_space<vmem>> -> memref<1x128xi32, #tpu.memory_space<vmem>>
    %dma_wait3A_505 = tpu.memref_squeeze %dma_wait3A_504 : memref<1x128xi32, #tpu.memory_space<vmem>> -> memref<128xi32, #tpu.memory_space<vmem>>
    %dma_wait3A_506 = tpu.memref_slice %arg3[%select_n3A, %add3A_44] : memref<8x16384xi32, #tpu.memory_space<hbm>> -> memref<1x128xi32, #tpu.memory_space<hbm>>
    %dma_wait3A_507 = tpu.memref_squeeze %dma_wait3A_506 : memref<1x128xi32, #tpu.memory_space<hbm>> -> memref<128xi32, #tpu.memory_space<hbm>>
    %dma_wait3A_508 = arith.constant 0 : i32
    %dma_wait3A_509 = tpu.memref_slice %arg5[%dma_wait3A_502, %dma_wait3A_508] : memref<32x128xi32, #tpu.memory_space<vmem>> -> memref<1x128xi32, #tpu.memory_space<vmem>>
    %dma_wait3A_510 = tpu.memref_squeeze %dma_wait3A_509 : memref<1x128xi32, #tpu.memory_space<vmem>> -> memref<128xi32, #tpu.memory_space<vmem>>
    %dma_wait3A_511 = tpu.memref_slice %arg3[%select_n3A, %add3A_44] : memref<8x16384xi32, #tpu.memory_space<hbm>> -> memref<1x128xi32, #tpu.memory_space<hbm>>
    %dma_wait3A_512 = tpu.memref_squeeze %dma_wait3A_511 : memref<1x128xi32, #tpu.memory_space<hbm>> -> memref<128xi32, #tpu.memory_space<hbm>>
    tpu.wait_dma2 semaphore(%arg8 : memref<!tpu.dma_semaphore, #tpu.memory_space<semaphore_mem>>) src(%dma_wait3A_512 : memref<128xi32, #tpu.memory_space<hbm>>) dst(%dma_wait3A_510 : memref<128xi32, #tpu.memory_space<vmem>>)
    %dma_wait3A_513 = arith.constant 6 : i32
    %dma_wait3A_514 = arith.constant 0 : i32
    %dma_wait3A_515 = tpu.memref_slice %arg5[%dma_wait3A_513, %dma_wait3A_514] : memref<32x128xi32, #tpu.memory_space<vmem>> -> memref<1x128xi32, #tpu.memory_space<vmem>>
    %dma_wait3A_516 = tpu.memref_squeeze %dma_wait3A_515 : memref<1x128xi32, #tpu.memory_space<vmem>> -> memref<128xi32, #tpu.memory_space<vmem>>
    %dma_wait3A_517 = tpu.memref_slice %arg3[%select_n3A, %add3A_46] : memref<8x16384xi32, #tpu.memory_space<hbm>> -> memref<1x128xi32, #tpu.memory_space<hbm>>
    %dma_wait3A_518 = tpu.memref_squeeze %dma_wait3A_517 : memref<1x128xi32, #tpu.memory_space<hbm>> -> memref<128xi32, #tpu.memory_space<hbm>>
    %dma_wait3A_519 = arith.constant 0 : i32
    %dma_wait3A_520 = tpu.memref_slice %arg5[%dma_wait3A_513, %dma_wait3A_519] : memref<32x128xi32, #tpu.memory_space<vmem>> -> memref<1x128xi32, #tpu.memory_space<vmem>>
    %dma_wait3A_521 = tpu.memref_squeeze %dma_wait3A_520 : memref<1x128xi32, #tpu.memory_space<vmem>> -> memref<128xi32, #tpu.memory_space<vmem>>
    %dma_wait3A_522 = tpu.memref_slice %arg3[%select_n3A, %add3A_46] : memref<8x16384xi32, #tpu.memory_space<hbm>> -> memref<1x128xi32, #tpu.memory_space<hbm>>
    %dma_wait3A_523 = tpu.memref_squeeze %dma_wait3A_522 : memref<1x128xi32, #tpu.memory_space<hbm>> -> memref<128xi32, #tpu.memory_space<hbm>>
    tpu.wait_dma2 semaphore(%arg8 : memref<!tpu.dma_semaphore, #tpu.memory_space<semaphore_mem>>) src(%dma_wait3A_523 : memref<128xi32, #tpu.memory_space<hbm>>) dst(%dma_wait3A_521 : memref<128xi32, #tpu.memory_space<vmem>>)
    %dma_wait3A_524 = arith.constant 7 : i32
    %dma_wait3A_525 = arith.constant 0 : i32
    %dma_wait3A_526 = tpu.memref_slice %arg5[%dma_wait3A_524, %dma_wait3A_525] : memref<32x128xi32, #tpu.memory_space<vmem>> -> memref<1x128xi32, #tpu.memory_space<vmem>>
    %dma_wait3A_527 = tpu.memref_squeeze %dma_wait3A_526 : memref<1x128xi32, #tpu.memory_space<vmem>> -> memref<128xi32, #tpu.memory_space<vmem>>
    %dma_wait3A_528 = tpu.memref_slice %arg3[%select_n3A, %add3A_48] : memref<8x16384xi32, #tpu.memory_space<hbm>> -> memref<1x128xi32, #tpu.memory_space<hbm>>
    %dma_wait3A_529 = tpu.memref_squeeze %dma_wait3A_528 : memref<1x128xi32, #tpu.memory_space<hbm>> -> memref<128xi32, #tpu.memory_space<hbm>>
    %dma_wait3A_530 = arith.constant 0 : i32
    %dma_wait3A_531 = tpu.memref_slice %arg5[%dma_wait3A_524, %dma_wait3A_530] : memref<32x128xi32, #tpu.memory_space<vmem>> -> memref<1x128xi32, #tpu.memory_space<vmem>>
    %dma_wait3A_532 = tpu.memref_squeeze %dma_wait3A_531 : memref<1x128xi32, #tpu.memory_space<vmem>> -> memref<128xi32, #tpu.memory_space<vmem>>
    %dma_wait3A_533 = tpu.memref_slice %arg3[%select_n3A, %add3A_48] : memref<8x16384xi32, #tpu.memory_space<hbm>> -> memref<1x128xi32, #tpu.memory_space<hbm>>
    %dma_wait3A_534 = tpu.memref_squeeze %dma_wait3A_533 : memref<1x128xi32, #tpu.memory_space<hbm>> -> memref<128xi32, #tpu.memory_space<hbm>>
    tpu.wait_dma2 semaphore(%arg8 : memref<!tpu.dma_semaphore, #tpu.memory_space<semaphore_mem>>) src(%dma_wait3A_534 : memref<128xi32, #tpu.memory_space<hbm>>) dst(%dma_wait3A_532 : memref<128xi32, #tpu.memory_space<vmem>>)
    %dma_wait3A_535 = arith.constant 8 : i32
    %dma_wait3A_536 = arith.constant 0 : i32
    %dma_wait3A_537 = tpu.memref_slice %arg5[%dma_wait3A_535, %dma_wait3A_536] : memref<32x128xi32, #tpu.memory_space<vmem>> -> memref<1x128xi32, #tpu.memory_space<vmem>>
    %dma_wait3A_538 = tpu.memref_squeeze %dma_wait3A_537 : memref<1x128xi32, #tpu.memory_space<vmem>> -> memref<128xi32, #tpu.memory_space<vmem>>
    %dma_wait3A_539 = tpu.memref_slice %arg3[%select_n3A, %add3A_50] : memref<8x16384xi32, #tpu.memory_space<hbm>> -> memref<1x128xi32, #tpu.memory_space<hbm>>
    %dma_wait3A_540 = tpu.memref_squeeze %dma_wait3A_539 : memref<1x128xi32, #tpu.memory_space<hbm>> -> memref<128xi32, #tpu.memory_space<hbm>>
    %dma_wait3A_541 = arith.constant 0 : i32
    %dma_wait3A_542 = tpu.memref_slice %arg5[%dma_wait3A_535, %dma_wait3A_541] : memref<32x128xi32, #tpu.memory_space<vmem>> -> memref<1x128xi32, #tpu.memory_space<vmem>>
    %dma_wait3A_543 = tpu.memref_squeeze %dma_wait3A_542 : memref<1x128xi32, #tpu.memory_space<vmem>> -> memref<128xi32, #tpu.memory_space<vmem>>
    %dma_wait3A_544 = tpu.memref_slice %arg3[%select_n3A, %add3A_50] : memref<8x16384xi32, #tpu.memory_space<hbm>> -> memref<1x128xi32, #tpu.memory_space<hbm>>
    %dma_wait3A_545 = tpu.memref_squeeze %dma_wait3A_544 : memref<1x128xi32, #tpu.memory_space<hbm>> -> memref<128xi32, #tpu.memory_space<hbm>>
    tpu.wait_dma2 semaphore(%arg8 : memref<!tpu.dma_semaphore, #tpu.memory_space<semaphore_mem>>) src(%dma_wait3A_545 : memref<128xi32, #tpu.memory_space<hbm>>) dst(%dma_wait3A_543 : memref<128xi32, #tpu.memory_space<vmem>>)
    %dma_wait3A_546 = arith.constant 9 : i32
    %dma_wait3A_547 = arith.constant 0 : i32
    %dma_wait3A_548 = tpu.memref_slice %arg5[%dma_wait3A_546, %dma_wait3A_547] : memref<32x128xi32, #tpu.memory_space<vmem>> -> memref<1x128xi32, #tpu.memory_space<vmem>>
    %dma_wait3A_549 = tpu.memref_squeeze %dma_wait3A_548 : memref<1x128xi32, #tpu.memory_space<vmem>> -> memref<128xi32, #tpu.memory_space<vmem>>
    %dma_wait3A_550 = tpu.memref_slice %arg3[%select_n3A, %add3A_52] : memref<8x16384xi32, #tpu.memory_space<hbm>> -> memref<1x128xi32, #tpu.memory_space<hbm>>
    %dma_wait3A_551 = tpu.memref_squeeze %dma_wait3A_550 : memref<1x128xi32, #tpu.memory_space<hbm>> -> memref<128xi32, #tpu.memory_space<hbm>>
    %dma_wait3A_552 = arith.constant 0 : i32
    %dma_wait3A_553 = tpu.memref_slice %arg5[%dma_wait3A_546, %dma_wait3A_552] : memref<32x128xi32, #tpu.memory_space<vmem>> -> memref<1x128xi32, #tpu.memory_space<vmem>>
    %dma_wait3A_554 = tpu.memref_squeeze %dma_wait3A_553 : memref<1x128xi32, #tpu.memory_space<vmem>> -> memref<128xi32, #tpu.memory_space<vmem>>
    %dma_wait3A_555 = tpu.memref_slice %arg3[%select_n3A, %add3A_52] : memref<8x16384xi32, #tpu.memory_space<hbm>> -> memref<1x128xi32, #tpu.memory_space<hbm>>
    %dma_wait3A_556 = tpu.memref_squeeze %dma_wait3A_555 : memref<1x128xi32, #tpu.memory_space<hbm>> -> memref<128xi32, #tpu.memory_space<hbm>>
    tpu.wait_dma2 semaphore(%arg8 : memref<!tpu.dma_semaphore, #tpu.memory_space<semaphore_mem>>) src(%dma_wait3A_556 : memref<128xi32, #tpu.memory_space<hbm>>) dst(%dma_wait3A_554 : memref<128xi32, #tpu.memory_space<vmem>>)
    %dma_wait3A_557 = arith.constant 10 : i32
    %dma_wait3A_558 = arith.constant 0 : i32
    %dma_wait3A_559 = tpu.memref_slice %arg5[%dma_wait3A_557, %dma_wait3A_558] : memref<32x128xi32, #tpu.memory_space<vmem>> -> memref<1x128xi32, #tpu.memory_space<vmem>>
    %dma_wait3A_560 = tpu.memref_squeeze %dma_wait3A_559 : memref<1x128xi32, #tpu.memory_space<vmem>> -> memref<128xi32, #tpu.memory_space<vmem>>
    %dma_wait3A_561 = tpu.memref_slice %arg3[%select_n3A, %add3A_54] : memref<8x16384xi32, #tpu.memory_space<hbm>> -> memref<1x128xi32, #tpu.memory_space<hbm>>
    %dma_wait3A_562 = tpu.memref_squeeze %dma_wait3A_561 : memref<1x128xi32, #tpu.memory_space<hbm>> -> memref<128xi32, #tpu.memory_space<hbm>>
    %dma_wait3A_563 = arith.constant 0 : i32
    %dma_wait3A_564 = tpu.memref_slice %arg5[%dma_wait3A_557, %dma_wait3A_563] : memref<32x128xi32, #tpu.memory_space<vmem>> -> memref<1x128xi32, #tpu.memory_space<vmem>>
    %dma_wait3A_565 = tpu.memref_squeeze %dma_wait3A_564 : memref<1x128xi32, #tpu.memory_space<vmem>> -> memref<128xi32, #tpu.memory_space<vmem>>
    %dma_wait3A_566 = tpu.memref_slice %arg3[%select_n3A, %add3A_54] : memref<8x16384xi32, #tpu.memory_space<hbm>> -> memref<1x128xi32, #tpu.memory_space<hbm>>
    %dma_wait3A_567 = tpu.memref_squeeze %dma_wait3A_566 : memref<1x128xi32, #tpu.memory_space<hbm>> -> memref<128xi32, #tpu.memory_space<hbm>>
    tpu.wait_dma2 semaphore(%arg8 : memref<!tpu.dma_semaphore, #tpu.memory_space<semaphore_mem>>) src(%dma_wait3A_567 : memref<128xi32, #tpu.memory_space<hbm>>) dst(%dma_wait3A_565 : memref<128xi32, #tpu.memory_space<vmem>>)
    %dma_wait3A_568 = arith.constant 11 : i32
    %dma_wait3A_569 = arith.constant 0 : i32
    %dma_wait3A_570 = tpu.memref_slice %arg5[%dma_wait3A_568, %dma_wait3A_569] : memref<32x128xi32, #tpu.memory_space<vmem>> -> memref<1x128xi32, #tpu.memory_space<vmem>>
    %dma_wait3A_571 = tpu.memref_squeeze %dma_wait3A_570 : memref<1x128xi32, #tpu.memory_space<vmem>> -> memref<128xi32, #tpu.memory_space<vmem>>
    %dma_wait3A_572 = tpu.memref_slice %arg3[%select_n3A, %add3A_56] : memref<8x16384xi32, #tpu.memory_space<hbm>> -> memref<1x128xi32, #tpu.memory_space<hbm>>
    %dma_wait3A_573 = tpu.memref_squeeze %dma_wait3A_572 : memref<1x128xi32, #tpu.memory_space<hbm>> -> memref<128xi32, #tpu.memory_space<hbm>>
    %dma_wait3A_574 = arith.constant 0 : i32
    %dma_wait3A_575 = tpu.memref_slice %arg5[%dma_wait3A_568, %dma_wait3A_574] : memref<32x128xi32, #tpu.memory_space<vmem>> -> memref<1x128xi32, #tpu.memory_space<vmem>>
    %dma_wait3A_576 = tpu.memref_squeeze %dma_wait3A_575 : memref<1x128xi32, #tpu.memory_space<vmem>> -> memref<128xi32, #tpu.memory_space<vmem>>
    %dma_wait3A_577 = tpu.memref_slice %arg3[%select_n3A, %add3A_56] : memref<8x16384xi32, #tpu.memory_space<hbm>> -> memref<1x128xi32, #tpu.memory_space<hbm>>
    %dma_wait3A_578 = tpu.memref_squeeze %dma_wait3A_577 : memref<1x128xi32, #tpu.memory_space<hbm>> -> memref<128xi32, #tpu.memory_space<hbm>>
    tpu.wait_dma2 semaphore(%arg8 : memref<!tpu.dma_semaphore, #tpu.memory_space<semaphore_mem>>) src(%dma_wait3A_578 : memref<128xi32, #tpu.memory_space<hbm>>) dst(%dma_wait3A_576 : memref<128xi32, #tpu.memory_space<vmem>>)
    %dma_wait3A_579 = arith.constant 12 : i32
    %dma_wait3A_580 = arith.constant 0 : i32
    %dma_wait3A_581 = tpu.memref_slice %arg5[%dma_wait3A_579, %dma_wait3A_580] : memref<32x128xi32, #tpu.memory_space<vmem>> -> memref<1x128xi32, #tpu.memory_space<vmem>>
    %dma_wait3A_582 = tpu.memref_squeeze %dma_wait3A_581 : memref<1x128xi32, #tpu.memory_space<vmem>> -> memref<128xi32, #tpu.memory_space<vmem>>
    %dma_wait3A_583 = tpu.memref_slice %arg3[%select_n3A, %add3A_58] : memref<8x16384xi32, #tpu.memory_space<hbm>> -> memref<1x128xi32, #tpu.memory_space<hbm>>
    %dma_wait3A_584 = tpu.memref_squeeze %dma_wait3A_583 : memref<1x128xi32, #tpu.memory_space<hbm>> -> memref<128xi32, #tpu.memory_space<hbm>>
    %dma_wait3A_585 = arith.constant 0 : i32
    %dma_wait3A_586 = tpu.memref_slice %arg5[%dma_wait3A_579, %dma_wait3A_585] : memref<32x128xi32, #tpu.memory_space<vmem>> -> memref<1x128xi32, #tpu.memory_space<vmem>>
    %dma_wait3A_587 = tpu.memref_squeeze %dma_wait3A_586 : memref<1x128xi32, #tpu.memory_space<vmem>> -> memref<128xi32, #tpu.memory_space<vmem>>
    %dma_wait3A_588 = tpu.memref_slice %arg3[%select_n3A, %add3A_58] : memref<8x16384xi32, #tpu.memory_space<hbm>> -> memref<1x128xi32, #tpu.memory_space<hbm>>
    %dma_wait3A_589 = tpu.memref_squeeze %dma_wait3A_588 : memref<1x128xi32, #tpu.memory_space<hbm>> -> memref<128xi32, #tpu.memory_space<hbm>>
    tpu.wait_dma2 semaphore(%arg8 : memref<!tpu.dma_semaphore, #tpu.memory_space<semaphore_mem>>) src(%dma_wait3A_589 : memref<128xi32, #tpu.memory_space<hbm>>) dst(%dma_wait3A_587 : memref<128xi32, #tpu.memory_space<vmem>>)
    %dma_wait3A_590 = arith.constant 13 : i32
    %dma_wait3A_591 = arith.constant 0 : i32
    %dma_wait3A_592 = tpu.memref_slice %arg5[%dma_wait3A_590, %dma_wait3A_591] : memref<32x128xi32, #tpu.memory_space<vmem>> -> memref<1x128xi32, #tpu.memory_space<vmem>>
    %dma_wait3A_593 = tpu.memref_squeeze %dma_wait3A_592 : memref<1x128xi32, #tpu.memory_space<vmem>> -> memref<128xi32, #tpu.memory_space<vmem>>
    %dma_wait3A_594 = tpu.memref_slice %arg3[%select_n3A, %add3A_60] : memref<8x16384xi32, #tpu.memory_space<hbm>> -> memref<1x128xi32, #tpu.memory_space<hbm>>
    %dma_wait3A_595 = tpu.memref_squeeze %dma_wait3A_594 : memref<1x128xi32, #tpu.memory_space<hbm>> -> memref<128xi32, #tpu.memory_space<hbm>>
    %dma_wait3A_596 = arith.constant 0 : i32
    %dma_wait3A_597 = tpu.memref_slice %arg5[%dma_wait3A_590, %dma_wait3A_596] : memref<32x128xi32, #tpu.memory_space<vmem>> -> memref<1x128xi32, #tpu.memory_space<vmem>>
    %dma_wait3A_598 = tpu.memref_squeeze %dma_wait3A_597 : memref<1x128xi32, #tpu.memory_space<vmem>> -> memref<128xi32, #tpu.memory_space<vmem>>
    %dma_wait3A_599 = tpu.memref_slice %arg3[%select_n3A, %add3A_60] : memref<8x16384xi32, #tpu.memory_space<hbm>> -> memref<1x128xi32, #tpu.memory_space<hbm>>
    %dma_wait3A_600 = tpu.memref_squeeze %dma_wait3A_599 : memref<1x128xi32, #tpu.memory_space<hbm>> -> memref<128xi32, #tpu.memory_space<hbm>>
    tpu.wait_dma2 semaphore(%arg8 : memref<!tpu.dma_semaphore, #tpu.memory_space<semaphore_mem>>) src(%dma_wait3A_600 : memref<128xi32, #tpu.memory_space<hbm>>) dst(%dma_wait3A_598 : memref<128xi32, #tpu.memory_space<vmem>>)
    %dma_wait3A_601 = arith.constant 14 : i32
    %dma_wait3A_602 = arith.constant 0 : i32
    %dma_wait3A_603 = tpu.memref_slice %arg5[%dma_wait3A_601, %dma_wait3A_602] : memref<32x128xi32, #tpu.memory_space<vmem>> -> memref<1x128xi32, #tpu.memory_space<vmem>>
    %dma_wait3A_604 = tpu.memref_squeeze %dma_wait3A_603 : memref<1x128xi32, #tpu.memory_space<vmem>> -> memref<128xi32, #tpu.memory_space<vmem>>
    %dma_wait3A_605 = tpu.memref_slice %arg3[%select_n3A, %add3A_62] : memref<8x16384xi32, #tpu.memory_space<hbm>> -> memref<1x128xi32, #tpu.memory_space<hbm>>
    %dma_wait3A_606 = tpu.memref_squeeze %dma_wait3A_605 : memref<1x128xi32, #tpu.memory_space<hbm>> -> memref<128xi32, #tpu.memory_space<hbm>>
    %dma_wait3A_607 = arith.constant 0 : i32
    %dma_wait3A_608 = tpu.memref_slice %arg5[%dma_wait3A_601, %dma_wait3A_607] : memref<32x128xi32, #tpu.memory_space<vmem>> -> memref<1x128xi32, #tpu.memory_space<vmem>>
    %dma_wait3A_609 = tpu.memref_squeeze %dma_wait3A_608 : memref<1x128xi32, #tpu.memory_space<vmem>> -> memref<128xi32, #tpu.memory_space<vmem>>
    %dma_wait3A_610 = tpu.memref_slice %arg3[%select_n3A, %add3A_62] : memref<8x16384xi32, #tpu.memory_space<hbm>> -> memref<1x128xi32, #tpu.memory_space<hbm>>
    %dma_wait3A_611 = tpu.memref_squeeze %dma_wait3A_610 : memref<1x128xi32, #tpu.memory_space<hbm>> -> memref<128xi32, #tpu.memory_space<hbm>>
    tpu.wait_dma2 semaphore(%arg8 : memref<!tpu.dma_semaphore, #tpu.memory_space<semaphore_mem>>) src(%dma_wait3A_611 : memref<128xi32, #tpu.memory_space<hbm>>) dst(%dma_wait3A_609 : memref<128xi32, #tpu.memory_space<vmem>>)
    %dma_wait3A_612 = arith.constant 15 : i32
    %dma_wait3A_613 = arith.constant 0 : i32
    %dma_wait3A_614 = tpu.memref_slice %arg5[%dma_wait3A_612, %dma_wait3A_613] : memref<32x128xi32, #tpu.memory_space<vmem>> -> memref<1x128xi32, #tpu.memory_space<vmem>>
    %dma_wait3A_615 = tpu.memref_squeeze %dma_wait3A_614 : memref<1x128xi32, #tpu.memory_space<vmem>> -> memref<128xi32, #tpu.memory_space<vmem>>
    %dma_wait3A_616 = tpu.memref_slice %arg3[%select_n3A, %add3A_64] : memref<8x16384xi32, #tpu.memory_space<hbm>> -> memref<1x128xi32, #tpu.memory_space<hbm>>
    %dma_wait3A_617 = tpu.memref_squeeze %dma_wait3A_616 : memref<1x128xi32, #tpu.memory_space<hbm>> -> memref<128xi32, #tpu.memory_space<hbm>>
    %dma_wait3A_618 = arith.constant 0 : i32
    %dma_wait3A_619 = tpu.memref_slice %arg5[%dma_wait3A_612, %dma_wait3A_618] : memref<32x128xi32, #tpu.memory_space<vmem>> -> memref<1x128xi32, #tpu.memory_space<vmem>>
    %dma_wait3A_620 = tpu.memref_squeeze %dma_wait3A_619 : memref<1x128xi32, #tpu.memory_space<vmem>> -> memref<128xi32, #tpu.memory_space<vmem>>
    %dma_wait3A_621 = tpu.memref_slice %arg3[%select_n3A, %add3A_64] : memref<8x16384xi32, #tpu.memory_space<hbm>> -> memref<1x128xi32, #tpu.memory_space<hbm>>
    %dma_wait3A_622 = tpu.memref_squeeze %dma_wait3A_621 : memref<1x128xi32, #tpu.memory_space<hbm>> -> memref<128xi32, #tpu.memory_space<hbm>>
    tpu.wait_dma2 semaphore(%arg8 : memref<!tpu.dma_semaphore, #tpu.memory_space<semaphore_mem>>) src(%dma_wait3A_622 : memref<128xi32, #tpu.memory_space<hbm>>) dst(%dma_wait3A_620 : memref<128xi32, #tpu.memory_space<vmem>>)
    %dma_wait3A_623 = arith.constant 16 : i32
    %dma_wait3A_624 = arith.constant 0 : i32
    %dma_wait3A_625 = tpu.memref_slice %arg5[%dma_wait3A_623, %dma_wait3A_624] : memref<32x128xi32, #tpu.memory_space<vmem>> -> memref<1x128xi32, #tpu.memory_space<vmem>>
    %dma_wait3A_626 = tpu.memref_squeeze %dma_wait3A_625 : memref<1x128xi32, #tpu.memory_space<vmem>> -> memref<128xi32, #tpu.memory_space<vmem>>
    %dma_wait3A_627 = tpu.memref_slice %arg3[%select_n3A, %add3A_66] : memref<8x16384xi32, #tpu.memory_space<hbm>> -> memref<1x128xi32, #tpu.memory_space<hbm>>
    %dma_wait3A_628 = tpu.memref_squeeze %dma_wait3A_627 : memref<1x128xi32, #tpu.memory_space<hbm>> -> memref<128xi32, #tpu.memory_space<hbm>>
    %dma_wait3A_629 = arith.constant 0 : i32
    %dma_wait3A_630 = tpu.memref_slice %arg5[%dma_wait3A_623, %dma_wait3A_629] : memref<32x128xi32, #tpu.memory_space<vmem>> -> memref<1x128xi32, #tpu.memory_space<vmem>>
    %dma_wait3A_631 = tpu.memref_squeeze %dma_wait3A_630 : memref<1x128xi32, #tpu.memory_space<vmem>> -> memref<128xi32, #tpu.memory_space<vmem>>
    %dma_wait3A_632 = tpu.memref_slice %arg3[%select_n3A, %add3A_66] : memref<8x16384xi32, #tpu.memory_space<hbm>> -> memref<1x128xi32, #tpu.memory_space<hbm>>
    %dma_wait3A_633 = tpu.memref_squeeze %dma_wait3A_632 : memref<1x128xi32, #tpu.memory_space<hbm>> -> memref<128xi32, #tpu.memory_space<hbm>>
    tpu.wait_dma2 semaphore(%arg8 : memref<!tpu.dma_semaphore, #tpu.memory_space<semaphore_mem>>) src(%dma_wait3A_633 : memref<128xi32, #tpu.memory_space<hbm>>) dst(%dma_wait3A_631 : memref<128xi32, #tpu.memory_space<vmem>>)
    %dma_wait3A_634 = arith.constant 17 : i32
    %dma_wait3A_635 = arith.constant 0 : i32
    %dma_wait3A_636 = tpu.memref_slice %arg5[%dma_wait3A_634, %dma_wait3A_635] : memref<32x128xi32, #tpu.memory_space<vmem>> -> memref<1x128xi32, #tpu.memory_space<vmem>>
    %dma_wait3A_637 = tpu.memref_squeeze %dma_wait3A_636 : memref<1x128xi32, #tpu.memory_space<vmem>> -> memref<128xi32, #tpu.memory_space<vmem>>
    %dma_wait3A_638 = tpu.memref_slice %arg3[%select_n3A, %add3A_68] : memref<8x16384xi32, #tpu.memory_space<hbm>> -> memref<1x128xi32, #tpu.memory_space<hbm>>
    %dma_wait3A_639 = tpu.memref_squeeze %dma_wait3A_638 : memref<1x128xi32, #tpu.memory_space<hbm>> -> memref<128xi32, #tpu.memory_space<hbm>>
    %dma_wait3A_640 = arith.constant 0 : i32
    %dma_wait3A_641 = tpu.memref_slice %arg5[%dma_wait3A_634, %dma_wait3A_640] : memref<32x128xi32, #tpu.memory_space<vmem>> -> memref<1x128xi32, #tpu.memory_space<vmem>>
    %dma_wait3A_642 = tpu.memref_squeeze %dma_wait3A_641 : memref<1x128xi32, #tpu.memory_space<vmem>> -> memref<128xi32, #tpu.memory_space<vmem>>
    %dma_wait3A_643 = tpu.memref_slice %arg3[%select_n3A, %add3A_68] : memref<8x16384xi32, #tpu.memory_space<hbm>> -> memref<1x128xi32, #tpu.memory_space<hbm>>
    %dma_wait3A_644 = tpu.memref_squeeze %dma_wait3A_643 : memref<1x128xi32, #tpu.memory_space<hbm>> -> memref<128xi32, #tpu.memory_space<hbm>>
    tpu.wait_dma2 semaphore(%arg8 : memref<!tpu.dma_semaphore, #tpu.memory_space<semaphore_mem>>) src(%dma_wait3A_644 : memref<128xi32, #tpu.memory_space<hbm>>) dst(%dma_wait3A_642 : memref<128xi32, #tpu.memory_space<vmem>>)
    %dma_wait3A_645 = arith.constant 18 : i32
    %dma_wait3A_646 = arith.constant 0 : i32
    %dma_wait3A_647 = tpu.memref_slice %arg5[%dma_wait3A_645, %dma_wait3A_646] : memref<32x128xi32, #tpu.memory_space<vmem>> -> memref<1x128xi32, #tpu.memory_space<vmem>>
    %dma_wait3A_648 = tpu.memref_squeeze %dma_wait3A_647 : memref<1x128xi32, #tpu.memory_space<vmem>> -> memref<128xi32, #tpu.memory_space<vmem>>
    %dma_wait3A_649 = tpu.memref_slice %arg3[%select_n3A, %add3A_70] : memref<8x16384xi32, #tpu.memory_space<hbm>> -> memref<1x128xi32, #tpu.memory_space<hbm>>
    %dma_wait3A_650 = tpu.memref_squeeze %dma_wait3A_649 : memref<1x128xi32, #tpu.memory_space<hbm>> -> memref<128xi32, #tpu.memory_space<hbm>>
    %dma_wait3A_651 = arith.constant 0 : i32
    %dma_wait3A_652 = tpu.memref_slice %arg5[%dma_wait3A_645, %dma_wait3A_651] : memref<32x128xi32, #tpu.memory_space<vmem>> -> memref<1x128xi32, #tpu.memory_space<vmem>>
    %dma_wait3A_653 = tpu.memref_squeeze %dma_wait3A_652 : memref<1x128xi32, #tpu.memory_space<vmem>> -> memref<128xi32, #tpu.memory_space<vmem>>
    %dma_wait3A_654 = tpu.memref_slice %arg3[%select_n3A, %add3A_70] : memref<8x16384xi32, #tpu.memory_space<hbm>> -> memref<1x128xi32, #tpu.memory_space<hbm>>
    %dma_wait3A_655 = tpu.memref_squeeze %dma_wait3A_654 : memref<1x128xi32, #tpu.memory_space<hbm>> -> memref<128xi32, #tpu.memory_space<hbm>>
    tpu.wait_dma2 semaphore(%arg8 : memref<!tpu.dma_semaphore, #tpu.memory_space<semaphore_mem>>) src(%dma_wait3A_655 : memref<128xi32, #tpu.memory_space<hbm>>) dst(%dma_wait3A_653 : memref<128xi32, #tpu.memory_space<vmem>>)
    %dma_wait3A_656 = arith.constant 19 : i32
    %dma_wait3A_657 = arith.constant 0 : i32
    %dma_wait3A_658 = tpu.memref_slice %arg5[%dma_wait3A_656, %dma_wait3A_657] : memref<32x128xi32, #tpu.memory_space<vmem>> -> memref<1x128xi32, #tpu.memory_space<vmem>>
    %dma_wait3A_659 = tpu.memref_squeeze %dma_wait3A_658 : memref<1x128xi32, #tpu.memory_space<vmem>> -> memref<128xi32, #tpu.memory_space<vmem>>
    %dma_wait3A_660 = tpu.memref_slice %arg3[%select_n3A, %add3A_72] : memref<8x16384xi32, #tpu.memory_space<hbm>> -> memref<1x128xi32, #tpu.memory_space<hbm>>
    %dma_wait3A_661 = tpu.memref_squeeze %dma_wait3A_660 : memref<1x128xi32, #tpu.memory_space<hbm>> -> memref<128xi32, #tpu.memory_space<hbm>>
    %dma_wait3A_662 = arith.constant 0 : i32
    %dma_wait3A_663 = tpu.memref_slice %arg5[%dma_wait3A_656, %dma_wait3A_662] : memref<32x128xi32, #tpu.memory_space<vmem>> -> memref<1x128xi32, #tpu.memory_space<vmem>>
    %dma_wait3A_664 = tpu.memref_squeeze %dma_wait3A_663 : memref<1x128xi32, #tpu.memory_space<vmem>> -> memref<128xi32, #tpu.memory_space<vmem>>
    %dma_wait3A_665 = tpu.memref_slice %arg3[%select_n3A, %add3A_72] : memref<8x16384xi32, #tpu.memory_space<hbm>> -> memref<1x128xi32, #tpu.memory_space<hbm>>
    %dma_wait3A_666 = tpu.memref_squeeze %dma_wait3A_665 : memref<1x128xi32, #tpu.memory_space<hbm>> -> memref<128xi32, #tpu.memory_space<hbm>>
    tpu.wait_dma2 semaphore(%arg8 : memref<!tpu.dma_semaphore, #tpu.memory_space<semaphore_mem>>) src(%dma_wait3A_666 : memref<128xi32, #tpu.memory_space<hbm>>) dst(%dma_wait3A_664 : memref<128xi32, #tpu.memory_space<vmem>>)
    %dma_wait3A_667 = arith.constant 20 : i32
    %dma_wait3A_668 = arith.constant 0 : i32
    %dma_wait3A_669 = tpu.memref_slice %arg5[%dma_wait3A_667, %dma_wait3A_668] : memref<32x128xi32, #tpu.memory_space<vmem>> -> memref<1x128xi32, #tpu.memory_space<vmem>>
    %dma_wait3A_670 = tpu.memref_squeeze %dma_wait3A_669 : memref<1x128xi32, #tpu.memory_space<vmem>> -> memref<128xi32, #tpu.memory_space<vmem>>
    %dma_wait3A_671 = tpu.memref_slice %arg3[%select_n3A, %add3A_74] : memref<8x16384xi32, #tpu.memory_space<hbm>> -> memref<1x128xi32, #tpu.memory_space<hbm>>
    %dma_wait3A_672 = tpu.memref_squeeze %dma_wait3A_671 : memref<1x128xi32, #tpu.memory_space<hbm>> -> memref<128xi32, #tpu.memory_space<hbm>>
    %dma_wait3A_673 = arith.constant 0 : i32
    %dma_wait3A_674 = tpu.memref_slice %arg5[%dma_wait3A_667, %dma_wait3A_673] : memref<32x128xi32, #tpu.memory_space<vmem>> -> memref<1x128xi32, #tpu.memory_space<vmem>>
    %dma_wait3A_675 = tpu.memref_squeeze %dma_wait3A_674 : memref<1x128xi32, #tpu.memory_space<vmem>> -> memref<128xi32, #tpu.memory_space<vmem>>
    %dma_wait3A_676 = tpu.memref_slice %arg3[%select_n3A, %add3A_74] : memref<8x16384xi32, #tpu.memory_space<hbm>> -> memref<1x128xi32, #tpu.memory_space<hbm>>
    %dma_wait3A_677 = tpu.memref_squeeze %dma_wait3A_676 : memref<1x128xi32, #tpu.memory_space<hbm>> -> memref<128xi32, #tpu.memory_space<hbm>>
    tpu.wait_dma2 semaphore(%arg8 : memref<!tpu.dma_semaphore, #tpu.memory_space<semaphore_mem>>) src(%dma_wait3A_677 : memref<128xi32, #tpu.memory_space<hbm>>) dst(%dma_wait3A_675 : memref<128xi32, #tpu.memory_space<vmem>>)
    %dma_wait3A_678 = arith.constant 21 : i32
    %dma_wait3A_679 = arith.constant 0 : i32
    %dma_wait3A_680 = tpu.memref_slice %arg5[%dma_wait3A_678, %dma_wait3A_679] : memref<32x128xi32, #tpu.memory_space<vmem>> -> memref<1x128xi32, #tpu.memory_space<vmem>>
    %dma_wait3A_681 = tpu.memref_squeeze %dma_wait3A_680 : memref<1x128xi32, #tpu.memory_space<vmem>> -> memref<128xi32, #tpu.memory_space<vmem>>
    %dma_wait3A_682 = tpu.memref_slice %arg3[%select_n3A, %add3A_76] : memref<8x16384xi32, #tpu.memory_space<hbm>> -> memref<1x128xi32, #tpu.memory_space<hbm>>
    %dma_wait3A_683 = tpu.memref_squeeze %dma_wait3A_682 : memref<1x128xi32, #tpu.memory_space<hbm>> -> memref<128xi32, #tpu.memory_space<hbm>>
    %dma_wait3A_684 = arith.constant 0 : i32
    %dma_wait3A_685 = tpu.memref_slice %arg5[%dma_wait3A_678, %dma_wait3A_684] : memref<32x128xi32, #tpu.memory_space<vmem>> -> memref<1x128xi32, #tpu.memory_space<vmem>>
    %dma_wait3A_686 = tpu.memref_squeeze %dma_wait3A_685 : memref<1x128xi32, #tpu.memory_space<vmem>> -> memref<128xi32, #tpu.memory_space<vmem>>
    %dma_wait3A_687 = tpu.memref_slice %arg3[%select_n3A, %add3A_76] : memref<8x16384xi32, #tpu.memory_space<hbm>> -> memref<1x128xi32, #tpu.memory_space<hbm>>
    %dma_wait3A_688 = tpu.memref_squeeze %dma_wait3A_687 : memref<1x128xi32, #tpu.memory_space<hbm>> -> memref<128xi32, #tpu.memory_space<hbm>>
    tpu.wait_dma2 semaphore(%arg8 : memref<!tpu.dma_semaphore, #tpu.memory_space<semaphore_mem>>) src(%dma_wait3A_688 : memref<128xi32, #tpu.memory_space<hbm>>) dst(%dma_wait3A_686 : memref<128xi32, #tpu.memory_space<vmem>>)
    %dma_wait3A_689 = arith.constant 22 : i32
    %dma_wait3A_690 = arith.constant 0 : i32
    %dma_wait3A_691 = tpu.memref_slice %arg5[%dma_wait3A_689, %dma_wait3A_690] : memref<32x128xi32, #tpu.memory_space<vmem>> -> memref<1x128xi32, #tpu.memory_space<vmem>>
    %dma_wait3A_692 = tpu.memref_squeeze %dma_wait3A_691 : memref<1x128xi32, #tpu.memory_space<vmem>> -> memref<128xi32, #tpu.memory_space<vmem>>
    %dma_wait3A_693 = tpu.memref_slice %arg3[%select_n3A, %add3A_78] : memref<8x16384xi32, #tpu.memory_space<hbm>> -> memref<1x128xi32, #tpu.memory_space<hbm>>
    %dma_wait3A_694 = tpu.memref_squeeze %dma_wait3A_693 : memref<1x128xi32, #tpu.memory_space<hbm>> -> memref<128xi32, #tpu.memory_space<hbm>>
    %dma_wait3A_695 = arith.constant 0 : i32
    %dma_wait3A_696 = tpu.memref_slice %arg5[%dma_wait3A_689, %dma_wait3A_695] : memref<32x128xi32, #tpu.memory_space<vmem>> -> memref<1x128xi32, #tpu.memory_space<vmem>>
    %dma_wait3A_697 = tpu.memref_squeeze %dma_wait3A_696 : memref<1x128xi32, #tpu.memory_space<vmem>> -> memref<128xi32, #tpu.memory_space<vmem>>
    %dma_wait3A_698 = tpu.memref_slice %arg3[%select_n3A, %add3A_78] : memref<8x16384xi32, #tpu.memory_space<hbm>> -> memref<1x128xi32, #tpu.memory_space<hbm>>
    %dma_wait3A_699 = tpu.memref_squeeze %dma_wait3A_698 : memref<1x128xi32, #tpu.memory_space<hbm>> -> memref<128xi32, #tpu.memory_space<hbm>>
    tpu.wait_dma2 semaphore(%arg8 : memref<!tpu.dma_semaphore, #tpu.memory_space<semaphore_mem>>) src(%dma_wait3A_699 : memref<128xi32, #tpu.memory_space<hbm>>) dst(%dma_wait3A_697 : memref<128xi32, #tpu.memory_space<vmem>>)
    %dma_wait3A_700 = arith.constant 23 : i32
    %dma_wait3A_701 = arith.constant 0 : i32
    %dma_wait3A_702 = tpu.memref_slice %arg5[%dma_wait3A_700, %dma_wait3A_701] : memref<32x128xi32, #tpu.memory_space<vmem>> -> memref<1x128xi32, #tpu.memory_space<vmem>>
    %dma_wait3A_703 = tpu.memref_squeeze %dma_wait3A_702 : memref<1x128xi32, #tpu.memory_space<vmem>> -> memref<128xi32, #tpu.memory_space<vmem>>
    %dma_wait3A_704 = tpu.memref_slice %arg3[%select_n3A, %add3A_80] : memref<8x16384xi32, #tpu.memory_space<hbm>> -> memref<1x128xi32, #tpu.memory_space<hbm>>
    %dma_wait3A_705 = tpu.memref_squeeze %dma_wait3A_704 : memref<1x128xi32, #tpu.memory_space<hbm>> -> memref<128xi32, #tpu.memory_space<hbm>>
    %dma_wait3A_706 = arith.constant 0 : i32
    %dma_wait3A_707 = tpu.memref_slice %arg5[%dma_wait3A_700, %dma_wait3A_706] : memref<32x128xi32, #tpu.memory_space<vmem>> -> memref<1x128xi32, #tpu.memory_space<vmem>>
    %dma_wait3A_708 = tpu.memref_squeeze %dma_wait3A_707 : memref<1x128xi32, #tpu.memory_space<vmem>> -> memref<128xi32, #tpu.memory_space<vmem>>
    %dma_wait3A_709 = tpu.memref_slice %arg3[%select_n3A, %add3A_80] : memref<8x16384xi32, #tpu.memory_space<hbm>> -> memref<1x128xi32, #tpu.memory_space<hbm>>
    %dma_wait3A_710 = tpu.memref_squeeze %dma_wait3A_709 : memref<1x128xi32, #tpu.memory_space<hbm>> -> memref<128xi32, #tpu.memory_space<hbm>>
    tpu.wait_dma2 semaphore(%arg8 : memref<!tpu.dma_semaphore, #tpu.memory_space<semaphore_mem>>) src(%dma_wait3A_710 : memref<128xi32, #tpu.memory_space<hbm>>) dst(%dma_wait3A_708 : memref<128xi32, #tpu.memory_space<vmem>>)
    %dma_wait3A_711 = arith.constant 24 : i32
    %dma_wait3A_712 = arith.constant 0 : i32
    %dma_wait3A_713 = tpu.memref_slice %arg5[%dma_wait3A_711, %dma_wait3A_712] : memref<32x128xi32, #tpu.memory_space<vmem>> -> memref<1x128xi32, #tpu.memory_space<vmem>>
    %dma_wait3A_714 = tpu.memref_squeeze %dma_wait3A_713 : memref<1x128xi32, #tpu.memory_space<vmem>> -> memref<128xi32, #tpu.memory_space<vmem>>
    %dma_wait3A_715 = tpu.memref_slice %arg3[%select_n3A, %add3A_82] : memref<8x16384xi32, #tpu.memory_space<hbm>> -> memref<1x128xi32, #tpu.memory_space<hbm>>
    %dma_wait3A_716 = tpu.memref_squeeze %dma_wait3A_715 : memref<1x128xi32, #tpu.memory_space<hbm>> -> memref<128xi32, #tpu.memory_space<hbm>>
    %dma_wait3A_717 = arith.constant 0 : i32
    %dma_wait3A_718 = tpu.memref_slice %arg5[%dma_wait3A_711, %dma_wait3A_717] : memref<32x128xi32, #tpu.memory_space<vmem>> -> memref<1x128xi32, #tpu.memory_space<vmem>>
    %dma_wait3A_719 = tpu.memref_squeeze %dma_wait3A_718 : memref<1x128xi32, #tpu.memory_space<vmem>> -> memref<128xi32, #tpu.memory_space<vmem>>
    %dma_wait3A_720 = tpu.memref_slice %arg3[%select_n3A, %add3A_82] : memref<8x16384xi32, #tpu.memory_space<hbm>> -> memref<1x128xi32, #tpu.memory_space<hbm>>
    %dma_wait3A_721 = tpu.memref_squeeze %dma_wait3A_720 : memref<1x128xi32, #tpu.memory_space<hbm>> -> memref<128xi32, #tpu.memory_space<hbm>>
    tpu.wait_dma2 semaphore(%arg8 : memref<!tpu.dma_semaphore, #tpu.memory_space<semaphore_mem>>) src(%dma_wait3A_721 : memref<128xi32, #tpu.memory_space<hbm>>) dst(%dma_wait3A_719 : memref<128xi32, #tpu.memory_space<vmem>>)
    %dma_wait3A_722 = arith.constant 25 : i32
    %dma_wait3A_723 = arith.constant 0 : i32
    %dma_wait3A_724 = tpu.memref_slice %arg5[%dma_wait3A_722, %dma_wait3A_723] : memref<32x128xi32, #tpu.memory_space<vmem>> -> memref<1x128xi32, #tpu.memory_space<vmem>>
    %dma_wait3A_725 = tpu.memref_squeeze %dma_wait3A_724 : memref<1x128xi32, #tpu.memory_space<vmem>> -> memref<128xi32, #tpu.memory_space<vmem>>
    %dma_wait3A_726 = tpu.memref_slice %arg3[%select_n3A, %add3A_84] : memref<8x16384xi32, #tpu.memory_space<hbm>> -> memref<1x128xi32, #tpu.memory_space<hbm>>
    %dma_wait3A_727 = tpu.memref_squeeze %dma_wait3A_726 : memref<1x128xi32, #tpu.memory_space<hbm>> -> memref<128xi32, #tpu.memory_space<hbm>>
    %dma_wait3A_728 = arith.constant 0 : i32
    %dma_wait3A_729 = tpu.memref_slice %arg5[%dma_wait3A_722, %dma_wait3A_728] : memref<32x128xi32, #tpu.memory_space<vmem>> -> memref<1x128xi32, #tpu.memory_space<vmem>>
    %dma_wait3A_730 = tpu.memref_squeeze %dma_wait3A_729 : memref<1x128xi32, #tpu.memory_space<vmem>> -> memref<128xi32, #tpu.memory_space<vmem>>
    %dma_wait3A_731 = tpu.memref_slice %arg3[%select_n3A, %add3A_84] : memref<8x16384xi32, #tpu.memory_space<hbm>> -> memref<1x128xi32, #tpu.memory_space<hbm>>
    %dma_wait3A_732 = tpu.memref_squeeze %dma_wait3A_731 : memref<1x128xi32, #tpu.memory_space<hbm>> -> memref<128xi32, #tpu.memory_space<hbm>>
    tpu.wait_dma2 semaphore(%arg8 : memref<!tpu.dma_semaphore, #tpu.memory_space<semaphore_mem>>) src(%dma_wait3A_732 : memref<128xi32, #tpu.memory_space<hbm>>) dst(%dma_wait3A_730 : memref<128xi32, #tpu.memory_space<vmem>>)
    %dma_wait3A_733 = arith.constant 26 : i32
    %dma_wait3A_734 = arith.constant 0 : i32
    %dma_wait3A_735 = tpu.memref_slice %arg5[%dma_wait3A_733, %dma_wait3A_734] : memref<32x128xi32, #tpu.memory_space<vmem>> -> memref<1x128xi32, #tpu.memory_space<vmem>>
    %dma_wait3A_736 = tpu.memref_squeeze %dma_wait3A_735 : memref<1x128xi32, #tpu.memory_space<vmem>> -> memref<128xi32, #tpu.memory_space<vmem>>
    %dma_wait3A_737 = tpu.memref_slice %arg3[%select_n3A, %add3A_86] : memref<8x16384xi32, #tpu.memory_space<hbm>> -> memref<1x128xi32, #tpu.memory_space<hbm>>
    %dma_wait3A_738 = tpu.memref_squeeze %dma_wait3A_737 : memref<1x128xi32, #tpu.memory_space<hbm>> -> memref<128xi32, #tpu.memory_space<hbm>>
    %dma_wait3A_739 = arith.constant 0 : i32
    %dma_wait3A_740 = tpu.memref_slice %arg5[%dma_wait3A_733, %dma_wait3A_739] : memref<32x128xi32, #tpu.memory_space<vmem>> -> memref<1x128xi32, #tpu.memory_space<vmem>>
    %dma_wait3A_741 = tpu.memref_squeeze %dma_wait3A_740 : memref<1x128xi32, #tpu.memory_space<vmem>> -> memref<128xi32, #tpu.memory_space<vmem>>
    %dma_wait3A_742 = tpu.memref_slice %arg3[%select_n3A, %add3A_86] : memref<8x16384xi32, #tpu.memory_space<hbm>> -> memref<1x128xi32, #tpu.memory_space<hbm>>
    %dma_wait3A_743 = tpu.memref_squeeze %dma_wait3A_742 : memref<1x128xi32, #tpu.memory_space<hbm>> -> memref<128xi32, #tpu.memory_space<hbm>>
    tpu.wait_dma2 semaphore(%arg8 : memref<!tpu.dma_semaphore, #tpu.memory_space<semaphore_mem>>) src(%dma_wait3A_743 : memref<128xi32, #tpu.memory_space<hbm>>) dst(%dma_wait3A_741 : memref<128xi32, #tpu.memory_space<vmem>>)
    %dma_wait3A_744 = arith.constant 27 : i32
    %dma_wait3A_745 = arith.constant 0 : i32
    %dma_wait3A_746 = tpu.memref_slice %arg5[%dma_wait3A_744, %dma_wait3A_745] : memref<32x128xi32, #tpu.memory_space<vmem>> -> memref<1x128xi32, #tpu.memory_space<vmem>>
    %dma_wait3A_747 = tpu.memref_squeeze %dma_wait3A_746 : memref<1x128xi32, #tpu.memory_space<vmem>> -> memref<128xi32, #tpu.memory_space<vmem>>
    %dma_wait3A_748 = tpu.memref_slice %arg3[%select_n3A, %add3A_88] : memref<8x16384xi32, #tpu.memory_space<hbm>> -> memref<1x128xi32, #tpu.memory_space<hbm>>
    %dma_wait3A_749 = tpu.memref_squeeze %dma_wait3A_748 : memref<1x128xi32, #tpu.memory_space<hbm>> -> memref<128xi32, #tpu.memory_space<hbm>>
    %dma_wait3A_750 = arith.constant 0 : i32
    %dma_wait3A_751 = tpu.memref_slice %arg5[%dma_wait3A_744, %dma_wait3A_750] : memref<32x128xi32, #tpu.memory_space<vmem>> -> memref<1x128xi32, #tpu.memory_space<vmem>>
    %dma_wait3A_752 = tpu.memref_squeeze %dma_wait3A_751 : memref<1x128xi32, #tpu.memory_space<vmem>> -> memref<128xi32, #tpu.memory_space<vmem>>
    %dma_wait3A_753 = tpu.memref_slice %arg3[%select_n3A, %add3A_88] : memref<8x16384xi32, #tpu.memory_space<hbm>> -> memref<1x128xi32, #tpu.memory_space<hbm>>
    %dma_wait3A_754 = tpu.memref_squeeze %dma_wait3A_753 : memref<1x128xi32, #tpu.memory_space<hbm>> -> memref<128xi32, #tpu.memory_space<hbm>>
    tpu.wait_dma2 semaphore(%arg8 : memref<!tpu.dma_semaphore, #tpu.memory_space<semaphore_mem>>) src(%dma_wait3A_754 : memref<128xi32, #tpu.memory_space<hbm>>) dst(%dma_wait3A_752 : memref<128xi32, #tpu.memory_space<vmem>>)
    %dma_wait3A_755 = arith.constant 28 : i32
    %dma_wait3A_756 = arith.constant 0 : i32
    %dma_wait3A_757 = tpu.memref_slice %arg5[%dma_wait3A_755, %dma_wait3A_756] : memref<32x128xi32, #tpu.memory_space<vmem>> -> memref<1x128xi32, #tpu.memory_space<vmem>>
    %dma_wait3A_758 = tpu.memref_squeeze %dma_wait3A_757 : memref<1x128xi32, #tpu.memory_space<vmem>> -> memref<128xi32, #tpu.memory_space<vmem>>
    %dma_wait3A_759 = tpu.memref_slice %arg3[%select_n3A, %add3A_90] : memref<8x16384xi32, #tpu.memory_space<hbm>> -> memref<1x128xi32, #tpu.memory_space<hbm>>
    %dma_wait3A_760 = tpu.memref_squeeze %dma_wait3A_759 : memref<1x128xi32, #tpu.memory_space<hbm>> -> memref<128xi32, #tpu.memory_space<hbm>>
    %dma_wait3A_761 = arith.constant 0 : i32
    %dma_wait3A_762 = tpu.memref_slice %arg5[%dma_wait3A_755, %dma_wait3A_761] : memref<32x128xi32, #tpu.memory_space<vmem>> -> memref<1x128xi32, #tpu.memory_space<vmem>>
    %dma_wait3A_763 = tpu.memref_squeeze %dma_wait3A_762 : memref<1x128xi32, #tpu.memory_space<vmem>> -> memref<128xi32, #tpu.memory_space<vmem>>
    %dma_wait3A_764 = tpu.memref_slice %arg3[%select_n3A, %add3A_90] : memref<8x16384xi32, #tpu.memory_space<hbm>> -> memref<1x128xi32, #tpu.memory_space<hbm>>
    %dma_wait3A_765 = tpu.memref_squeeze %dma_wait3A_764 : memref<1x128xi32, #tpu.memory_space<hbm>> -> memref<128xi32, #tpu.memory_space<hbm>>
    tpu.wait_dma2 semaphore(%arg8 : memref<!tpu.dma_semaphore, #tpu.memory_space<semaphore_mem>>) src(%dma_wait3A_765 : memref<128xi32, #tpu.memory_space<hbm>>) dst(%dma_wait3A_763 : memref<128xi32, #tpu.memory_space<vmem>>)
    %dma_wait3A_766 = arith.constant 29 : i32
    %dma_wait3A_767 = arith.constant 0 : i32
    %dma_wait3A_768 = tpu.memref_slice %arg5[%dma_wait3A_766, %dma_wait3A_767] : memref<32x128xi32, #tpu.memory_space<vmem>> -> memref<1x128xi32, #tpu.memory_space<vmem>>
    %dma_wait3A_769 = tpu.memref_squeeze %dma_wait3A_768 : memref<1x128xi32, #tpu.memory_space<vmem>> -> memref<128xi32, #tpu.memory_space<vmem>>
    %dma_wait3A_770 = tpu.memref_slice %arg3[%select_n3A, %add3A_92] : memref<8x16384xi32, #tpu.memory_space<hbm>> -> memref<1x128xi32, #tpu.memory_space<hbm>>
    %dma_wait3A_771 = tpu.memref_squeeze %dma_wait3A_770 : memref<1x128xi32, #tpu.memory_space<hbm>> -> memref<128xi32, #tpu.memory_space<hbm>>
    %dma_wait3A_772 = arith.constant 0 : i32
    %dma_wait3A_773 = tpu.memref_slice %arg5[%dma_wait3A_766, %dma_wait3A_772] : memref<32x128xi32, #tpu.memory_space<vmem>> -> memref<1x128xi32, #tpu.memory_space<vmem>>
    %dma_wait3A_774 = tpu.memref_squeeze %dma_wait3A_773 : memref<1x128xi32, #tpu.memory_space<vmem>> -> memref<128xi32, #tpu.memory_space<vmem>>
    %dma_wait3A_775 = tpu.memref_slice %arg3[%select_n3A, %add3A_92] : memref<8x16384xi32, #tpu.memory_space<hbm>> -> memref<1x128xi32, #tpu.memory_space<hbm>>
    %dma_wait3A_776 = tpu.memref_squeeze %dma_wait3A_775 : memref<1x128xi32, #tpu.memory_space<hbm>> -> memref<128xi32, #tpu.memory_space<hbm>>
    tpu.wait_dma2 semaphore(%arg8 : memref<!tpu.dma_semaphore, #tpu.memory_space<semaphore_mem>>) src(%dma_wait3A_776 : memref<128xi32, #tpu.memory_space<hbm>>) dst(%dma_wait3A_774 : memref<128xi32, #tpu.memory_space<vmem>>)
    %dma_wait3A_777 = arith.constant 30 : i32
    %dma_wait3A_778 = arith.constant 0 : i32
    %dma_wait3A_779 = tpu.memref_slice %arg5[%dma_wait3A_777, %dma_wait3A_778] : memref<32x128xi32, #tpu.memory_space<vmem>> -> memref<1x128xi32, #tpu.memory_space<vmem>>
    %dma_wait3A_780 = tpu.memref_squeeze %dma_wait3A_779 : memref<1x128xi32, #tpu.memory_space<vmem>> -> memref<128xi32, #tpu.memory_space<vmem>>
    %dma_wait3A_781 = tpu.memref_slice %arg3[%select_n3A, %add3A_94] : memref<8x16384xi32, #tpu.memory_space<hbm>> -> memref<1x128xi32, #tpu.memory_space<hbm>>
    %dma_wait3A_782 = tpu.memref_squeeze %dma_wait3A_781 : memref<1x128xi32, #tpu.memory_space<hbm>> -> memref<128xi32, #tpu.memory_space<hbm>>
    %dma_wait3A_783 = arith.constant 0 : i32
    %dma_wait3A_784 = tpu.memref_slice %arg5[%dma_wait3A_777, %dma_wait3A_783] : memref<32x128xi32, #tpu.memory_space<vmem>> -> memref<1x128xi32, #tpu.memory_space<vmem>>
    %dma_wait3A_785 = tpu.memref_squeeze %dma_wait3A_784 : memref<1x128xi32, #tpu.memory_space<vmem>> -> memref<128xi32, #tpu.memory_space<vmem>>
    %dma_wait3A_786 = tpu.memref_slice %arg3[%select_n3A, %add3A_94] : memref<8x16384xi32, #tpu.memory_space<hbm>> -> memref<1x128xi32, #tpu.memory_space<hbm>>
    %dma_wait3A_787 = tpu.memref_squeeze %dma_wait3A_786 : memref<1x128xi32, #tpu.memory_space<hbm>> -> memref<128xi32, #tpu.memory_space<hbm>>
    tpu.wait_dma2 semaphore(%arg8 : memref<!tpu.dma_semaphore, #tpu.memory_space<semaphore_mem>>) src(%dma_wait3A_787 : memref<128xi32, #tpu.memory_space<hbm>>) dst(%dma_wait3A_785 : memref<128xi32, #tpu.memory_space<vmem>>)
    %dma_wait3A_788 = arith.constant 31 : i32
    %dma_wait3A_789 = arith.constant 0 : i32
    %dma_wait3A_790 = tpu.memref_slice %arg5[%dma_wait3A_788, %dma_wait3A_789] : memref<32x128xi32, #tpu.memory_space<vmem>> -> memref<1x128xi32, #tpu.memory_space<vmem>>
    %dma_wait3A_791 = tpu.memref_squeeze %dma_wait3A_790 : memref<1x128xi32, #tpu.memory_space<vmem>> -> memref<128xi32, #tpu.memory_space<vmem>>
    %dma_wait3A_792 = tpu.memref_slice %arg3[%select_n3A, %add3A_96] : memref<8x16384xi32, #tpu.memory_space<hbm>> -> memref<1x128xi32, #tpu.memory_space<hbm>>
    %dma_wait3A_793 = tpu.memref_squeeze %dma_wait3A_792 : memref<1x128xi32, #tpu.memory_space<hbm>> -> memref<128xi32, #tpu.memory_space<hbm>>
    %dma_wait3A_794 = arith.constant 0 : i32
    %dma_wait3A_795 = tpu.memref_slice %arg5[%dma_wait3A_788, %dma_wait3A_794] : memref<32x128xi32, #tpu.memory_space<vmem>> -> memref<1x128xi32, #tpu.memory_space<vmem>>
    %dma_wait3A_796 = tpu.memref_squeeze %dma_wait3A_795 : memref<1x128xi32, #tpu.memory_space<vmem>> -> memref<128xi32, #tpu.memory_space<vmem>>
    %dma_wait3A_797 = tpu.memref_slice %arg3[%select_n3A, %add3A_96] : memref<8x16384xi32, #tpu.memory_space<hbm>> -> memref<1x128xi32, #tpu.memory_space<hbm>>
    %dma_wait3A_798 = tpu.memref_squeeze %dma_wait3A_797 : memref<1x128xi32, #tpu.memory_space<hbm>> -> memref<128xi32, #tpu.memory_space<hbm>>
    tpu.wait_dma2 semaphore(%arg8 : memref<!tpu.dma_semaphore, #tpu.memory_space<semaphore_mem>>) src(%dma_wait3A_798 : memref<128xi32, #tpu.memory_space<hbm>>) dst(%dma_wait3A_796 : memref<128xi32, #tpu.memory_space<vmem>>)
    %dma_start3A_799 = arith.constant 0 : i32
    %dma_start3A_800 = arith.constant 0 : i32
    %dma_start3A_801 = arith.constant 0 : i32
    %dma_start3A_802 = tpu.memref_slice %arg6[%dma_start3A_800, %dma_start3A_801] : memref<32x128xf32, #tpu.memory_space<vmem>> -> memref<1x128xf32, #tpu.memory_space<vmem>>
    %dma_start3A_803 = tpu.memref_squeeze %dma_start3A_802 : memref<1x128xf32, #tpu.memory_space<vmem>> -> memref<128xf32, #tpu.memory_space<vmem>>
    %dma_start3A_804 = arith.constant 0 : i32
    %dma_start3A_805 = tpu.memref_slice %arg5[%dma_start3A_799, %dma_start3A_804] : memref<32x128xi32, #tpu.memory_space<vmem>> -> memref<1x128xi32, #tpu.memory_space<vmem>>
    %dma_start3A_806 = tpu.memref_squeeze %dma_start3A_805 : memref<1x128xi32, #tpu.memory_space<vmem>> -> memref<128xi32, #tpu.memory_space<vmem>>
    %dma_start3A_807 = arith.constant 0 : i32
    %dma_start3A_808 = tpu.memref_slice %arg2[%dma_start3A_807] : memref<1000000xf32, #tpu.memory_space<hbm>> -> memref<1000000xf32, #tpu.memory_space<hbm>>
    tpu.enqueue_indirect_dma source(%dma_start3A_808 : memref<1000000xf32, #tpu.memory_space<hbm>>) target(%dma_start3A_803 : memref<128xf32, #tpu.memory_space<vmem>>) offsets(%dma_start3A_806 : memref<128xi32, #tpu.memory_space<vmem>>) semaphore(%arg9 : memref<!tpu.dma_semaphore, #tpu.memory_space<semaphore_mem>>)
    %dma_start3A_809 = arith.constant 1 : i32
    %dma_start3A_810 = arith.constant 1 : i32
    %dma_start3A_811 = arith.constant 0 : i32
    %dma_start3A_812 = tpu.memref_slice %arg6[%dma_start3A_810, %dma_start3A_811] : memref<32x128xf32, #tpu.memory_space<vmem>> -> memref<1x128xf32, #tpu.memory_space<vmem>>
    %dma_start3A_813 = tpu.memref_squeeze %dma_start3A_812 : memref<1x128xf32, #tpu.memory_space<vmem>> -> memref<128xf32, #tpu.memory_space<vmem>>
    %dma_start3A_814 = arith.constant 0 : i32
    %dma_start3A_815 = tpu.memref_slice %arg5[%dma_start3A_809, %dma_start3A_814] : memref<32x128xi32, #tpu.memory_space<vmem>> -> memref<1x128xi32, #tpu.memory_space<vmem>>
    %dma_start3A_816 = tpu.memref_squeeze %dma_start3A_815 : memref<1x128xi32, #tpu.memory_space<vmem>> -> memref<128xi32, #tpu.memory_space<vmem>>
    %dma_start3A_817 = arith.constant 0 : i32
    %dma_start3A_818 = tpu.memref_slice %arg2[%dma_start3A_817] : memref<1000000xf32, #tpu.memory_space<hbm>> -> memref<1000000xf32, #tpu.memory_space<hbm>>
    tpu.enqueue_indirect_dma source(%dma_start3A_818 : memref<1000000xf32, #tpu.memory_space<hbm>>) target(%dma_start3A_813 : memref<128xf32, #tpu.memory_space<vmem>>) offsets(%dma_start3A_816 : memref<128xi32, #tpu.memory_space<vmem>>) semaphore(%arg9 : memref<!tpu.dma_semaphore, #tpu.memory_space<semaphore_mem>>)
    %dma_start3A_819 = arith.constant 2 : i32
    %dma_start3A_820 = arith.constant 2 : i32
    %dma_start3A_821 = arith.constant 0 : i32
    %dma_start3A_822 = tpu.memref_slice %arg6[%dma_start3A_820, %dma_start3A_821] : memref<32x128xf32, #tpu.memory_space<vmem>> -> memref<1x128xf32, #tpu.memory_space<vmem>>
    %dma_start3A_823 = tpu.memref_squeeze %dma_start3A_822 : memref<1x128xf32, #tpu.memory_space<vmem>> -> memref<128xf32, #tpu.memory_space<vmem>>
    %dma_start3A_824 = arith.constant 0 : i32
    %dma_start3A_825 = tpu.memref_slice %arg5[%dma_start3A_819, %dma_start3A_824] : memref<32x128xi32, #tpu.memory_space<vmem>> -> memref<1x128xi32, #tpu.memory_space<vmem>>
    %dma_start3A_826 = tpu.memref_squeeze %dma_start3A_825 : memref<1x128xi32, #tpu.memory_space<vmem>> -> memref<128xi32, #tpu.memory_space<vmem>>
    %dma_start3A_827 = arith.constant 0 : i32
    %dma_start3A_828 = tpu.memref_slice %arg2[%dma_start3A_827] : memref<1000000xf32, #tpu.memory_space<hbm>> -> memref<1000000xf32, #tpu.memory_space<hbm>>
    tpu.enqueue_indirect_dma source(%dma_start3A_828 : memref<1000000xf32, #tpu.memory_space<hbm>>) target(%dma_start3A_823 : memref<128xf32, #tpu.memory_space<vmem>>) offsets(%dma_start3A_826 : memref<128xi32, #tpu.memory_space<vmem>>) semaphore(%arg9 : memref<!tpu.dma_semaphore, #tpu.memory_space<semaphore_mem>>)
    %dma_start3A_829 = arith.constant 3 : i32
    %dma_start3A_830 = arith.constant 3 : i32
    %dma_start3A_831 = arith.constant 0 : i32
    %dma_start3A_832 = tpu.memref_slice %arg6[%dma_start3A_830, %dma_start3A_831] : memref<32x128xf32, #tpu.memory_space<vmem>> -> memref<1x128xf32, #tpu.memory_space<vmem>>
    %dma_start3A_833 = tpu.memref_squeeze %dma_start3A_832 : memref<1x128xf32, #tpu.memory_space<vmem>> -> memref<128xf32, #tpu.memory_space<vmem>>
    %dma_start3A_834 = arith.constant 0 : i32
    %dma_start3A_835 = tpu.memref_slice %arg5[%dma_start3A_829, %dma_start3A_834] : memref<32x128xi32, #tpu.memory_space<vmem>> -> memref<1x128xi32, #tpu.memory_space<vmem>>
    %dma_start3A_836 = tpu.memref_squeeze %dma_start3A_835 : memref<1x128xi32, #tpu.memory_space<vmem>> -> memref<128xi32, #tpu.memory_space<vmem>>
    %dma_start3A_837 = arith.constant 0 : i32
    %dma_start3A_838 = tpu.memref_slice %arg2[%dma_start3A_837] : memref<1000000xf32, #tpu.memory_space<hbm>> -> memref<1000000xf32, #tpu.memory_space<hbm>>
    tpu.enqueue_indirect_dma source(%dma_start3A_838 : memref<1000000xf32, #tpu.memory_space<hbm>>) target(%dma_start3A_833 : memref<128xf32, #tpu.memory_space<vmem>>) offsets(%dma_start3A_836 : memref<128xi32, #tpu.memory_space<vmem>>) semaphore(%arg9 : memref<!tpu.dma_semaphore, #tpu.memory_space<semaphore_mem>>)
    %dma_start3A_839 = arith.constant 4 : i32
    %dma_start3A_840 = arith.constant 4 : i32
    %dma_start3A_841 = arith.constant 0 : i32
    %dma_start3A_842 = tpu.memref_slice %arg6[%dma_start3A_840, %dma_start3A_841] : memref<32x128xf32, #tpu.memory_space<vmem>> -> memref<1x128xf32, #tpu.memory_space<vmem>>
    %dma_start3A_843 = tpu.memref_squeeze %dma_start3A_842 : memref<1x128xf32, #tpu.memory_space<vmem>> -> memref<128xf32, #tpu.memory_space<vmem>>
    %dma_start3A_844 = arith.constant 0 : i32
    %dma_start3A_845 = tpu.memref_slice %arg5[%dma_start3A_839, %dma_start3A_844] : memref<32x128xi32, #tpu.memory_space<vmem>> -> memref<1x128xi32, #tpu.memory_space<vmem>>
    %dma_start3A_846 = tpu.memref_squeeze %dma_start3A_845 : memref<1x128xi32, #tpu.memory_space<vmem>> -> memref<128xi32, #tpu.memory_space<vmem>>
    %dma_start3A_847 = arith.constant 0 : i32
    %dma_start3A_848 = tpu.memref_slice %arg2[%dma_start3A_847] : memref<1000000xf32, #tpu.memory_space<hbm>> -> memref<1000000xf32, #tpu.memory_space<hbm>>
    tpu.enqueue_indirect_dma source(%dma_start3A_848 : memref<1000000xf32, #tpu.memory_space<hbm>>) target(%dma_start3A_843 : memref<128xf32, #tpu.memory_space<vmem>>) offsets(%dma_start3A_846 : memref<128xi32, #tpu.memory_space<vmem>>) semaphore(%arg9 : memref<!tpu.dma_semaphore, #tpu.memory_space<semaphore_mem>>)
    %dma_start3A_849 = arith.constant 5 : i32
    %dma_start3A_850 = arith.constant 5 : i32
    %dma_start3A_851 = arith.constant 0 : i32
    %dma_start3A_852 = tpu.memref_slice %arg6[%dma_start3A_850, %dma_start3A_851] : memref<32x128xf32, #tpu.memory_space<vmem>> -> memref<1x128xf32, #tpu.memory_space<vmem>>
    %dma_start3A_853 = tpu.memref_squeeze %dma_start3A_852 : memref<1x128xf32, #tpu.memory_space<vmem>> -> memref<128xf32, #tpu.memory_space<vmem>>
    %dma_start3A_854 = arith.constant 0 : i32
    %dma_start3A_855 = tpu.memref_slice %arg5[%dma_start3A_849, %dma_start3A_854] : memref<32x128xi32, #tpu.memory_space<vmem>> -> memref<1x128xi32, #tpu.memory_space<vmem>>
    %dma_start3A_856 = tpu.memref_squeeze %dma_start3A_855 : memref<1x128xi32, #tpu.memory_space<vmem>> -> memref<128xi32, #tpu.memory_space<vmem>>
    %dma_start3A_857 = arith.constant 0 : i32
    %dma_start3A_858 = tpu.memref_slice %arg2[%dma_start3A_857] : memref<1000000xf32, #tpu.memory_space<hbm>> -> memref<1000000xf32, #tpu.memory_space<hbm>>
    tpu.enqueue_indirect_dma source(%dma_start3A_858 : memref<1000000xf32, #tpu.memory_space<hbm>>) target(%dma_start3A_853 : memref<128xf32, #tpu.memory_space<vmem>>) offsets(%dma_start3A_856 : memref<128xi32, #tpu.memory_space<vmem>>) semaphore(%arg9 : memref<!tpu.dma_semaphore, #tpu.memory_space<semaphore_mem>>)
    %dma_start3A_859 = arith.constant 6 : i32
    %dma_start3A_860 = arith.constant 6 : i32
    %dma_start3A_861 = arith.constant 0 : i32
    %dma_start3A_862 = tpu.memref_slice %arg6[%dma_start3A_860, %dma_start3A_861] : memref<32x128xf32, #tpu.memory_space<vmem>> -> memref<1x128xf32, #tpu.memory_space<vmem>>
    %dma_start3A_863 = tpu.memref_squeeze %dma_start3A_862 : memref<1x128xf32, #tpu.memory_space<vmem>> -> memref<128xf32, #tpu.memory_space<vmem>>
    %dma_start3A_864 = arith.constant 0 : i32
    %dma_start3A_865 = tpu.memref_slice %arg5[%dma_start3A_859, %dma_start3A_864] : memref<32x128xi32, #tpu.memory_space<vmem>> -> memref<1x128xi32, #tpu.memory_space<vmem>>
    %dma_start3A_866 = tpu.memref_squeeze %dma_start3A_865 : memref<1x128xi32, #tpu.memory_space<vmem>> -> memref<128xi32, #tpu.memory_space<vmem>>
    %dma_start3A_867 = arith.constant 0 : i32
    %dma_start3A_868 = tpu.memref_slice %arg2[%dma_start3A_867] : memref<1000000xf32, #tpu.memory_space<hbm>> -> memref<1000000xf32, #tpu.memory_space<hbm>>
    tpu.enqueue_indirect_dma source(%dma_start3A_868 : memref<1000000xf32, #tpu.memory_space<hbm>>) target(%dma_start3A_863 : memref<128xf32, #tpu.memory_space<vmem>>) offsets(%dma_start3A_866 : memref<128xi32, #tpu.memory_space<vmem>>) semaphore(%arg9 : memref<!tpu.dma_semaphore, #tpu.memory_space<semaphore_mem>>)
    %dma_start3A_869 = arith.constant 7 : i32
    %dma_start3A_870 = arith.constant 7 : i32
    %dma_start3A_871 = arith.constant 0 : i32
    %dma_start3A_872 = tpu.memref_slice %arg6[%dma_start3A_870, %dma_start3A_871] : memref<32x128xf32, #tpu.memory_space<vmem>> -> memref<1x128xf32, #tpu.memory_space<vmem>>
    %dma_start3A_873 = tpu.memref_squeeze %dma_start3A_872 : memref<1x128xf32, #tpu.memory_space<vmem>> -> memref<128xf32, #tpu.memory_space<vmem>>
    %dma_start3A_874 = arith.constant 0 : i32
    %dma_start3A_875 = tpu.memref_slice %arg5[%dma_start3A_869, %dma_start3A_874] : memref<32x128xi32, #tpu.memory_space<vmem>> -> memref<1x128xi32, #tpu.memory_space<vmem>>
    %dma_start3A_876 = tpu.memref_squeeze %dma_start3A_875 : memref<1x128xi32, #tpu.memory_space<vmem>> -> memref<128xi32, #tpu.memory_space<vmem>>
    %dma_start3A_877 = arith.constant 0 : i32
    %dma_start3A_878 = tpu.memref_slice %arg2[%dma_start3A_877] : memref<1000000xf32, #tpu.memory_space<hbm>> -> memref<1000000xf32, #tpu.memory_space<hbm>>
    tpu.enqueue_indirect_dma source(%dma_start3A_878 : memref<1000000xf32, #tpu.memory_space<hbm>>) target(%dma_start3A_873 : memref<128xf32, #tpu.memory_space<vmem>>) offsets(%dma_start3A_876 : memref<128xi32, #tpu.memory_space<vmem>>) semaphore(%arg9 : memref<!tpu.dma_semaphore, #tpu.memory_space<semaphore_mem>>)
    %dma_start3A_879 = arith.constant 8 : i32
    %dma_start3A_880 = arith.constant 8 : i32
    %dma_start3A_881 = arith.constant 0 : i32
    %dma_start3A_882 = tpu.memref_slice %arg6[%dma_start3A_880, %dma_start3A_881] : memref<32x128xf32, #tpu.memory_space<vmem>> -> memref<1x128xf32, #tpu.memory_space<vmem>>
    %dma_start3A_883 = tpu.memref_squeeze %dma_start3A_882 : memref<1x128xf32, #tpu.memory_space<vmem>> -> memref<128xf32, #tpu.memory_space<vmem>>
    %dma_start3A_884 = arith.constant 0 : i32
    %dma_start3A_885 = tpu.memref_slice %arg5[%dma_start3A_879, %dma_start3A_884] : memref<32x128xi32, #tpu.memory_space<vmem>> -> memref<1x128xi32, #tpu.memory_space<vmem>>
    %dma_start3A_886 = tpu.memref_squeeze %dma_start3A_885 : memref<1x128xi32, #tpu.memory_space<vmem>> -> memref<128xi32, #tpu.memory_space<vmem>>
    %dma_start3A_887 = arith.constant 0 : i32
    %dma_start3A_888 = tpu.memref_slice %arg2[%dma_start3A_887] : memref<1000000xf32, #tpu.memory_space<hbm>> -> memref<1000000xf32, #tpu.memory_space<hbm>>
    tpu.enqueue_indirect_dma source(%dma_start3A_888 : memref<1000000xf32, #tpu.memory_space<hbm>>) target(%dma_start3A_883 : memref<128xf32, #tpu.memory_space<vmem>>) offsets(%dma_start3A_886 : memref<128xi32, #tpu.memory_space<vmem>>) semaphore(%arg9 : memref<!tpu.dma_semaphore, #tpu.memory_space<semaphore_mem>>)
    %dma_start3A_889 = arith.constant 9 : i32
    %dma_start3A_890 = arith.constant 9 : i32
    %dma_start3A_891 = arith.constant 0 : i32
    %dma_start3A_892 = tpu.memref_slice %arg6[%dma_start3A_890, %dma_start3A_891] : memref<32x128xf32, #tpu.memory_space<vmem>> -> memref<1x128xf32, #tpu.memory_space<vmem>>
    %dma_start3A_893 = tpu.memref_squeeze %dma_start3A_892 : memref<1x128xf32, #tpu.memory_space<vmem>> -> memref<128xf32, #tpu.memory_space<vmem>>
    %dma_start3A_894 = arith.constant 0 : i32
    %dma_start3A_895 = tpu.memref_slice %arg5[%dma_start3A_889, %dma_start3A_894] : memref<32x128xi32, #tpu.memory_space<vmem>> -> memref<1x128xi32, #tpu.memory_space<vmem>>
    %dma_start3A_896 = tpu.memref_squeeze %dma_start3A_895 : memref<1x128xi32, #tpu.memory_space<vmem>> -> memref<128xi32, #tpu.memory_space<vmem>>
    %dma_start3A_897 = arith.constant 0 : i32
    %dma_start3A_898 = tpu.memref_slice %arg2[%dma_start3A_897] : memref<1000000xf32, #tpu.memory_space<hbm>> -> memref<1000000xf32, #tpu.memory_space<hbm>>
    tpu.enqueue_indirect_dma source(%dma_start3A_898 : memref<1000000xf32, #tpu.memory_space<hbm>>) target(%dma_start3A_893 : memref<128xf32, #tpu.memory_space<vmem>>) offsets(%dma_start3A_896 : memref<128xi32, #tpu.memory_space<vmem>>) semaphore(%arg9 : memref<!tpu.dma_semaphore, #tpu.memory_space<semaphore_mem>>)
    %dma_start3A_899 = arith.constant 10 : i32
    %dma_start3A_900 = arith.constant 10 : i32
    %dma_start3A_901 = arith.constant 0 : i32
    %dma_start3A_902 = tpu.memref_slice %arg6[%dma_start3A_900, %dma_start3A_901] : memref<32x128xf32, #tpu.memory_space<vmem>> -> memref<1x128xf32, #tpu.memory_space<vmem>>
    %dma_start3A_903 = tpu.memref_squeeze %dma_start3A_902 : memref<1x128xf32, #tpu.memory_space<vmem>> -> memref<128xf32, #tpu.memory_space<vmem>>
    %dma_start3A_904 = arith.constant 0 : i32
    %dma_start3A_905 = tpu.memref_slice %arg5[%dma_start3A_899, %dma_start3A_904] : memref<32x128xi32, #tpu.memory_space<vmem>> -> memref<1x128xi32, #tpu.memory_space<vmem>>
    %dma_start3A_906 = tpu.memref_squeeze %dma_start3A_905 : memref<1x128xi32, #tpu.memory_space<vmem>> -> memref<128xi32, #tpu.memory_space<vmem>>
    %dma_start3A_907 = arith.constant 0 : i32
    %dma_start3A_908 = tpu.memref_slice %arg2[%dma_start3A_907] : memref<1000000xf32, #tpu.memory_space<hbm>> -> memref<1000000xf32, #tpu.memory_space<hbm>>
    tpu.enqueue_indirect_dma source(%dma_start3A_908 : memref<1000000xf32, #tpu.memory_space<hbm>>) target(%dma_start3A_903 : memref<128xf32, #tpu.memory_space<vmem>>) offsets(%dma_start3A_906 : memref<128xi32, #tpu.memory_space<vmem>>) semaphore(%arg9 : memref<!tpu.dma_semaphore, #tpu.memory_space<semaphore_mem>>)
    %dma_start3A_909 = arith.constant 11 : i32
    %dma_start3A_910 = arith.constant 11 : i32
    %dma_start3A_911 = arith.constant 0 : i32
    %dma_start3A_912 = tpu.memref_slice %arg6[%dma_start3A_910, %dma_start3A_911] : memref<32x128xf32, #tpu.memory_space<vmem>> -> memref<1x128xf32, #tpu.memory_space<vmem>>
    %dma_start3A_913 = tpu.memref_squeeze %dma_start3A_912 : memref<1x128xf32, #tpu.memory_space<vmem>> -> memref<128xf32, #tpu.memory_space<vmem>>
    %dma_start3A_914 = arith.constant 0 : i32
    %dma_start3A_915 = tpu.memref_slice %arg5[%dma_start3A_909, %dma_start3A_914] : memref<32x128xi32, #tpu.memory_space<vmem>> -> memref<1x128xi32, #tpu.memory_space<vmem>>
    %dma_start3A_916 = tpu.memref_squeeze %dma_start3A_915 : memref<1x128xi32, #tpu.memory_space<vmem>> -> memref<128xi32, #tpu.memory_space<vmem>>
    %dma_start3A_917 = arith.constant 0 : i32
    %dma_start3A_918 = tpu.memref_slice %arg2[%dma_start3A_917] : memref<1000000xf32, #tpu.memory_space<hbm>> -> memref<1000000xf32, #tpu.memory_space<hbm>>
    tpu.enqueue_indirect_dma source(%dma_start3A_918 : memref<1000000xf32, #tpu.memory_space<hbm>>) target(%dma_start3A_913 : memref<128xf32, #tpu.memory_space<vmem>>) offsets(%dma_start3A_916 : memref<128xi32, #tpu.memory_space<vmem>>) semaphore(%arg9 : memref<!tpu.dma_semaphore, #tpu.memory_space<semaphore_mem>>)
    %dma_start3A_919 = arith.constant 12 : i32
    %dma_start3A_920 = arith.constant 12 : i32
    %dma_start3A_921 = arith.constant 0 : i32
    %dma_start3A_922 = tpu.memref_slice %arg6[%dma_start3A_920, %dma_start3A_921] : memref<32x128xf32, #tpu.memory_space<vmem>> -> memref<1x128xf32, #tpu.memory_space<vmem>>
    %dma_start3A_923 = tpu.memref_squeeze %dma_start3A_922 : memref<1x128xf32, #tpu.memory_space<vmem>> -> memref<128xf32, #tpu.memory_space<vmem>>
    %dma_start3A_924 = arith.constant 0 : i32
    %dma_start3A_925 = tpu.memref_slice %arg5[%dma_start3A_919, %dma_start3A_924] : memref<32x128xi32, #tpu.memory_space<vmem>> -> memref<1x128xi32, #tpu.memory_space<vmem>>
    %dma_start3A_926 = tpu.memref_squeeze %dma_start3A_925 : memref<1x128xi32, #tpu.memory_space<vmem>> -> memref<128xi32, #tpu.memory_space<vmem>>
    %dma_start3A_927 = arith.constant 0 : i32
    %dma_start3A_928 = tpu.memref_slice %arg2[%dma_start3A_927] : memref<1000000xf32, #tpu.memory_space<hbm>> -> memref<1000000xf32, #tpu.memory_space<hbm>>
    tpu.enqueue_indirect_dma source(%dma_start3A_928 : memref<1000000xf32, #tpu.memory_space<hbm>>) target(%dma_start3A_923 : memref<128xf32, #tpu.memory_space<vmem>>) offsets(%dma_start3A_926 : memref<128xi32, #tpu.memory_space<vmem>>) semaphore(%arg9 : memref<!tpu.dma_semaphore, #tpu.memory_space<semaphore_mem>>)
    %dma_start3A_929 = arith.constant 13 : i32
    %dma_start3A_930 = arith.constant 13 : i32
    %dma_start3A_931 = arith.constant 0 : i32
    %dma_start3A_932 = tpu.memref_slice %arg6[%dma_start3A_930, %dma_start3A_931] : memref<32x128xf32, #tpu.memory_space<vmem>> -> memref<1x128xf32, #tpu.memory_space<vmem>>
    %dma_start3A_933 = tpu.memref_squeeze %dma_start3A_932 : memref<1x128xf32, #tpu.memory_space<vmem>> -> memref<128xf32, #tpu.memory_space<vmem>>
    %dma_start3A_934 = arith.constant 0 : i32
    %dma_start3A_935 = tpu.memref_slice %arg5[%dma_start3A_929, %dma_start3A_934] : memref<32x128xi32, #tpu.memory_space<vmem>> -> memref<1x128xi32, #tpu.memory_space<vmem>>
    %dma_start3A_936 = tpu.memref_squeeze %dma_start3A_935 : memref<1x128xi32, #tpu.memory_space<vmem>> -> memref<128xi32, #tpu.memory_space<vmem>>
    %dma_start3A_937 = arith.constant 0 : i32
    %dma_start3A_938 = tpu.memref_slice %arg2[%dma_start3A_937] : memref<1000000xf32, #tpu.memory_space<hbm>> -> memref<1000000xf32, #tpu.memory_space<hbm>>
    tpu.enqueue_indirect_dma source(%dma_start3A_938 : memref<1000000xf32, #tpu.memory_space<hbm>>) target(%dma_start3A_933 : memref<128xf32, #tpu.memory_space<vmem>>) offsets(%dma_start3A_936 : memref<128xi32, #tpu.memory_space<vmem>>) semaphore(%arg9 : memref<!tpu.dma_semaphore, #tpu.memory_space<semaphore_mem>>)
    %dma_start3A_939 = arith.constant 14 : i32
    %dma_start3A_940 = arith.constant 14 : i32
    %dma_start3A_941 = arith.constant 0 : i32
    %dma_start3A_942 = tpu.memref_slice %arg6[%dma_start3A_940, %dma_start3A_941] : memref<32x128xf32, #tpu.memory_space<vmem>> -> memref<1x128xf32, #tpu.memory_space<vmem>>
    %dma_start3A_943 = tpu.memref_squeeze %dma_start3A_942 : memref<1x128xf32, #tpu.memory_space<vmem>> -> memref<128xf32, #tpu.memory_space<vmem>>
    %dma_start3A_944 = arith.constant 0 : i32
    %dma_start3A_945 = tpu.memref_slice %arg5[%dma_start3A_939, %dma_start3A_944] : memref<32x128xi32, #tpu.memory_space<vmem>> -> memref<1x128xi32, #tpu.memory_space<vmem>>
    %dma_start3A_946 = tpu.memref_squeeze %dma_start3A_945 : memref<1x128xi32, #tpu.memory_space<vmem>> -> memref<128xi32, #tpu.memory_space<vmem>>
    %dma_start3A_947 = arith.constant 0 : i32
    %dma_start3A_948 = tpu.memref_slice %arg2[%dma_start3A_947] : memref<1000000xf32, #tpu.memory_space<hbm>> -> memref<1000000xf32, #tpu.memory_space<hbm>>
    tpu.enqueue_indirect_dma source(%dma_start3A_948 : memref<1000000xf32, #tpu.memory_space<hbm>>) target(%dma_start3A_943 : memref<128xf32, #tpu.memory_space<vmem>>) offsets(%dma_start3A_946 : memref<128xi32, #tpu.memory_space<vmem>>) semaphore(%arg9 : memref<!tpu.dma_semaphore, #tpu.memory_space<semaphore_mem>>)
    %dma_start3A_949 = arith.constant 15 : i32
    %dma_start3A_950 = arith.constant 15 : i32
    %dma_start3A_951 = arith.constant 0 : i32
    %dma_start3A_952 = tpu.memref_slice %arg6[%dma_start3A_950, %dma_start3A_951] : memref<32x128xf32, #tpu.memory_space<vmem>> -> memref<1x128xf32, #tpu.memory_space<vmem>>
    %dma_start3A_953 = tpu.memref_squeeze %dma_start3A_952 : memref<1x128xf32, #tpu.memory_space<vmem>> -> memref<128xf32, #tpu.memory_space<vmem>>
    %dma_start3A_954 = arith.constant 0 : i32
    %dma_start3A_955 = tpu.memref_slice %arg5[%dma_start3A_949, %dma_start3A_954] : memref<32x128xi32, #tpu.memory_space<vmem>> -> memref<1x128xi32, #tpu.memory_space<vmem>>
    %dma_start3A_956 = tpu.memref_squeeze %dma_start3A_955 : memref<1x128xi32, #tpu.memory_space<vmem>> -> memref<128xi32, #tpu.memory_space<vmem>>
    %dma_start3A_957 = arith.constant 0 : i32
    %dma_start3A_958 = tpu.memref_slice %arg2[%dma_start3A_957] : memref<1000000xf32, #tpu.memory_space<hbm>> -> memref<1000000xf32, #tpu.memory_space<hbm>>
    tpu.enqueue_indirect_dma source(%dma_start3A_958 : memref<1000000xf32, #tpu.memory_space<hbm>>) target(%dma_start3A_953 : memref<128xf32, #tpu.memory_space<vmem>>) offsets(%dma_start3A_956 : memref<128xi32, #tpu.memory_space<vmem>>) semaphore(%arg9 : memref<!tpu.dma_semaphore, #tpu.memory_space<semaphore_mem>>)
    %dma_start3A_959 = arith.constant 16 : i32
    %dma_start3A_960 = arith.constant 16 : i32
    %dma_start3A_961 = arith.constant 0 : i32
    %dma_start3A_962 = tpu.memref_slice %arg6[%dma_start3A_960, %dma_start3A_961] : memref<32x128xf32, #tpu.memory_space<vmem>> -> memref<1x128xf32, #tpu.memory_space<vmem>>
    %dma_start3A_963 = tpu.memref_squeeze %dma_start3A_962 : memref<1x128xf32, #tpu.memory_space<vmem>> -> memref<128xf32, #tpu.memory_space<vmem>>
    %dma_start3A_964 = arith.constant 0 : i32
    %dma_start3A_965 = tpu.memref_slice %arg5[%dma_start3A_959, %dma_start3A_964] : memref<32x128xi32, #tpu.memory_space<vmem>> -> memref<1x128xi32, #tpu.memory_space<vmem>>
    %dma_start3A_966 = tpu.memref_squeeze %dma_start3A_965 : memref<1x128xi32, #tpu.memory_space<vmem>> -> memref<128xi32, #tpu.memory_space<vmem>>
    %dma_start3A_967 = arith.constant 0 : i32
    %dma_start3A_968 = tpu.memref_slice %arg2[%dma_start3A_967] : memref<1000000xf32, #tpu.memory_space<hbm>> -> memref<1000000xf32, #tpu.memory_space<hbm>>
    tpu.enqueue_indirect_dma source(%dma_start3A_968 : memref<1000000xf32, #tpu.memory_space<hbm>>) target(%dma_start3A_963 : memref<128xf32, #tpu.memory_space<vmem>>) offsets(%dma_start3A_966 : memref<128xi32, #tpu.memory_space<vmem>>) semaphore(%arg9 : memref<!tpu.dma_semaphore, #tpu.memory_space<semaphore_mem>>)
    %dma_start3A_969 = arith.constant 17 : i32
    %dma_start3A_970 = arith.constant 17 : i32
    %dma_start3A_971 = arith.constant 0 : i32
    %dma_start3A_972 = tpu.memref_slice %arg6[%dma_start3A_970, %dma_start3A_971] : memref<32x128xf32, #tpu.memory_space<vmem>> -> memref<1x128xf32, #tpu.memory_space<vmem>>
    %dma_start3A_973 = tpu.memref_squeeze %dma_start3A_972 : memref<1x128xf32, #tpu.memory_space<vmem>> -> memref<128xf32, #tpu.memory_space<vmem>>
    %dma_start3A_974 = arith.constant 0 : i32
    %dma_start3A_975 = tpu.memref_slice %arg5[%dma_start3A_969, %dma_start3A_974] : memref<32x128xi32, #tpu.memory_space<vmem>> -> memref<1x128xi32, #tpu.memory_space<vmem>>
    %dma_start3A_976 = tpu.memref_squeeze %dma_start3A_975 : memref<1x128xi32, #tpu.memory_space<vmem>> -> memref<128xi32, #tpu.memory_space<vmem>>
    %dma_start3A_977 = arith.constant 0 : i32
    %dma_start3A_978 = tpu.memref_slice %arg2[%dma_start3A_977] : memref<1000000xf32, #tpu.memory_space<hbm>> -> memref<1000000xf32, #tpu.memory_space<hbm>>
    tpu.enqueue_indirect_dma source(%dma_start3A_978 : memref<1000000xf32, #tpu.memory_space<hbm>>) target(%dma_start3A_973 : memref<128xf32, #tpu.memory_space<vmem>>) offsets(%dma_start3A_976 : memref<128xi32, #tpu.memory_space<vmem>>) semaphore(%arg9 : memref<!tpu.dma_semaphore, #tpu.memory_space<semaphore_mem>>)
    %dma_start3A_979 = arith.constant 18 : i32
    %dma_start3A_980 = arith.constant 18 : i32
    %dma_start3A_981 = arith.constant 0 : i32
    %dma_start3A_982 = tpu.memref_slice %arg6[%dma_start3A_980, %dma_start3A_981] : memref<32x128xf32, #tpu.memory_space<vmem>> -> memref<1x128xf32, #tpu.memory_space<vmem>>
    %dma_start3A_983 = tpu.memref_squeeze %dma_start3A_982 : memref<1x128xf32, #tpu.memory_space<vmem>> -> memref<128xf32, #tpu.memory_space<vmem>>
    %dma_start3A_984 = arith.constant 0 : i32
    %dma_start3A_985 = tpu.memref_slice %arg5[%dma_start3A_979, %dma_start3A_984] : memref<32x128xi32, #tpu.memory_space<vmem>> -> memref<1x128xi32, #tpu.memory_space<vmem>>
    %dma_start3A_986 = tpu.memref_squeeze %dma_start3A_985 : memref<1x128xi32, #tpu.memory_space<vmem>> -> memref<128xi32, #tpu.memory_space<vmem>>
    %dma_start3A_987 = arith.constant 0 : i32
    %dma_start3A_988 = tpu.memref_slice %arg2[%dma_start3A_987] : memref<1000000xf32, #tpu.memory_space<hbm>> -> memref<1000000xf32, #tpu.memory_space<hbm>>
    tpu.enqueue_indirect_dma source(%dma_start3A_988 : memref<1000000xf32, #tpu.memory_space<hbm>>) target(%dma_start3A_983 : memref<128xf32, #tpu.memory_space<vmem>>) offsets(%dma_start3A_986 : memref<128xi32, #tpu.memory_space<vmem>>) semaphore(%arg9 : memref<!tpu.dma_semaphore, #tpu.memory_space<semaphore_mem>>)
    %dma_start3A_989 = arith.constant 19 : i32
    %dma_start3A_990 = arith.constant 19 : i32
    %dma_start3A_991 = arith.constant 0 : i32
    %dma_start3A_992 = tpu.memref_slice %arg6[%dma_start3A_990, %dma_start3A_991] : memref<32x128xf32, #tpu.memory_space<vmem>> -> memref<1x128xf32, #tpu.memory_space<vmem>>
    %dma_start3A_993 = tpu.memref_squeeze %dma_start3A_992 : memref<1x128xf32, #tpu.memory_space<vmem>> -> memref<128xf32, #tpu.memory_space<vmem>>
    %dma_start3A_994 = arith.constant 0 : i32
    %dma_start3A_995 = tpu.memref_slice %arg5[%dma_start3A_989, %dma_start3A_994] : memref<32x128xi32, #tpu.memory_space<vmem>> -> memref<1x128xi32, #tpu.memory_space<vmem>>
    %dma_start3A_996 = tpu.memref_squeeze %dma_start3A_995 : memref<1x128xi32, #tpu.memory_space<vmem>> -> memref<128xi32, #tpu.memory_space<vmem>>
    %dma_start3A_997 = arith.constant 0 : i32
    %dma_start3A_998 = tpu.memref_slice %arg2[%dma_start3A_997] : memref<1000000xf32, #tpu.memory_space<hbm>> -> memref<1000000xf32, #tpu.memory_space<hbm>>
    tpu.enqueue_indirect_dma source(%dma_start3A_998 : memref<1000000xf32, #tpu.memory_space<hbm>>) target(%dma_start3A_993 : memref<128xf32, #tpu.memory_space<vmem>>) offsets(%dma_start3A_996 : memref<128xi32, #tpu.memory_space<vmem>>) semaphore(%arg9 : memref<!tpu.dma_semaphore, #tpu.memory_space<semaphore_mem>>)
    %dma_start3A_999 = arith.constant 20 : i32
    %dma_start3A_1000 = arith.constant 20 : i32
    %dma_start3A_1001 = arith.constant 0 : i32
    %dma_start3A_1002 = tpu.memref_slice %arg6[%dma_start3A_1000, %dma_start3A_1001] : memref<32x128xf32, #tpu.memory_space<vmem>> -> memref<1x128xf32, #tpu.memory_space<vmem>>
    %dma_start3A_1003 = tpu.memref_squeeze %dma_start3A_1002 : memref<1x128xf32, #tpu.memory_space<vmem>> -> memref<128xf32, #tpu.memory_space<vmem>>
    %dma_start3A_1004 = arith.constant 0 : i32
    %dma_start3A_1005 = tpu.memref_slice %arg5[%dma_start3A_999, %dma_start3A_1004] : memref<32x128xi32, #tpu.memory_space<vmem>> -> memref<1x128xi32, #tpu.memory_space<vmem>>
    %dma_start3A_1006 = tpu.memref_squeeze %dma_start3A_1005 : memref<1x128xi32, #tpu.memory_space<vmem>> -> memref<128xi32, #tpu.memory_space<vmem>>
    %dma_start3A_1007 = arith.constant 0 : i32
    %dma_start3A_1008 = tpu.memref_slice %arg2[%dma_start3A_1007] : memref<1000000xf32, #tpu.memory_space<hbm>> -> memref<1000000xf32, #tpu.memory_space<hbm>>
    tpu.enqueue_indirect_dma source(%dma_start3A_1008 : memref<1000000xf32, #tpu.memory_space<hbm>>) target(%dma_start3A_1003 : memref<128xf32, #tpu.memory_space<vmem>>) offsets(%dma_start3A_1006 : memref<128xi32, #tpu.memory_space<vmem>>) semaphore(%arg9 : memref<!tpu.dma_semaphore, #tpu.memory_space<semaphore_mem>>)
    %dma_start3A_1009 = arith.constant 21 : i32
    %dma_start3A_1010 = arith.constant 21 : i32
    %dma_start3A_1011 = arith.constant 0 : i32
    %dma_start3A_1012 = tpu.memref_slice %arg6[%dma_start3A_1010, %dma_start3A_1011] : memref<32x128xf32, #tpu.memory_space<vmem>> -> memref<1x128xf32, #tpu.memory_space<vmem>>
    %dma_start3A_1013 = tpu.memref_squeeze %dma_start3A_1012 : memref<1x128xf32, #tpu.memory_space<vmem>> -> memref<128xf32, #tpu.memory_space<vmem>>
    %dma_start3A_1014 = arith.constant 0 : i32
    %dma_start3A_1015 = tpu.memref_slice %arg5[%dma_start3A_1009, %dma_start3A_1014] : memref<32x128xi32, #tpu.memory_space<vmem>> -> memref<1x128xi32, #tpu.memory_space<vmem>>
    %dma_start3A_1016 = tpu.memref_squeeze %dma_start3A_1015 : memref<1x128xi32, #tpu.memory_space<vmem>> -> memref<128xi32, #tpu.memory_space<vmem>>
    %dma_start3A_1017 = arith.constant 0 : i32
    %dma_start3A_1018 = tpu.memref_slice %arg2[%dma_start3A_1017] : memref<1000000xf32, #tpu.memory_space<hbm>> -> memref<1000000xf32, #tpu.memory_space<hbm>>
    tpu.enqueue_indirect_dma source(%dma_start3A_1018 : memref<1000000xf32, #tpu.memory_space<hbm>>) target(%dma_start3A_1013 : memref<128xf32, #tpu.memory_space<vmem>>) offsets(%dma_start3A_1016 : memref<128xi32, #tpu.memory_space<vmem>>) semaphore(%arg9 : memref<!tpu.dma_semaphore, #tpu.memory_space<semaphore_mem>>)
    %dma_start3A_1019 = arith.constant 22 : i32
    %dma_start3A_1020 = arith.constant 22 : i32
    %dma_start3A_1021 = arith.constant 0 : i32
    %dma_start3A_1022 = tpu.memref_slice %arg6[%dma_start3A_1020, %dma_start3A_1021] : memref<32x128xf32, #tpu.memory_space<vmem>> -> memref<1x128xf32, #tpu.memory_space<vmem>>
    %dma_start3A_1023 = tpu.memref_squeeze %dma_start3A_1022 : memref<1x128xf32, #tpu.memory_space<vmem>> -> memref<128xf32, #tpu.memory_space<vmem>>
    %dma_start3A_1024 = arith.constant 0 : i32
    %dma_start3A_1025 = tpu.memref_slice %arg5[%dma_start3A_1019, %dma_start3A_1024] : memref<32x128xi32, #tpu.memory_space<vmem>> -> memref<1x128xi32, #tpu.memory_space<vmem>>
    %dma_start3A_1026 = tpu.memref_squeeze %dma_start3A_1025 : memref<1x128xi32, #tpu.memory_space<vmem>> -> memref<128xi32, #tpu.memory_space<vmem>>
    %dma_start3A_1027 = arith.constant 0 : i32
    %dma_start3A_1028 = tpu.memref_slice %arg2[%dma_start3A_1027] : memref<1000000xf32, #tpu.memory_space<hbm>> -> memref<1000000xf32, #tpu.memory_space<hbm>>
    tpu.enqueue_indirect_dma source(%dma_start3A_1028 : memref<1000000xf32, #tpu.memory_space<hbm>>) target(%dma_start3A_1023 : memref<128xf32, #tpu.memory_space<vmem>>) offsets(%dma_start3A_1026 : memref<128xi32, #tpu.memory_space<vmem>>) semaphore(%arg9 : memref<!tpu.dma_semaphore, #tpu.memory_space<semaphore_mem>>)
    %dma_start3A_1029 = arith.constant 23 : i32
    %dma_start3A_1030 = arith.constant 23 : i32
    %dma_start3A_1031 = arith.constant 0 : i32
    %dma_start3A_1032 = tpu.memref_slice %arg6[%dma_start3A_1030, %dma_start3A_1031] : memref<32x128xf32, #tpu.memory_space<vmem>> -> memref<1x128xf32, #tpu.memory_space<vmem>>
    %dma_start3A_1033 = tpu.memref_squeeze %dma_start3A_1032 : memref<1x128xf32, #tpu.memory_space<vmem>> -> memref<128xf32, #tpu.memory_space<vmem>>
    %dma_start3A_1034 = arith.constant 0 : i32
    %dma_start3A_1035 = tpu.memref_slice %arg5[%dma_start3A_1029, %dma_start3A_1034] : memref<32x128xi32, #tpu.memory_space<vmem>> -> memref<1x128xi32, #tpu.memory_space<vmem>>
    %dma_start3A_1036 = tpu.memref_squeeze %dma_start3A_1035 : memref<1x128xi32, #tpu.memory_space<vmem>> -> memref<128xi32, #tpu.memory_space<vmem>>
    %dma_start3A_1037 = arith.constant 0 : i32
    %dma_start3A_1038 = tpu.memref_slice %arg2[%dma_start3A_1037] : memref<1000000xf32, #tpu.memory_space<hbm>> -> memref<1000000xf32, #tpu.memory_space<hbm>>
    tpu.enqueue_indirect_dma source(%dma_start3A_1038 : memref<1000000xf32, #tpu.memory_space<hbm>>) target(%dma_start3A_1033 : memref<128xf32, #tpu.memory_space<vmem>>) offsets(%dma_start3A_1036 : memref<128xi32, #tpu.memory_space<vmem>>) semaphore(%arg9 : memref<!tpu.dma_semaphore, #tpu.memory_space<semaphore_mem>>)
    %dma_start3A_1039 = arith.constant 24 : i32
    %dma_start3A_1040 = arith.constant 24 : i32
    %dma_start3A_1041 = arith.constant 0 : i32
    %dma_start3A_1042 = tpu.memref_slice %arg6[%dma_start3A_1040, %dma_start3A_1041] : memref<32x128xf32, #tpu.memory_space<vmem>> -> memref<1x128xf32, #tpu.memory_space<vmem>>
    %dma_start3A_1043 = tpu.memref_squeeze %dma_start3A_1042 : memref<1x128xf32, #tpu.memory_space<vmem>> -> memref<128xf32, #tpu.memory_space<vmem>>
    %dma_start3A_1044 = arith.constant 0 : i32
    %dma_start3A_1045 = tpu.memref_slice %arg5[%dma_start3A_1039, %dma_start3A_1044] : memref<32x128xi32, #tpu.memory_space<vmem>> -> memref<1x128xi32, #tpu.memory_space<vmem>>
    %dma_start3A_1046 = tpu.memref_squeeze %dma_start3A_1045 : memref<1x128xi32, #tpu.memory_space<vmem>> -> memref<128xi32, #tpu.memory_space<vmem>>
    %dma_start3A_1047 = arith.constant 0 : i32
    %dma_start3A_1048 = tpu.memref_slice %arg2[%dma_start3A_1047] : memref<1000000xf32, #tpu.memory_space<hbm>> -> memref<1000000xf32, #tpu.memory_space<hbm>>
    tpu.enqueue_indirect_dma source(%dma_start3A_1048 : memref<1000000xf32, #tpu.memory_space<hbm>>) target(%dma_start3A_1043 : memref<128xf32, #tpu.memory_space<vmem>>) offsets(%dma_start3A_1046 : memref<128xi32, #tpu.memory_space<vmem>>) semaphore(%arg9 : memref<!tpu.dma_semaphore, #tpu.memory_space<semaphore_mem>>)
    %dma_start3A_1049 = arith.constant 25 : i32
    %dma_start3A_1050 = arith.constant 25 : i32
    %dma_start3A_1051 = arith.constant 0 : i32
    %dma_start3A_1052 = tpu.memref_slice %arg6[%dma_start3A_1050, %dma_start3A_1051] : memref<32x128xf32, #tpu.memory_space<vmem>> -> memref<1x128xf32, #tpu.memory_space<vmem>>
    %dma_start3A_1053 = tpu.memref_squeeze %dma_start3A_1052 : memref<1x128xf32, #tpu.memory_space<vmem>> -> memref<128xf32, #tpu.memory_space<vmem>>
    %dma_start3A_1054 = arith.constant 0 : i32
    %dma_start3A_1055 = tpu.memref_slice %arg5[%dma_start3A_1049, %dma_start3A_1054] : memref<32x128xi32, #tpu.memory_space<vmem>> -> memref<1x128xi32, #tpu.memory_space<vmem>>
    %dma_start3A_1056 = tpu.memref_squeeze %dma_start3A_1055 : memref<1x128xi32, #tpu.memory_space<vmem>> -> memref<128xi32, #tpu.memory_space<vmem>>
    %dma_start3A_1057 = arith.constant 0 : i32
    %dma_start3A_1058 = tpu.memref_slice %arg2[%dma_start3A_1057] : memref<1000000xf32, #tpu.memory_space<hbm>> -> memref<1000000xf32, #tpu.memory_space<hbm>>
    tpu.enqueue_indirect_dma source(%dma_start3A_1058 : memref<1000000xf32, #tpu.memory_space<hbm>>) target(%dma_start3A_1053 : memref<128xf32, #tpu.memory_space<vmem>>) offsets(%dma_start3A_1056 : memref<128xi32, #tpu.memory_space<vmem>>) semaphore(%arg9 : memref<!tpu.dma_semaphore, #tpu.memory_space<semaphore_mem>>)
    %dma_start3A_1059 = arith.constant 26 : i32
    %dma_start3A_1060 = arith.constant 26 : i32
    %dma_start3A_1061 = arith.constant 0 : i32
    %dma_start3A_1062 = tpu.memref_slice %arg6[%dma_start3A_1060, %dma_start3A_1061] : memref<32x128xf32, #tpu.memory_space<vmem>> -> memref<1x128xf32, #tpu.memory_space<vmem>>
    %dma_start3A_1063 = tpu.memref_squeeze %dma_start3A_1062 : memref<1x128xf32, #tpu.memory_space<vmem>> -> memref<128xf32, #tpu.memory_space<vmem>>
    %dma_start3A_1064 = arith.constant 0 : i32
    %dma_start3A_1065 = tpu.memref_slice %arg5[%dma_start3A_1059, %dma_start3A_1064] : memref<32x128xi32, #tpu.memory_space<vmem>> -> memref<1x128xi32, #tpu.memory_space<vmem>>
    %dma_start3A_1066 = tpu.memref_squeeze %dma_start3A_1065 : memref<1x128xi32, #tpu.memory_space<vmem>> -> memref<128xi32, #tpu.memory_space<vmem>>
    %dma_start3A_1067 = arith.constant 0 : i32
    %dma_start3A_1068 = tpu.memref_slice %arg2[%dma_start3A_1067] : memref<1000000xf32, #tpu.memory_space<hbm>> -> memref<1000000xf32, #tpu.memory_space<hbm>>
    tpu.enqueue_indirect_dma source(%dma_start3A_1068 : memref<1000000xf32, #tpu.memory_space<hbm>>) target(%dma_start3A_1063 : memref<128xf32, #tpu.memory_space<vmem>>) offsets(%dma_start3A_1066 : memref<128xi32, #tpu.memory_space<vmem>>) semaphore(%arg9 : memref<!tpu.dma_semaphore, #tpu.memory_space<semaphore_mem>>)
    %dma_start3A_1069 = arith.constant 27 : i32
    %dma_start3A_1070 = arith.constant 27 : i32
    %dma_start3A_1071 = arith.constant 0 : i32
    %dma_start3A_1072 = tpu.memref_slice %arg6[%dma_start3A_1070, %dma_start3A_1071] : memref<32x128xf32, #tpu.memory_space<vmem>> -> memref<1x128xf32, #tpu.memory_space<vmem>>
    %dma_start3A_1073 = tpu.memref_squeeze %dma_start3A_1072 : memref<1x128xf32, #tpu.memory_space<vmem>> -> memref<128xf32, #tpu.memory_space<vmem>>
    %dma_start3A_1074 = arith.constant 0 : i32
    %dma_start3A_1075 = tpu.memref_slice %arg5[%dma_start3A_1069, %dma_start3A_1074] : memref<32x128xi32, #tpu.memory_space<vmem>> -> memref<1x128xi32, #tpu.memory_space<vmem>>
    %dma_start3A_1076 = tpu.memref_squeeze %dma_start3A_1075 : memref<1x128xi32, #tpu.memory_space<vmem>> -> memref<128xi32, #tpu.memory_space<vmem>>
    %dma_start3A_1077 = arith.constant 0 : i32
    %dma_start3A_1078 = tpu.memref_slice %arg2[%dma_start3A_1077] : memref<1000000xf32, #tpu.memory_space<hbm>> -> memref<1000000xf32, #tpu.memory_space<hbm>>
    tpu.enqueue_indirect_dma source(%dma_start3A_1078 : memref<1000000xf32, #tpu.memory_space<hbm>>) target(%dma_start3A_1073 : memref<128xf32, #tpu.memory_space<vmem>>) offsets(%dma_start3A_1076 : memref<128xi32, #tpu.memory_space<vmem>>) semaphore(%arg9 : memref<!tpu.dma_semaphore, #tpu.memory_space<semaphore_mem>>)
    %dma_start3A_1079 = arith.constant 28 : i32
    %dma_start3A_1080 = arith.constant 28 : i32
    %dma_start3A_1081 = arith.constant 0 : i32
    %dma_start3A_1082 = tpu.memref_slice %arg6[%dma_start3A_1080, %dma_start3A_1081] : memref<32x128xf32, #tpu.memory_space<vmem>> -> memref<1x128xf32, #tpu.memory_space<vmem>>
    %dma_start3A_1083 = tpu.memref_squeeze %dma_start3A_1082 : memref<1x128xf32, #tpu.memory_space<vmem>> -> memref<128xf32, #tpu.memory_space<vmem>>
    %dma_start3A_1084 = arith.constant 0 : i32
    %dma_start3A_1085 = tpu.memref_slice %arg5[%dma_start3A_1079, %dma_start3A_1084] : memref<32x128xi32, #tpu.memory_space<vmem>> -> memref<1x128xi32, #tpu.memory_space<vmem>>
    %dma_start3A_1086 = tpu.memref_squeeze %dma_start3A_1085 : memref<1x128xi32, #tpu.memory_space<vmem>> -> memref<128xi32, #tpu.memory_space<vmem>>
    %dma_start3A_1087 = arith.constant 0 : i32
    %dma_start3A_1088 = tpu.memref_slice %arg2[%dma_start3A_1087] : memref<1000000xf32, #tpu.memory_space<hbm>> -> memref<1000000xf32, #tpu.memory_space<hbm>>
    tpu.enqueue_indirect_dma source(%dma_start3A_1088 : memref<1000000xf32, #tpu.memory_space<hbm>>) target(%dma_start3A_1083 : memref<128xf32, #tpu.memory_space<vmem>>) offsets(%dma_start3A_1086 : memref<128xi32, #tpu.memory_space<vmem>>) semaphore(%arg9 : memref<!tpu.dma_semaphore, #tpu.memory_space<semaphore_mem>>)
    %dma_start3A_1089 = arith.constant 29 : i32
    %dma_start3A_1090 = arith.constant 29 : i32
    %dma_start3A_1091 = arith.constant 0 : i32
    %dma_start3A_1092 = tpu.memref_slice %arg6[%dma_start3A_1090, %dma_start3A_1091] : memref<32x128xf32, #tpu.memory_space<vmem>> -> memref<1x128xf32, #tpu.memory_space<vmem>>
    %dma_start3A_1093 = tpu.memref_squeeze %dma_start3A_1092 : memref<1x128xf32, #tpu.memory_space<vmem>> -> memref<128xf32, #tpu.memory_space<vmem>>
    %dma_start3A_1094 = arith.constant 0 : i32
    %dma_start3A_1095 = tpu.memref_slice %arg5[%dma_start3A_1089, %dma_start3A_1094] : memref<32x128xi32, #tpu.memory_space<vmem>> -> memref<1x128xi32, #tpu.memory_space<vmem>>
    %dma_start3A_1096 = tpu.memref_squeeze %dma_start3A_1095 : memref<1x128xi32, #tpu.memory_space<vmem>> -> memref<128xi32, #tpu.memory_space<vmem>>
    %dma_start3A_1097 = arith.constant 0 : i32
    %dma_start3A_1098 = tpu.memref_slice %arg2[%dma_start3A_1097] : memref<1000000xf32, #tpu.memory_space<hbm>> -> memref<1000000xf32, #tpu.memory_space<hbm>>
    tpu.enqueue_indirect_dma source(%dma_start3A_1098 : memref<1000000xf32, #tpu.memory_space<hbm>>) target(%dma_start3A_1093 : memref<128xf32, #tpu.memory_space<vmem>>) offsets(%dma_start3A_1096 : memref<128xi32, #tpu.memory_space<vmem>>) semaphore(%arg9 : memref<!tpu.dma_semaphore, #tpu.memory_space<semaphore_mem>>)
    %dma_start3A_1099 = arith.constant 30 : i32
    %dma_start3A_1100 = arith.constant 30 : i32
    %dma_start3A_1101 = arith.constant 0 : i32
    %dma_start3A_1102 = tpu.memref_slice %arg6[%dma_start3A_1100, %dma_start3A_1101] : memref<32x128xf32, #tpu.memory_space<vmem>> -> memref<1x128xf32, #tpu.memory_space<vmem>>
    %dma_start3A_1103 = tpu.memref_squeeze %dma_start3A_1102 : memref<1x128xf32, #tpu.memory_space<vmem>> -> memref<128xf32, #tpu.memory_space<vmem>>
    %dma_start3A_1104 = arith.constant 0 : i32
    %dma_start3A_1105 = tpu.memref_slice %arg5[%dma_start3A_1099, %dma_start3A_1104] : memref<32x128xi32, #tpu.memory_space<vmem>> -> memref<1x128xi32, #tpu.memory_space<vmem>>
    %dma_start3A_1106 = tpu.memref_squeeze %dma_start3A_1105 : memref<1x128xi32, #tpu.memory_space<vmem>> -> memref<128xi32, #tpu.memory_space<vmem>>
    %dma_start3A_1107 = arith.constant 0 : i32
    %dma_start3A_1108 = tpu.memref_slice %arg2[%dma_start3A_1107] : memref<1000000xf32, #tpu.memory_space<hbm>> -> memref<1000000xf32, #tpu.memory_space<hbm>>
    tpu.enqueue_indirect_dma source(%dma_start3A_1108 : memref<1000000xf32, #tpu.memory_space<hbm>>) target(%dma_start3A_1103 : memref<128xf32, #tpu.memory_space<vmem>>) offsets(%dma_start3A_1106 : memref<128xi32, #tpu.memory_space<vmem>>) semaphore(%arg9 : memref<!tpu.dma_semaphore, #tpu.memory_space<semaphore_mem>>)
    %dma_start3A_1109 = arith.constant 31 : i32
    %dma_start3A_1110 = arith.constant 31 : i32
    %dma_start3A_1111 = arith.constant 0 : i32
    %dma_start3A_1112 = tpu.memref_slice %arg6[%dma_start3A_1110, %dma_start3A_1111] : memref<32x128xf32, #tpu.memory_space<vmem>> -> memref<1x128xf32, #tpu.memory_space<vmem>>
    %dma_start3A_1113 = tpu.memref_squeeze %dma_start3A_1112 : memref<1x128xf32, #tpu.memory_space<vmem>> -> memref<128xf32, #tpu.memory_space<vmem>>
    %dma_start3A_1114 = arith.constant 0 : i32
    %dma_start3A_1115 = tpu.memref_slice %arg5[%dma_start3A_1109, %dma_start3A_1114] : memref<32x128xi32, #tpu.memory_space<vmem>> -> memref<1x128xi32, #tpu.memory_space<vmem>>
    %dma_start3A_1116 = tpu.memref_squeeze %dma_start3A_1115 : memref<1x128xi32, #tpu.memory_space<vmem>> -> memref<128xi32, #tpu.memory_space<vmem>>
    %dma_start3A_1117 = arith.constant 0 : i32
    %dma_start3A_1118 = tpu.memref_slice %arg2[%dma_start3A_1117] : memref<1000000xf32, #tpu.memory_space<hbm>> -> memref<1000000xf32, #tpu.memory_space<hbm>>
    tpu.enqueue_indirect_dma source(%dma_start3A_1118 : memref<1000000xf32, #tpu.memory_space<hbm>>) target(%dma_start3A_1113 : memref<128xf32, #tpu.memory_space<vmem>>) offsets(%dma_start3A_1116 : memref<128xi32, #tpu.memory_space<vmem>>) semaphore(%arg9 : memref<!tpu.dma_semaphore, #tpu.memory_space<semaphore_mem>>)
    %dma_wait3A_1119 = arith.constant 0 : i32
    %dma_wait3A_1120 = arith.constant 0 : i32
    %dma_wait3A_1121 = arith.constant 0 : i32
    %dma_wait3A_1122 = tpu.memref_slice %arg6[%dma_wait3A_1120, %dma_wait3A_1121] : memref<32x128xf32, #tpu.memory_space<vmem>> -> memref<1x128xf32, #tpu.memory_space<vmem>>
    %dma_wait3A_1123 = tpu.memref_squeeze %dma_wait3A_1122 : memref<1x128xf32, #tpu.memory_space<vmem>> -> memref<128xf32, #tpu.memory_space<vmem>>
    %dma_wait3A_1124 = arith.constant 0 : i32
    %dma_wait3A_1125 = tpu.memref_slice %arg5[%dma_wait3A_1119, %dma_wait3A_1124] : memref<32x128xi32, #tpu.memory_space<vmem>> -> memref<1x128xi32, #tpu.memory_space<vmem>>
    %dma_wait3A_1126 = tpu.memref_squeeze %dma_wait3A_1125 : memref<1x128xi32, #tpu.memory_space<vmem>> -> memref<128xi32, #tpu.memory_space<vmem>>
    %dma_wait3A_1127 = arith.constant 0 : i32
    %dma_wait3A_1128 = tpu.memref_slice %arg2[%dma_wait3A_1127] : memref<1000000xf32, #tpu.memory_space<hbm>> -> memref<1000000xf32, #tpu.memory_space<hbm>>
    tpu.wait_indirect_dma semaphore(%arg9 : memref<!tpu.dma_semaphore, #tpu.memory_space<semaphore_mem>>) src(%dma_wait3A_1128 : memref<1000000xf32, #tpu.memory_space<hbm>>) dst(%dma_wait3A_1123 : memref<128xf32, #tpu.memory_space<vmem>>)
    %dma_wait3A_1129 = arith.constant 1 : i32
    %dma_wait3A_1130 = arith.constant 1 : i32
    %dma_wait3A_1131 = arith.constant 0 : i32
    %dma_wait3A_1132 = tpu.memref_slice %arg6[%dma_wait3A_1130, %dma_wait3A_1131] : memref<32x128xf32, #tpu.memory_space<vmem>> -> memref<1x128xf32, #tpu.memory_space<vmem>>
    %dma_wait3A_1133 = tpu.memref_squeeze %dma_wait3A_1132 : memref<1x128xf32, #tpu.memory_space<vmem>> -> memref<128xf32, #tpu.memory_space<vmem>>
    %dma_wait3A_1134 = arith.constant 0 : i32
    %dma_wait3A_1135 = tpu.memref_slice %arg5[%dma_wait3A_1129, %dma_wait3A_1134] : memref<32x128xi32, #tpu.memory_space<vmem>> -> memref<1x128xi32, #tpu.memory_space<vmem>>
    %dma_wait3A_1136 = tpu.memref_squeeze %dma_wait3A_1135 : memref<1x128xi32, #tpu.memory_space<vmem>> -> memref<128xi32, #tpu.memory_space<vmem>>
    %dma_wait3A_1137 = arith.constant 0 : i32
    %dma_wait3A_1138 = tpu.memref_slice %arg2[%dma_wait3A_1137] : memref<1000000xf32, #tpu.memory_space<hbm>> -> memref<1000000xf32, #tpu.memory_space<hbm>>
    tpu.wait_indirect_dma semaphore(%arg9 : memref<!tpu.dma_semaphore, #tpu.memory_space<semaphore_mem>>) src(%dma_wait3A_1138 : memref<1000000xf32, #tpu.memory_space<hbm>>) dst(%dma_wait3A_1133 : memref<128xf32, #tpu.memory_space<vmem>>)
    %dma_wait3A_1139 = arith.constant 2 : i32
    %dma_wait3A_1140 = arith.constant 2 : i32
    %dma_wait3A_1141 = arith.constant 0 : i32
    %dma_wait3A_1142 = tpu.memref_slice %arg6[%dma_wait3A_1140, %dma_wait3A_1141] : memref<32x128xf32, #tpu.memory_space<vmem>> -> memref<1x128xf32, #tpu.memory_space<vmem>>
    %dma_wait3A_1143 = tpu.memref_squeeze %dma_wait3A_1142 : memref<1x128xf32, #tpu.memory_space<vmem>> -> memref<128xf32, #tpu.memory_space<vmem>>
    %dma_wait3A_1144 = arith.constant 0 : i32
    %dma_wait3A_1145 = tpu.memref_slice %arg5[%dma_wait3A_1139, %dma_wait3A_1144] : memref<32x128xi32, #tpu.memory_space<vmem>> -> memref<1x128xi32, #tpu.memory_space<vmem>>
    %dma_wait3A_1146 = tpu.memref_squeeze %dma_wait3A_1145 : memref<1x128xi32, #tpu.memory_space<vmem>> -> memref<128xi32, #tpu.memory_space<vmem>>
    %dma_wait3A_1147 = arith.constant 0 : i32
    %dma_wait3A_1148 = tpu.memref_slice %arg2[%dma_wait3A_1147] : memref<1000000xf32, #tpu.memory_space<hbm>> -> memref<1000000xf32, #tpu.memory_space<hbm>>
    tpu.wait_indirect_dma semaphore(%arg9 : memref<!tpu.dma_semaphore, #tpu.memory_space<semaphore_mem>>) src(%dma_wait3A_1148 : memref<1000000xf32, #tpu.memory_space<hbm>>) dst(%dma_wait3A_1143 : memref<128xf32, #tpu.memory_space<vmem>>)
    %dma_wait3A_1149 = arith.constant 3 : i32
    %dma_wait3A_1150 = arith.constant 3 : i32
    %dma_wait3A_1151 = arith.constant 0 : i32
    %dma_wait3A_1152 = tpu.memref_slice %arg6[%dma_wait3A_1150, %dma_wait3A_1151] : memref<32x128xf32, #tpu.memory_space<vmem>> -> memref<1x128xf32, #tpu.memory_space<vmem>>
    %dma_wait3A_1153 = tpu.memref_squeeze %dma_wait3A_1152 : memref<1x128xf32, #tpu.memory_space<vmem>> -> memref<128xf32, #tpu.memory_space<vmem>>
    %dma_wait3A_1154 = arith.constant 0 : i32
    %dma_wait3A_1155 = tpu.memref_slice %arg5[%dma_wait3A_1149, %dma_wait3A_1154] : memref<32x128xi32, #tpu.memory_space<vmem>> -> memref<1x128xi32, #tpu.memory_space<vmem>>
    %dma_wait3A_1156 = tpu.memref_squeeze %dma_wait3A_1155 : memref<1x128xi32, #tpu.memory_space<vmem>> -> memref<128xi32, #tpu.memory_space<vmem>>
    %dma_wait3A_1157 = arith.constant 0 : i32
    %dma_wait3A_1158 = tpu.memref_slice %arg2[%dma_wait3A_1157] : memref<1000000xf32, #tpu.memory_space<hbm>> -> memref<1000000xf32, #tpu.memory_space<hbm>>
    tpu.wait_indirect_dma semaphore(%arg9 : memref<!tpu.dma_semaphore, #tpu.memory_space<semaphore_mem>>) src(%dma_wait3A_1158 : memref<1000000xf32, #tpu.memory_space<hbm>>) dst(%dma_wait3A_1153 : memref<128xf32, #tpu.memory_space<vmem>>)
    %dma_wait3A_1159 = arith.constant 4 : i32
    %dma_wait3A_1160 = arith.constant 4 : i32
    %dma_wait3A_1161 = arith.constant 0 : i32
    %dma_wait3A_1162 = tpu.memref_slice %arg6[%dma_wait3A_1160, %dma_wait3A_1161] : memref<32x128xf32, #tpu.memory_space<vmem>> -> memref<1x128xf32, #tpu.memory_space<vmem>>
    %dma_wait3A_1163 = tpu.memref_squeeze %dma_wait3A_1162 : memref<1x128xf32, #tpu.memory_space<vmem>> -> memref<128xf32, #tpu.memory_space<vmem>>
    %dma_wait3A_1164 = arith.constant 0 : i32
    %dma_wait3A_1165 = tpu.memref_slice %arg5[%dma_wait3A_1159, %dma_wait3A_1164] : memref<32x128xi32, #tpu.memory_space<vmem>> -> memref<1x128xi32, #tpu.memory_space<vmem>>
    %dma_wait3A_1166 = tpu.memref_squeeze %dma_wait3A_1165 : memref<1x128xi32, #tpu.memory_space<vmem>> -> memref<128xi32, #tpu.memory_space<vmem>>
    %dma_wait3A_1167 = arith.constant 0 : i32
    %dma_wait3A_1168 = tpu.memref_slice %arg2[%dma_wait3A_1167] : memref<1000000xf32, #tpu.memory_space<hbm>> -> memref<1000000xf32, #tpu.memory_space<hbm>>
    tpu.wait_indirect_dma semaphore(%arg9 : memref<!tpu.dma_semaphore, #tpu.memory_space<semaphore_mem>>) src(%dma_wait3A_1168 : memref<1000000xf32, #tpu.memory_space<hbm>>) dst(%dma_wait3A_1163 : memref<128xf32, #tpu.memory_space<vmem>>)
    %dma_wait3A_1169 = arith.constant 5 : i32
    %dma_wait3A_1170 = arith.constant 5 : i32
    %dma_wait3A_1171 = arith.constant 0 : i32
    %dma_wait3A_1172 = tpu.memref_slice %arg6[%dma_wait3A_1170, %dma_wait3A_1171] : memref<32x128xf32, #tpu.memory_space<vmem>> -> memref<1x128xf32, #tpu.memory_space<vmem>>
    %dma_wait3A_1173 = tpu.memref_squeeze %dma_wait3A_1172 : memref<1x128xf32, #tpu.memory_space<vmem>> -> memref<128xf32, #tpu.memory_space<vmem>>
    %dma_wait3A_1174 = arith.constant 0 : i32
    %dma_wait3A_1175 = tpu.memref_slice %arg5[%dma_wait3A_1169, %dma_wait3A_1174] : memref<32x128xi32, #tpu.memory_space<vmem>> -> memref<1x128xi32, #tpu.memory_space<vmem>>
    %dma_wait3A_1176 = tpu.memref_squeeze %dma_wait3A_1175 : memref<1x128xi32, #tpu.memory_space<vmem>> -> memref<128xi32, #tpu.memory_space<vmem>>
    %dma_wait3A_1177 = arith.constant 0 : i32
    %dma_wait3A_1178 = tpu.memref_slice %arg2[%dma_wait3A_1177] : memref<1000000xf32, #tpu.memory_space<hbm>> -> memref<1000000xf32, #tpu.memory_space<hbm>>
    tpu.wait_indirect_dma semaphore(%arg9 : memref<!tpu.dma_semaphore, #tpu.memory_space<semaphore_mem>>) src(%dma_wait3A_1178 : memref<1000000xf32, #tpu.memory_space<hbm>>) dst(%dma_wait3A_1173 : memref<128xf32, #tpu.memory_space<vmem>>)
    %dma_wait3A_1179 = arith.constant 6 : i32
    %dma_wait3A_1180 = arith.constant 6 : i32
    %dma_wait3A_1181 = arith.constant 0 : i32
    %dma_wait3A_1182 = tpu.memref_slice %arg6[%dma_wait3A_1180, %dma_wait3A_1181] : memref<32x128xf32, #tpu.memory_space<vmem>> -> memref<1x128xf32, #tpu.memory_space<vmem>>
    %dma_wait3A_1183 = tpu.memref_squeeze %dma_wait3A_1182 : memref<1x128xf32, #tpu.memory_space<vmem>> -> memref<128xf32, #tpu.memory_space<vmem>>
    %dma_wait3A_1184 = arith.constant 0 : i32
    %dma_wait3A_1185 = tpu.memref_slice %arg5[%dma_wait3A_1179, %dma_wait3A_1184] : memref<32x128xi32, #tpu.memory_space<vmem>> -> memref<1x128xi32, #tpu.memory_space<vmem>>
    %dma_wait3A_1186 = tpu.memref_squeeze %dma_wait3A_1185 : memref<1x128xi32, #tpu.memory_space<vmem>> -> memref<128xi32, #tpu.memory_space<vmem>>
    %dma_wait3A_1187 = arith.constant 0 : i32
    %dma_wait3A_1188 = tpu.memref_slice %arg2[%dma_wait3A_1187] : memref<1000000xf32, #tpu.memory_space<hbm>> -> memref<1000000xf32, #tpu.memory_space<hbm>>
    tpu.wait_indirect_dma semaphore(%arg9 : memref<!tpu.dma_semaphore, #tpu.memory_space<semaphore_mem>>) src(%dma_wait3A_1188 : memref<1000000xf32, #tpu.memory_space<hbm>>) dst(%dma_wait3A_1183 : memref<128xf32, #tpu.memory_space<vmem>>)
    %dma_wait3A_1189 = arith.constant 7 : i32
    %dma_wait3A_1190 = arith.constant 7 : i32
    %dma_wait3A_1191 = arith.constant 0 : i32
    %dma_wait3A_1192 = tpu.memref_slice %arg6[%dma_wait3A_1190, %dma_wait3A_1191] : memref<32x128xf32, #tpu.memory_space<vmem>> -> memref<1x128xf32, #tpu.memory_space<vmem>>
    %dma_wait3A_1193 = tpu.memref_squeeze %dma_wait3A_1192 : memref<1x128xf32, #tpu.memory_space<vmem>> -> memref<128xf32, #tpu.memory_space<vmem>>
    %dma_wait3A_1194 = arith.constant 0 : i32
    %dma_wait3A_1195 = tpu.memref_slice %arg5[%dma_wait3A_1189, %dma_wait3A_1194] : memref<32x128xi32, #tpu.memory_space<vmem>> -> memref<1x128xi32, #tpu.memory_space<vmem>>
    %dma_wait3A_1196 = tpu.memref_squeeze %dma_wait3A_1195 : memref<1x128xi32, #tpu.memory_space<vmem>> -> memref<128xi32, #tpu.memory_space<vmem>>
    %dma_wait3A_1197 = arith.constant 0 : i32
    %dma_wait3A_1198 = tpu.memref_slice %arg2[%dma_wait3A_1197] : memref<1000000xf32, #tpu.memory_space<hbm>> -> memref<1000000xf32, #tpu.memory_space<hbm>>
    tpu.wait_indirect_dma semaphore(%arg9 : memref<!tpu.dma_semaphore, #tpu.memory_space<semaphore_mem>>) src(%dma_wait3A_1198 : memref<1000000xf32, #tpu.memory_space<hbm>>) dst(%dma_wait3A_1193 : memref<128xf32, #tpu.memory_space<vmem>>)
    %dma_wait3A_1199 = arith.constant 8 : i32
    %dma_wait3A_1200 = arith.constant 8 : i32
    %dma_wait3A_1201 = arith.constant 0 : i32
    %dma_wait3A_1202 = tpu.memref_slice %arg6[%dma_wait3A_1200, %dma_wait3A_1201] : memref<32x128xf32, #tpu.memory_space<vmem>> -> memref<1x128xf32, #tpu.memory_space<vmem>>
    %dma_wait3A_1203 = tpu.memref_squeeze %dma_wait3A_1202 : memref<1x128xf32, #tpu.memory_space<vmem>> -> memref<128xf32, #tpu.memory_space<vmem>>
    %dma_wait3A_1204 = arith.constant 0 : i32
    %dma_wait3A_1205 = tpu.memref_slice %arg5[%dma_wait3A_1199, %dma_wait3A_1204] : memref<32x128xi32, #tpu.memory_space<vmem>> -> memref<1x128xi32, #tpu.memory_space<vmem>>
    %dma_wait3A_1206 = tpu.memref_squeeze %dma_wait3A_1205 : memref<1x128xi32, #tpu.memory_space<vmem>> -> memref<128xi32, #tpu.memory_space<vmem>>
    %dma_wait3A_1207 = arith.constant 0 : i32
    %dma_wait3A_1208 = tpu.memref_slice %arg2[%dma_wait3A_1207] : memref<1000000xf32, #tpu.memory_space<hbm>> -> memref<1000000xf32, #tpu.memory_space<hbm>>
    tpu.wait_indirect_dma semaphore(%arg9 : memref<!tpu.dma_semaphore, #tpu.memory_space<semaphore_mem>>) src(%dma_wait3A_1208 : memref<1000000xf32, #tpu.memory_space<hbm>>) dst(%dma_wait3A_1203 : memref<128xf32, #tpu.memory_space<vmem>>)
    %dma_wait3A_1209 = arith.constant 9 : i32
    %dma_wait3A_1210 = arith.constant 9 : i32
    %dma_wait3A_1211 = arith.constant 0 : i32
    %dma_wait3A_1212 = tpu.memref_slice %arg6[%dma_wait3A_1210, %dma_wait3A_1211] : memref<32x128xf32, #tpu.memory_space<vmem>> -> memref<1x128xf32, #tpu.memory_space<vmem>>
    %dma_wait3A_1213 = tpu.memref_squeeze %dma_wait3A_1212 : memref<1x128xf32, #tpu.memory_space<vmem>> -> memref<128xf32, #tpu.memory_space<vmem>>
    %dma_wait3A_1214 = arith.constant 0 : i32
    %dma_wait3A_1215 = tpu.memref_slice %arg5[%dma_wait3A_1209, %dma_wait3A_1214] : memref<32x128xi32, #tpu.memory_space<vmem>> -> memref<1x128xi32, #tpu.memory_space<vmem>>
    %dma_wait3A_1216 = tpu.memref_squeeze %dma_wait3A_1215 : memref<1x128xi32, #tpu.memory_space<vmem>> -> memref<128xi32, #tpu.memory_space<vmem>>
    %dma_wait3A_1217 = arith.constant 0 : i32
    %dma_wait3A_1218 = tpu.memref_slice %arg2[%dma_wait3A_1217] : memref<1000000xf32, #tpu.memory_space<hbm>> -> memref<1000000xf32, #tpu.memory_space<hbm>>
    tpu.wait_indirect_dma semaphore(%arg9 : memref<!tpu.dma_semaphore, #tpu.memory_space<semaphore_mem>>) src(%dma_wait3A_1218 : memref<1000000xf32, #tpu.memory_space<hbm>>) dst(%dma_wait3A_1213 : memref<128xf32, #tpu.memory_space<vmem>>)
    %dma_wait3A_1219 = arith.constant 10 : i32
    %dma_wait3A_1220 = arith.constant 10 : i32
    %dma_wait3A_1221 = arith.constant 0 : i32
    %dma_wait3A_1222 = tpu.memref_slice %arg6[%dma_wait3A_1220, %dma_wait3A_1221] : memref<32x128xf32, #tpu.memory_space<vmem>> -> memref<1x128xf32, #tpu.memory_space<vmem>>
    %dma_wait3A_1223 = tpu.memref_squeeze %dma_wait3A_1222 : memref<1x128xf32, #tpu.memory_space<vmem>> -> memref<128xf32, #tpu.memory_space<vmem>>
    %dma_wait3A_1224 = arith.constant 0 : i32
    %dma_wait3A_1225 = tpu.memref_slice %arg5[%dma_wait3A_1219, %dma_wait3A_1224] : memref<32x128xi32, #tpu.memory_space<vmem>> -> memref<1x128xi32, #tpu.memory_space<vmem>>
    %dma_wait3A_1226 = tpu.memref_squeeze %dma_wait3A_1225 : memref<1x128xi32, #tpu.memory_space<vmem>> -> memref<128xi32, #tpu.memory_space<vmem>>
    %dma_wait3A_1227 = arith.constant 0 : i32
    %dma_wait3A_1228 = tpu.memref_slice %arg2[%dma_wait3A_1227] : memref<1000000xf32, #tpu.memory_space<hbm>> -> memref<1000000xf32, #tpu.memory_space<hbm>>
    tpu.wait_indirect_dma semaphore(%arg9 : memref<!tpu.dma_semaphore, #tpu.memory_space<semaphore_mem>>) src(%dma_wait3A_1228 : memref<1000000xf32, #tpu.memory_space<hbm>>) dst(%dma_wait3A_1223 : memref<128xf32, #tpu.memory_space<vmem>>)
    %dma_wait3A_1229 = arith.constant 11 : i32
    %dma_wait3A_1230 = arith.constant 11 : i32
    %dma_wait3A_1231 = arith.constant 0 : i32
    %dma_wait3A_1232 = tpu.memref_slice %arg6[%dma_wait3A_1230, %dma_wait3A_1231] : memref<32x128xf32, #tpu.memory_space<vmem>> -> memref<1x128xf32, #tpu.memory_space<vmem>>
    %dma_wait3A_1233 = tpu.memref_squeeze %dma_wait3A_1232 : memref<1x128xf32, #tpu.memory_space<vmem>> -> memref<128xf32, #tpu.memory_space<vmem>>
    %dma_wait3A_1234 = arith.constant 0 : i32
    %dma_wait3A_1235 = tpu.memref_slice %arg5[%dma_wait3A_1229, %dma_wait3A_1234] : memref<32x128xi32, #tpu.memory_space<vmem>> -> memref<1x128xi32, #tpu.memory_space<vmem>>
    %dma_wait3A_1236 = tpu.memref_squeeze %dma_wait3A_1235 : memref<1x128xi32, #tpu.memory_space<vmem>> -> memref<128xi32, #tpu.memory_space<vmem>>
    %dma_wait3A_1237 = arith.constant 0 : i32
    %dma_wait3A_1238 = tpu.memref_slice %arg2[%dma_wait3A_1237] : memref<1000000xf32, #tpu.memory_space<hbm>> -> memref<1000000xf32, #tpu.memory_space<hbm>>
    tpu.wait_indirect_dma semaphore(%arg9 : memref<!tpu.dma_semaphore, #tpu.memory_space<semaphore_mem>>) src(%dma_wait3A_1238 : memref<1000000xf32, #tpu.memory_space<hbm>>) dst(%dma_wait3A_1233 : memref<128xf32, #tpu.memory_space<vmem>>)
    %dma_wait3A_1239 = arith.constant 12 : i32
    %dma_wait3A_1240 = arith.constant 12 : i32
    %dma_wait3A_1241 = arith.constant 0 : i32
    %dma_wait3A_1242 = tpu.memref_slice %arg6[%dma_wait3A_1240, %dma_wait3A_1241] : memref<32x128xf32, #tpu.memory_space<vmem>> -> memref<1x128xf32, #tpu.memory_space<vmem>>
    %dma_wait3A_1243 = tpu.memref_squeeze %dma_wait3A_1242 : memref<1x128xf32, #tpu.memory_space<vmem>> -> memref<128xf32, #tpu.memory_space<vmem>>
    %dma_wait3A_1244 = arith.constant 0 : i32
    %dma_wait3A_1245 = tpu.memref_slice %arg5[%dma_wait3A_1239, %dma_wait3A_1244] : memref<32x128xi32, #tpu.memory_space<vmem>> -> memref<1x128xi32, #tpu.memory_space<vmem>>
    %dma_wait3A_1246 = tpu.memref_squeeze %dma_wait3A_1245 : memref<1x128xi32, #tpu.memory_space<vmem>> -> memref<128xi32, #tpu.memory_space<vmem>>
    %dma_wait3A_1247 = arith.constant 0 : i32
    %dma_wait3A_1248 = tpu.memref_slice %arg2[%dma_wait3A_1247] : memref<1000000xf32, #tpu.memory_space<hbm>> -> memref<1000000xf32, #tpu.memory_space<hbm>>
    tpu.wait_indirect_dma semaphore(%arg9 : memref<!tpu.dma_semaphore, #tpu.memory_space<semaphore_mem>>) src(%dma_wait3A_1248 : memref<1000000xf32, #tpu.memory_space<hbm>>) dst(%dma_wait3A_1243 : memref<128xf32, #tpu.memory_space<vmem>>)
    %dma_wait3A_1249 = arith.constant 13 : i32
    %dma_wait3A_1250 = arith.constant 13 : i32
    %dma_wait3A_1251 = arith.constant 0 : i32
    %dma_wait3A_1252 = tpu.memref_slice %arg6[%dma_wait3A_1250, %dma_wait3A_1251] : memref<32x128xf32, #tpu.memory_space<vmem>> -> memref<1x128xf32, #tpu.memory_space<vmem>>
    %dma_wait3A_1253 = tpu.memref_squeeze %dma_wait3A_1252 : memref<1x128xf32, #tpu.memory_space<vmem>> -> memref<128xf32, #tpu.memory_space<vmem>>
    %dma_wait3A_1254 = arith.constant 0 : i32
    %dma_wait3A_1255 = tpu.memref_slice %arg5[%dma_wait3A_1249, %dma_wait3A_1254] : memref<32x128xi32, #tpu.memory_space<vmem>> -> memref<1x128xi32, #tpu.memory_space<vmem>>
    %dma_wait3A_1256 = tpu.memref_squeeze %dma_wait3A_1255 : memref<1x128xi32, #tpu.memory_space<vmem>> -> memref<128xi32, #tpu.memory_space<vmem>>
    %dma_wait3A_1257 = arith.constant 0 : i32
    %dma_wait3A_1258 = tpu.memref_slice %arg2[%dma_wait3A_1257] : memref<1000000xf32, #tpu.memory_space<hbm>> -> memref<1000000xf32, #tpu.memory_space<hbm>>
    tpu.wait_indirect_dma semaphore(%arg9 : memref<!tpu.dma_semaphore, #tpu.memory_space<semaphore_mem>>) src(%dma_wait3A_1258 : memref<1000000xf32, #tpu.memory_space<hbm>>) dst(%dma_wait3A_1253 : memref<128xf32, #tpu.memory_space<vmem>>)
    %dma_wait3A_1259 = arith.constant 14 : i32
    %dma_wait3A_1260 = arith.constant 14 : i32
    %dma_wait3A_1261 = arith.constant 0 : i32
    %dma_wait3A_1262 = tpu.memref_slice %arg6[%dma_wait3A_1260, %dma_wait3A_1261] : memref<32x128xf32, #tpu.memory_space<vmem>> -> memref<1x128xf32, #tpu.memory_space<vmem>>
    %dma_wait3A_1263 = tpu.memref_squeeze %dma_wait3A_1262 : memref<1x128xf32, #tpu.memory_space<vmem>> -> memref<128xf32, #tpu.memory_space<vmem>>
    %dma_wait3A_1264 = arith.constant 0 : i32
    %dma_wait3A_1265 = tpu.memref_slice %arg5[%dma_wait3A_1259, %dma_wait3A_1264] : memref<32x128xi32, #tpu.memory_space<vmem>> -> memref<1x128xi32, #tpu.memory_space<vmem>>
    %dma_wait3A_1266 = tpu.memref_squeeze %dma_wait3A_1265 : memref<1x128xi32, #tpu.memory_space<vmem>> -> memref<128xi32, #tpu.memory_space<vmem>>
    %dma_wait3A_1267 = arith.constant 0 : i32
    %dma_wait3A_1268 = tpu.memref_slice %arg2[%dma_wait3A_1267] : memref<1000000xf32, #tpu.memory_space<hbm>> -> memref<1000000xf32, #tpu.memory_space<hbm>>
    tpu.wait_indirect_dma semaphore(%arg9 : memref<!tpu.dma_semaphore, #tpu.memory_space<semaphore_mem>>) src(%dma_wait3A_1268 : memref<1000000xf32, #tpu.memory_space<hbm>>) dst(%dma_wait3A_1263 : memref<128xf32, #tpu.memory_space<vmem>>)
    %dma_wait3A_1269 = arith.constant 15 : i32
    %dma_wait3A_1270 = arith.constant 15 : i32
    %dma_wait3A_1271 = arith.constant 0 : i32
    %dma_wait3A_1272 = tpu.memref_slice %arg6[%dma_wait3A_1270, %dma_wait3A_1271] : memref<32x128xf32, #tpu.memory_space<vmem>> -> memref<1x128xf32, #tpu.memory_space<vmem>>
    %dma_wait3A_1273 = tpu.memref_squeeze %dma_wait3A_1272 : memref<1x128xf32, #tpu.memory_space<vmem>> -> memref<128xf32, #tpu.memory_space<vmem>>
    %dma_wait3A_1274 = arith.constant 0 : i32
    %dma_wait3A_1275 = tpu.memref_slice %arg5[%dma_wait3A_1269, %dma_wait3A_1274] : memref<32x128xi32, #tpu.memory_space<vmem>> -> memref<1x128xi32, #tpu.memory_space<vmem>>
    %dma_wait3A_1276 = tpu.memref_squeeze %dma_wait3A_1275 : memref<1x128xi32, #tpu.memory_space<vmem>> -> memref<128xi32, #tpu.memory_space<vmem>>
    %dma_wait3A_1277 = arith.constant 0 : i32
    %dma_wait3A_1278 = tpu.memref_slice %arg2[%dma_wait3A_1277] : memref<1000000xf32, #tpu.memory_space<hbm>> -> memref<1000000xf32, #tpu.memory_space<hbm>>
    tpu.wait_indirect_dma semaphore(%arg9 : memref<!tpu.dma_semaphore, #tpu.memory_space<semaphore_mem>>) src(%dma_wait3A_1278 : memref<1000000xf32, #tpu.memory_space<hbm>>) dst(%dma_wait3A_1273 : memref<128xf32, #tpu.memory_space<vmem>>)
    %dma_wait3A_1279 = arith.constant 16 : i32
    %dma_wait3A_1280 = arith.constant 16 : i32
    %dma_wait3A_1281 = arith.constant 0 : i32
    %dma_wait3A_1282 = tpu.memref_slice %arg6[%dma_wait3A_1280, %dma_wait3A_1281] : memref<32x128xf32, #tpu.memory_space<vmem>> -> memref<1x128xf32, #tpu.memory_space<vmem>>
    %dma_wait3A_1283 = tpu.memref_squeeze %dma_wait3A_1282 : memref<1x128xf32, #tpu.memory_space<vmem>> -> memref<128xf32, #tpu.memory_space<vmem>>
    %dma_wait3A_1284 = arith.constant 0 : i32
    %dma_wait3A_1285 = tpu.memref_slice %arg5[%dma_wait3A_1279, %dma_wait3A_1284] : memref<32x128xi32, #tpu.memory_space<vmem>> -> memref<1x128xi32, #tpu.memory_space<vmem>>
    %dma_wait3A_1286 = tpu.memref_squeeze %dma_wait3A_1285 : memref<1x128xi32, #tpu.memory_space<vmem>> -> memref<128xi32, #tpu.memory_space<vmem>>
    %dma_wait3A_1287 = arith.constant 0 : i32
    %dma_wait3A_1288 = tpu.memref_slice %arg2[%dma_wait3A_1287] : memref<1000000xf32, #tpu.memory_space<hbm>> -> memref<1000000xf32, #tpu.memory_space<hbm>>
    tpu.wait_indirect_dma semaphore(%arg9 : memref<!tpu.dma_semaphore, #tpu.memory_space<semaphore_mem>>) src(%dma_wait3A_1288 : memref<1000000xf32, #tpu.memory_space<hbm>>) dst(%dma_wait3A_1283 : memref<128xf32, #tpu.memory_space<vmem>>)
    %dma_wait3A_1289 = arith.constant 17 : i32
    %dma_wait3A_1290 = arith.constant 17 : i32
    %dma_wait3A_1291 = arith.constant 0 : i32
    %dma_wait3A_1292 = tpu.memref_slice %arg6[%dma_wait3A_1290, %dma_wait3A_1291] : memref<32x128xf32, #tpu.memory_space<vmem>> -> memref<1x128xf32, #tpu.memory_space<vmem>>
    %dma_wait3A_1293 = tpu.memref_squeeze %dma_wait3A_1292 : memref<1x128xf32, #tpu.memory_space<vmem>> -> memref<128xf32, #tpu.memory_space<vmem>>
    %dma_wait3A_1294 = arith.constant 0 : i32
    %dma_wait3A_1295 = tpu.memref_slice %arg5[%dma_wait3A_1289, %dma_wait3A_1294] : memref<32x128xi32, #tpu.memory_space<vmem>> -> memref<1x128xi32, #tpu.memory_space<vmem>>
    %dma_wait3A_1296 = tpu.memref_squeeze %dma_wait3A_1295 : memref<1x128xi32, #tpu.memory_space<vmem>> -> memref<128xi32, #tpu.memory_space<vmem>>
    %dma_wait3A_1297 = arith.constant 0 : i32
    %dma_wait3A_1298 = tpu.memref_slice %arg2[%dma_wait3A_1297] : memref<1000000xf32, #tpu.memory_space<hbm>> -> memref<1000000xf32, #tpu.memory_space<hbm>>
    tpu.wait_indirect_dma semaphore(%arg9 : memref<!tpu.dma_semaphore, #tpu.memory_space<semaphore_mem>>) src(%dma_wait3A_1298 : memref<1000000xf32, #tpu.memory_space<hbm>>) dst(%dma_wait3A_1293 : memref<128xf32, #tpu.memory_space<vmem>>)
    %dma_wait3A_1299 = arith.constant 18 : i32
    %dma_wait3A_1300 = arith.constant 18 : i32
    %dma_wait3A_1301 = arith.constant 0 : i32
    %dma_wait3A_1302 = tpu.memref_slice %arg6[%dma_wait3A_1300, %dma_wait3A_1301] : memref<32x128xf32, #tpu.memory_space<vmem>> -> memref<1x128xf32, #tpu.memory_space<vmem>>
    %dma_wait3A_1303 = tpu.memref_squeeze %dma_wait3A_1302 : memref<1x128xf32, #tpu.memory_space<vmem>> -> memref<128xf32, #tpu.memory_space<vmem>>
    %dma_wait3A_1304 = arith.constant 0 : i32
    %dma_wait3A_1305 = tpu.memref_slice %arg5[%dma_wait3A_1299, %dma_wait3A_1304] : memref<32x128xi32, #tpu.memory_space<vmem>> -> memref<1x128xi32, #tpu.memory_space<vmem>>
    %dma_wait3A_1306 = tpu.memref_squeeze %dma_wait3A_1305 : memref<1x128xi32, #tpu.memory_space<vmem>> -> memref<128xi32, #tpu.memory_space<vmem>>
    %dma_wait3A_1307 = arith.constant 0 : i32
    %dma_wait3A_1308 = tpu.memref_slice %arg2[%dma_wait3A_1307] : memref<1000000xf32, #tpu.memory_space<hbm>> -> memref<1000000xf32, #tpu.memory_space<hbm>>
    tpu.wait_indirect_dma semaphore(%arg9 : memref<!tpu.dma_semaphore, #tpu.memory_space<semaphore_mem>>) src(%dma_wait3A_1308 : memref<1000000xf32, #tpu.memory_space<hbm>>) dst(%dma_wait3A_1303 : memref<128xf32, #tpu.memory_space<vmem>>)
    %dma_wait3A_1309 = arith.constant 19 : i32
    %dma_wait3A_1310 = arith.constant 19 : i32
    %dma_wait3A_1311 = arith.constant 0 : i32
    %dma_wait3A_1312 = tpu.memref_slice %arg6[%dma_wait3A_1310, %dma_wait3A_1311] : memref<32x128xf32, #tpu.memory_space<vmem>> -> memref<1x128xf32, #tpu.memory_space<vmem>>
    %dma_wait3A_1313 = tpu.memref_squeeze %dma_wait3A_1312 : memref<1x128xf32, #tpu.memory_space<vmem>> -> memref<128xf32, #tpu.memory_space<vmem>>
    %dma_wait3A_1314 = arith.constant 0 : i32
    %dma_wait3A_1315 = tpu.memref_slice %arg5[%dma_wait3A_1309, %dma_wait3A_1314] : memref<32x128xi32, #tpu.memory_space<vmem>> -> memref<1x128xi32, #tpu.memory_space<vmem>>
    %dma_wait3A_1316 = tpu.memref_squeeze %dma_wait3A_1315 : memref<1x128xi32, #tpu.memory_space<vmem>> -> memref<128xi32, #tpu.memory_space<vmem>>
    %dma_wait3A_1317 = arith.constant 0 : i32
    %dma_wait3A_1318 = tpu.memref_slice %arg2[%dma_wait3A_1317] : memref<1000000xf32, #tpu.memory_space<hbm>> -> memref<1000000xf32, #tpu.memory_space<hbm>>
    tpu.wait_indirect_dma semaphore(%arg9 : memref<!tpu.dma_semaphore, #tpu.memory_space<semaphore_mem>>) src(%dma_wait3A_1318 : memref<1000000xf32, #tpu.memory_space<hbm>>) dst(%dma_wait3A_1313 : memref<128xf32, #tpu.memory_space<vmem>>)
    %dma_wait3A_1319 = arith.constant 20 : i32
    %dma_wait3A_1320 = arith.constant 20 : i32
    %dma_wait3A_1321 = arith.constant 0 : i32
    %dma_wait3A_1322 = tpu.memref_slice %arg6[%dma_wait3A_1320, %dma_wait3A_1321] : memref<32x128xf32, #tpu.memory_space<vmem>> -> memref<1x128xf32, #tpu.memory_space<vmem>>
    %dma_wait3A_1323 = tpu.memref_squeeze %dma_wait3A_1322 : memref<1x128xf32, #tpu.memory_space<vmem>> -> memref<128xf32, #tpu.memory_space<vmem>>
    %dma_wait3A_1324 = arith.constant 0 : i32
    %dma_wait3A_1325 = tpu.memref_slice %arg5[%dma_wait3A_1319, %dma_wait3A_1324] : memref<32x128xi32, #tpu.memory_space<vmem>> -> memref<1x128xi32, #tpu.memory_space<vmem>>
    %dma_wait3A_1326 = tpu.memref_squeeze %dma_wait3A_1325 : memref<1x128xi32, #tpu.memory_space<vmem>> -> memref<128xi32, #tpu.memory_space<vmem>>
    %dma_wait3A_1327 = arith.constant 0 : i32
    %dma_wait3A_1328 = tpu.memref_slice %arg2[%dma_wait3A_1327] : memref<1000000xf32, #tpu.memory_space<hbm>> -> memref<1000000xf32, #tpu.memory_space<hbm>>
    tpu.wait_indirect_dma semaphore(%arg9 : memref<!tpu.dma_semaphore, #tpu.memory_space<semaphore_mem>>) src(%dma_wait3A_1328 : memref<1000000xf32, #tpu.memory_space<hbm>>) dst(%dma_wait3A_1323 : memref<128xf32, #tpu.memory_space<vmem>>)
    %dma_wait3A_1329 = arith.constant 21 : i32
    %dma_wait3A_1330 = arith.constant 21 : i32
    %dma_wait3A_1331 = arith.constant 0 : i32
    %dma_wait3A_1332 = tpu.memref_slice %arg6[%dma_wait3A_1330, %dma_wait3A_1331] : memref<32x128xf32, #tpu.memory_space<vmem>> -> memref<1x128xf32, #tpu.memory_space<vmem>>
    %dma_wait3A_1333 = tpu.memref_squeeze %dma_wait3A_1332 : memref<1x128xf32, #tpu.memory_space<vmem>> -> memref<128xf32, #tpu.memory_space<vmem>>
    %dma_wait3A_1334 = arith.constant 0 : i32
    %dma_wait3A_1335 = tpu.memref_slice %arg5[%dma_wait3A_1329, %dma_wait3A_1334] : memref<32x128xi32, #tpu.memory_space<vmem>> -> memref<1x128xi32, #tpu.memory_space<vmem>>
    %dma_wait3A_1336 = tpu.memref_squeeze %dma_wait3A_1335 : memref<1x128xi32, #tpu.memory_space<vmem>> -> memref<128xi32, #tpu.memory_space<vmem>>
    %dma_wait3A_1337 = arith.constant 0 : i32
    %dma_wait3A_1338 = tpu.memref_slice %arg2[%dma_wait3A_1337] : memref<1000000xf32, #tpu.memory_space<hbm>> -> memref<1000000xf32, #tpu.memory_space<hbm>>
    tpu.wait_indirect_dma semaphore(%arg9 : memref<!tpu.dma_semaphore, #tpu.memory_space<semaphore_mem>>) src(%dma_wait3A_1338 : memref<1000000xf32, #tpu.memory_space<hbm>>) dst(%dma_wait3A_1333 : memref<128xf32, #tpu.memory_space<vmem>>)
    %dma_wait3A_1339 = arith.constant 22 : i32
    %dma_wait3A_1340 = arith.constant 22 : i32
    %dma_wait3A_1341 = arith.constant 0 : i32
    %dma_wait3A_1342 = tpu.memref_slice %arg6[%dma_wait3A_1340, %dma_wait3A_1341] : memref<32x128xf32, #tpu.memory_space<vmem>> -> memref<1x128xf32, #tpu.memory_space<vmem>>
    %dma_wait3A_1343 = tpu.memref_squeeze %dma_wait3A_1342 : memref<1x128xf32, #tpu.memory_space<vmem>> -> memref<128xf32, #tpu.memory_space<vmem>>
    %dma_wait3A_1344 = arith.constant 0 : i32
    %dma_wait3A_1345 = tpu.memref_slice %arg5[%dma_wait3A_1339, %dma_wait3A_1344] : memref<32x128xi32, #tpu.memory_space<vmem>> -> memref<1x128xi32, #tpu.memory_space<vmem>>
    %dma_wait3A_1346 = tpu.memref_squeeze %dma_wait3A_1345 : memref<1x128xi32, #tpu.memory_space<vmem>> -> memref<128xi32, #tpu.memory_space<vmem>>
    %dma_wait3A_1347 = arith.constant 0 : i32
    %dma_wait3A_1348 = tpu.memref_slice %arg2[%dma_wait3A_1347] : memref<1000000xf32, #tpu.memory_space<hbm>> -> memref<1000000xf32, #tpu.memory_space<hbm>>
    tpu.wait_indirect_dma semaphore(%arg9 : memref<!tpu.dma_semaphore, #tpu.memory_space<semaphore_mem>>) src(%dma_wait3A_1348 : memref<1000000xf32, #tpu.memory_space<hbm>>) dst(%dma_wait3A_1343 : memref<128xf32, #tpu.memory_space<vmem>>)
    %dma_wait3A_1349 = arith.constant 23 : i32
    %dma_wait3A_1350 = arith.constant 23 : i32
    %dma_wait3A_1351 = arith.constant 0 : i32
    %dma_wait3A_1352 = tpu.memref_slice %arg6[%dma_wait3A_1350, %dma_wait3A_1351] : memref<32x128xf32, #tpu.memory_space<vmem>> -> memref<1x128xf32, #tpu.memory_space<vmem>>
    %dma_wait3A_1353 = tpu.memref_squeeze %dma_wait3A_1352 : memref<1x128xf32, #tpu.memory_space<vmem>> -> memref<128xf32, #tpu.memory_space<vmem>>
    %dma_wait3A_1354 = arith.constant 0 : i32
    %dma_wait3A_1355 = tpu.memref_slice %arg5[%dma_wait3A_1349, %dma_wait3A_1354] : memref<32x128xi32, #tpu.memory_space<vmem>> -> memref<1x128xi32, #tpu.memory_space<vmem>>
    %dma_wait3A_1356 = tpu.memref_squeeze %dma_wait3A_1355 : memref<1x128xi32, #tpu.memory_space<vmem>> -> memref<128xi32, #tpu.memory_space<vmem>>
    %dma_wait3A_1357 = arith.constant 0 : i32
    %dma_wait3A_1358 = tpu.memref_slice %arg2[%dma_wait3A_1357] : memref<1000000xf32, #tpu.memory_space<hbm>> -> memref<1000000xf32, #tpu.memory_space<hbm>>
    tpu.wait_indirect_dma semaphore(%arg9 : memref<!tpu.dma_semaphore, #tpu.memory_space<semaphore_mem>>) src(%dma_wait3A_1358 : memref<1000000xf32, #tpu.memory_space<hbm>>) dst(%dma_wait3A_1353 : memref<128xf32, #tpu.memory_space<vmem>>)
    %dma_wait3A_1359 = arith.constant 24 : i32
    %dma_wait3A_1360 = arith.constant 24 : i32
    %dma_wait3A_1361 = arith.constant 0 : i32
    %dma_wait3A_1362 = tpu.memref_slice %arg6[%dma_wait3A_1360, %dma_wait3A_1361] : memref<32x128xf32, #tpu.memory_space<vmem>> -> memref<1x128xf32, #tpu.memory_space<vmem>>
    %dma_wait3A_1363 = tpu.memref_squeeze %dma_wait3A_1362 : memref<1x128xf32, #tpu.memory_space<vmem>> -> memref<128xf32, #tpu.memory_space<vmem>>
    %dma_wait3A_1364 = arith.constant 0 : i32
    %dma_wait3A_1365 = tpu.memref_slice %arg5[%dma_wait3A_1359, %dma_wait3A_1364] : memref<32x128xi32, #tpu.memory_space<vmem>> -> memref<1x128xi32, #tpu.memory_space<vmem>>
    %dma_wait3A_1366 = tpu.memref_squeeze %dma_wait3A_1365 : memref<1x128xi32, #tpu.memory_space<vmem>> -> memref<128xi32, #tpu.memory_space<vmem>>
    %dma_wait3A_1367 = arith.constant 0 : i32
    %dma_wait3A_1368 = tpu.memref_slice %arg2[%dma_wait3A_1367] : memref<1000000xf32, #tpu.memory_space<hbm>> -> memref<1000000xf32, #tpu.memory_space<hbm>>
    tpu.wait_indirect_dma semaphore(%arg9 : memref<!tpu.dma_semaphore, #tpu.memory_space<semaphore_mem>>) src(%dma_wait3A_1368 : memref<1000000xf32, #tpu.memory_space<hbm>>) dst(%dma_wait3A_1363 : memref<128xf32, #tpu.memory_space<vmem>>)
    %dma_wait3A_1369 = arith.constant 25 : i32
    %dma_wait3A_1370 = arith.constant 25 : i32
    %dma_wait3A_1371 = arith.constant 0 : i32
    %dma_wait3A_1372 = tpu.memref_slice %arg6[%dma_wait3A_1370, %dma_wait3A_1371] : memref<32x128xf32, #tpu.memory_space<vmem>> -> memref<1x128xf32, #tpu.memory_space<vmem>>
    %dma_wait3A_1373 = tpu.memref_squeeze %dma_wait3A_1372 : memref<1x128xf32, #tpu.memory_space<vmem>> -> memref<128xf32, #tpu.memory_space<vmem>>
    %dma_wait3A_1374 = arith.constant 0 : i32
    %dma_wait3A_1375 = tpu.memref_slice %arg5[%dma_wait3A_1369, %dma_wait3A_1374] : memref<32x128xi32, #tpu.memory_space<vmem>> -> memref<1x128xi32, #tpu.memory_space<vmem>>
    %dma_wait3A_1376 = tpu.memref_squeeze %dma_wait3A_1375 : memref<1x128xi32, #tpu.memory_space<vmem>> -> memref<128xi32, #tpu.memory_space<vmem>>
    %dma_wait3A_1377 = arith.constant 0 : i32
    %dma_wait3A_1378 = tpu.memref_slice %arg2[%dma_wait3A_1377] : memref<1000000xf32, #tpu.memory_space<hbm>> -> memref<1000000xf32, #tpu.memory_space<hbm>>
    tpu.wait_indirect_dma semaphore(%arg9 : memref<!tpu.dma_semaphore, #tpu.memory_space<semaphore_mem>>) src(%dma_wait3A_1378 : memref<1000000xf32, #tpu.memory_space<hbm>>) dst(%dma_wait3A_1373 : memref<128xf32, #tpu.memory_space<vmem>>)
    %dma_wait3A_1379 = arith.constant 26 : i32
    %dma_wait3A_1380 = arith.constant 26 : i32
    %dma_wait3A_1381 = arith.constant 0 : i32
    %dma_wait3A_1382 = tpu.memref_slice %arg6[%dma_wait3A_1380, %dma_wait3A_1381] : memref<32x128xf32, #tpu.memory_space<vmem>> -> memref<1x128xf32, #tpu.memory_space<vmem>>
    %dma_wait3A_1383 = tpu.memref_squeeze %dma_wait3A_1382 : memref<1x128xf32, #tpu.memory_space<vmem>> -> memref<128xf32, #tpu.memory_space<vmem>>
    %dma_wait3A_1384 = arith.constant 0 : i32
    %dma_wait3A_1385 = tpu.memref_slice %arg5[%dma_wait3A_1379, %dma_wait3A_1384] : memref<32x128xi32, #tpu.memory_space<vmem>> -> memref<1x128xi32, #tpu.memory_space<vmem>>
    %dma_wait3A_1386 = tpu.memref_squeeze %dma_wait3A_1385 : memref<1x128xi32, #tpu.memory_space<vmem>> -> memref<128xi32, #tpu.memory_space<vmem>>
    %dma_wait3A_1387 = arith.constant 0 : i32
    %dma_wait3A_1388 = tpu.memref_slice %arg2[%dma_wait3A_1387] : memref<1000000xf32, #tpu.memory_space<hbm>> -> memref<1000000xf32, #tpu.memory_space<hbm>>
    tpu.wait_indirect_dma semaphore(%arg9 : memref<!tpu.dma_semaphore, #tpu.memory_space<semaphore_mem>>) src(%dma_wait3A_1388 : memref<1000000xf32, #tpu.memory_space<hbm>>) dst(%dma_wait3A_1383 : memref<128xf32, #tpu.memory_space<vmem>>)
    %dma_wait3A_1389 = arith.constant 27 : i32
    %dma_wait3A_1390 = arith.constant 27 : i32
    %dma_wait3A_1391 = arith.constant 0 : i32
    %dma_wait3A_1392 = tpu.memref_slice %arg6[%dma_wait3A_1390, %dma_wait3A_1391] : memref<32x128xf32, #tpu.memory_space<vmem>> -> memref<1x128xf32, #tpu.memory_space<vmem>>
    %dma_wait3A_1393 = tpu.memref_squeeze %dma_wait3A_1392 : memref<1x128xf32, #tpu.memory_space<vmem>> -> memref<128xf32, #tpu.memory_space<vmem>>
    %dma_wait3A_1394 = arith.constant 0 : i32
    %dma_wait3A_1395 = tpu.memref_slice %arg5[%dma_wait3A_1389, %dma_wait3A_1394] : memref<32x128xi32, #tpu.memory_space<vmem>> -> memref<1x128xi32, #tpu.memory_space<vmem>>
    %dma_wait3A_1396 = tpu.memref_squeeze %dma_wait3A_1395 : memref<1x128xi32, #tpu.memory_space<vmem>> -> memref<128xi32, #tpu.memory_space<vmem>>
    %dma_wait3A_1397 = arith.constant 0 : i32
    %dma_wait3A_1398 = tpu.memref_slice %arg2[%dma_wait3A_1397] : memref<1000000xf32, #tpu.memory_space<hbm>> -> memref<1000000xf32, #tpu.memory_space<hbm>>
    tpu.wait_indirect_dma semaphore(%arg9 : memref<!tpu.dma_semaphore, #tpu.memory_space<semaphore_mem>>) src(%dma_wait3A_1398 : memref<1000000xf32, #tpu.memory_space<hbm>>) dst(%dma_wait3A_1393 : memref<128xf32, #tpu.memory_space<vmem>>)
    %dma_wait3A_1399 = arith.constant 28 : i32
    %dma_wait3A_1400 = arith.constant 28 : i32
    %dma_wait3A_1401 = arith.constant 0 : i32
    %dma_wait3A_1402 = tpu.memref_slice %arg6[%dma_wait3A_1400, %dma_wait3A_1401] : memref<32x128xf32, #tpu.memory_space<vmem>> -> memref<1x128xf32, #tpu.memory_space<vmem>>
    %dma_wait3A_1403 = tpu.memref_squeeze %dma_wait3A_1402 : memref<1x128xf32, #tpu.memory_space<vmem>> -> memref<128xf32, #tpu.memory_space<vmem>>
    %dma_wait3A_1404 = arith.constant 0 : i32
    %dma_wait3A_1405 = tpu.memref_slice %arg5[%dma_wait3A_1399, %dma_wait3A_1404] : memref<32x128xi32, #tpu.memory_space<vmem>> -> memref<1x128xi32, #tpu.memory_space<vmem>>
    %dma_wait3A_1406 = tpu.memref_squeeze %dma_wait3A_1405 : memref<1x128xi32, #tpu.memory_space<vmem>> -> memref<128xi32, #tpu.memory_space<vmem>>
    %dma_wait3A_1407 = arith.constant 0 : i32
    %dma_wait3A_1408 = tpu.memref_slice %arg2[%dma_wait3A_1407] : memref<1000000xf32, #tpu.memory_space<hbm>> -> memref<1000000xf32, #tpu.memory_space<hbm>>
    tpu.wait_indirect_dma semaphore(%arg9 : memref<!tpu.dma_semaphore, #tpu.memory_space<semaphore_mem>>) src(%dma_wait3A_1408 : memref<1000000xf32, #tpu.memory_space<hbm>>) dst(%dma_wait3A_1403 : memref<128xf32, #tpu.memory_space<vmem>>)
    %dma_wait3A_1409 = arith.constant 29 : i32
    %dma_wait3A_1410 = arith.constant 29 : i32
    %dma_wait3A_1411 = arith.constant 0 : i32
    %dma_wait3A_1412 = tpu.memref_slice %arg6[%dma_wait3A_1410, %dma_wait3A_1411] : memref<32x128xf32, #tpu.memory_space<vmem>> -> memref<1x128xf32, #tpu.memory_space<vmem>>
    %dma_wait3A_1413 = tpu.memref_squeeze %dma_wait3A_1412 : memref<1x128xf32, #tpu.memory_space<vmem>> -> memref<128xf32, #tpu.memory_space<vmem>>
    %dma_wait3A_1414 = arith.constant 0 : i32
    %dma_wait3A_1415 = tpu.memref_slice %arg5[%dma_wait3A_1409, %dma_wait3A_1414] : memref<32x128xi32, #tpu.memory_space<vmem>> -> memref<1x128xi32, #tpu.memory_space<vmem>>
    %dma_wait3A_1416 = tpu.memref_squeeze %dma_wait3A_1415 : memref<1x128xi32, #tpu.memory_space<vmem>> -> memref<128xi32, #tpu.memory_space<vmem>>
    %dma_wait3A_1417 = arith.constant 0 : i32
    %dma_wait3A_1418 = tpu.memref_slice %arg2[%dma_wait3A_1417] : memref<1000000xf32, #tpu.memory_space<hbm>> -> memref<1000000xf32, #tpu.memory_space<hbm>>
    tpu.wait_indirect_dma semaphore(%arg9 : memref<!tpu.dma_semaphore, #tpu.memory_space<semaphore_mem>>) src(%dma_wait3A_1418 : memref<1000000xf32, #tpu.memory_space<hbm>>) dst(%dma_wait3A_1413 : memref<128xf32, #tpu.memory_space<vmem>>)
    %dma_wait3A_1419 = arith.constant 30 : i32
    %dma_wait3A_1420 = arith.constant 30 : i32
    %dma_wait3A_1421 = arith.constant 0 : i32
    %dma_wait3A_1422 = tpu.memref_slice %arg6[%dma_wait3A_1420, %dma_wait3A_1421] : memref<32x128xf32, #tpu.memory_space<vmem>> -> memref<1x128xf32, #tpu.memory_space<vmem>>
    %dma_wait3A_1423 = tpu.memref_squeeze %dma_wait3A_1422 : memref<1x128xf32, #tpu.memory_space<vmem>> -> memref<128xf32, #tpu.memory_space<vmem>>
    %dma_wait3A_1424 = arith.constant 0 : i32
    %dma_wait3A_1425 = tpu.memref_slice %arg5[%dma_wait3A_1419, %dma_wait3A_1424] : memref<32x128xi32, #tpu.memory_space<vmem>> -> memref<1x128xi32, #tpu.memory_space<vmem>>
    %dma_wait3A_1426 = tpu.memref_squeeze %dma_wait3A_1425 : memref<1x128xi32, #tpu.memory_space<vmem>> -> memref<128xi32, #tpu.memory_space<vmem>>
    %dma_wait3A_1427 = arith.constant 0 : i32
    %dma_wait3A_1428 = tpu.memref_slice %arg2[%dma_wait3A_1427] : memref<1000000xf32, #tpu.memory_space<hbm>> -> memref<1000000xf32, #tpu.memory_space<hbm>>
    tpu.wait_indirect_dma semaphore(%arg9 : memref<!tpu.dma_semaphore, #tpu.memory_space<semaphore_mem>>) src(%dma_wait3A_1428 : memref<1000000xf32, #tpu.memory_space<hbm>>) dst(%dma_wait3A_1423 : memref<128xf32, #tpu.memory_space<vmem>>)
    %dma_wait3A_1429 = arith.constant 31 : i32
    %dma_wait3A_1430 = arith.constant 31 : i32
    %dma_wait3A_1431 = arith.constant 0 : i32
    %dma_wait3A_1432 = tpu.memref_slice %arg6[%dma_wait3A_1430, %dma_wait3A_1431] : memref<32x128xf32, #tpu.memory_space<vmem>> -> memref<1x128xf32, #tpu.memory_space<vmem>>
    %dma_wait3A_1433 = tpu.memref_squeeze %dma_wait3A_1432 : memref<1x128xf32, #tpu.memory_space<vmem>> -> memref<128xf32, #tpu.memory_space<vmem>>
    %dma_wait3A_1434 = arith.constant 0 : i32
    %dma_wait3A_1435 = tpu.memref_slice %arg5[%dma_wait3A_1429, %dma_wait3A_1434] : memref<32x128xi32, #tpu.memory_space<vmem>> -> memref<1x128xi32, #tpu.memory_space<vmem>>
    %dma_wait3A_1436 = tpu.memref_squeeze %dma_wait3A_1435 : memref<1x128xi32, #tpu.memory_space<vmem>> -> memref<128xi32, #tpu.memory_space<vmem>>
    %dma_wait3A_1437 = arith.constant 0 : i32
    %dma_wait3A_1438 = tpu.memref_slice %arg2[%dma_wait3A_1437] : memref<1000000xf32, #tpu.memory_space<hbm>> -> memref<1000000xf32, #tpu.memory_space<hbm>>
    tpu.wait_indirect_dma semaphore(%arg9 : memref<!tpu.dma_semaphore, #tpu.memory_space<semaphore_mem>>) src(%dma_wait3A_1438 : memref<1000000xf32, #tpu.memory_space<hbm>>) dst(%dma_wait3A_1433 : memref<128xf32, #tpu.memory_space<vmem>>)
    %broadcast_in_dim3A = arith.constant 0.000000e+00 : f32
    %broadcast_in_dim3A_1439 = vector.broadcast %broadcast_in_dim3A : f32 to vector<16xf32>
    %scan3A = arith.constant 0 : i32
    %scan3A_1440 = arith.constant 32 : i32
    %scan3A_1441 = arith.addi %scan3A, %scan3A_1440 : i32
    %scan3A_1442 = arith.constant 1 : i32
    %scan3A_1443 = scf.for %scan3A_1446 = %scan3A to %scan3A_1441 step %scan3A_1442 iter_args(%scan3A_1447 = %broadcast_in_dim3A_1439) -> (vector<16xf32>)  : i32 {
      %get3A = arith.index_cast %scan3A_1446 : i32 to index
      %get3A_1448 = arith.constant 0 : index
      %get3A_1449 = tpu.vector_load %arg6[%get3A, %get3A_1448] {strides = array<i32>} : memref<32x128xf32, #tpu.memory_space<vmem>>, vector<16xf32>,
      %add3A_1450 = arith.addf %scan3A_1447, %get3A_1449 : vector<16xf32>
      %get3A_1451 = arith.index_cast %scan3A_1446 : i32 to index
      %get3A_1452 = arith.constant 16 : index
      %get3A_1453 = tpu.vector_load %arg6[%get3A_1451, %get3A_1452] {strides = array<i32>} : memref<32x128xf32, #tpu.memory_space<vmem>>, vector<16xf32>,
      %add3A_1454 = arith.addf %add3A_1450, %get3A_1453 : vector<16xf32>
      %get3A_1455 = arith.index_cast %scan3A_1446 : i32 to index
      %get3A_1456 = arith.constant 32 : index
      %get3A_1457 = tpu.vector_load %arg6[%get3A_1455, %get3A_1456] {strides = array<i32>} : memref<32x128xf32, #tpu.memory_space<vmem>>, vector<16xf32>,
      %add3A_1458 = arith.addf %add3A_1454, %get3A_1457 : vector<16xf32>
      %get3A_1459 = arith.index_cast %scan3A_1446 : i32 to index
      %get3A_1460 = arith.constant 48 : index
      %get3A_1461 = tpu.vector_load %arg6[%get3A_1459, %get3A_1460] {strides = array<i32>} : memref<32x128xf32, #tpu.memory_space<vmem>>, vector<16xf32>,
      %add3A_1462 = arith.addf %add3A_1458, %get3A_1461 : vector<16xf32>
      %get3A_1463 = arith.index_cast %scan3A_1446 : i32 to index
      %get3A_1464 = arith.constant 64 : index
      %get3A_1465 = tpu.vector_load %arg6[%get3A_1463, %get3A_1464] {strides = array<i32>} : memref<32x128xf32, #tpu.memory_space<vmem>>, vector<16xf32>,
      %add3A_1466 = arith.addf %add3A_1462, %get3A_1465 : vector<16xf32>
      %get3A_1467 = arith.index_cast %scan3A_1446 : i32 to index
      %get3A_1468 = arith.constant 80 : index
      %get3A_1469 = tpu.vector_load %arg6[%get3A_1467, %get3A_1468] {strides = array<i32>} : memref<32x128xf32, #tpu.memory_space<vmem>>, vector<16xf32>,
      %add3A_1470 = arith.addf %add3A_1466, %get3A_1469 : vector<16xf32>
      %get3A_1471 = arith.index_cast %scan3A_1446 : i32 to index
      %get3A_1472 = arith.constant 96 : index
      %get3A_1473 = tpu.vector_load %arg6[%get3A_1471, %get3A_1472] {strides = array<i32>} : memref<32x128xf32, #tpu.memory_space<vmem>>, vector<16xf32>,
      %add3A_1474 = arith.addf %add3A_1470, %get3A_1473 : vector<16xf32>
      %get3A_1475 = arith.index_cast %scan3A_1446 : i32 to index
      %get3A_1476 = arith.constant 112 : index
      %get3A_1477 = tpu.vector_load %arg6[%get3A_1475, %get3A_1476] {strides = array<i32>} : memref<32x128xf32, #tpu.memory_space<vmem>>, vector<16xf32>,
      %add3A_1478 = arith.addf %add3A_1474, %get3A_1477 : vector<16xf32>
      scf.yield %add3A_1478 : vector<16xf32>
    }
    %scan3A_1444 = arith.constant 32 : i32
    %swap3A = arith.constant 0 : index
    %swap3A_1445 = tpu.vector_load %arg7[%swap3A] {strides = array<i32>} : memref<16xf32, #tpu.memory_space<vmem>>, vector<16xf32>,
    tpu.vector_store %arg7[%swap3A], %scan3A_1443 {strides = array<i32>} : memref<16xf32, #tpu.memory_space<vmem>>, vector<16xf32>,
    "tpu.region"() ({
      %run_scoped3A = tpu.sem_alloc : memref<!tpu.dma_semaphore, #tpu.memory_space<semaphore_mem>>
      %dma_start3A_1446 = arith.constant 0 : i32
      %dma_start3A_1447 = tpu.memref_slice %arg4[%add3A, %dma_start3A_1446] : memref<32x16xf32, #tpu.memory_space<hbm>> -> memref<1x16xf32, #tpu.memory_space<hbm>>
      %dma_start3A_1448 = tpu.memref_squeeze %dma_start3A_1447 : memref<1x16xf32, #tpu.memory_space<hbm>> -> memref<16xf32, #tpu.memory_space<hbm>>
      %dma_start3A_1449 = arith.constant 0 : i32
      %dma_start3A_1450 = tpu.memref_slice %arg4[%add3A, %dma_start3A_1449] : memref<32x16xf32, #tpu.memory_space<hbm>> -> memref<1x16xf32, #tpu.memory_space<hbm>>
      %dma_start3A_1451 = tpu.memref_squeeze %dma_start3A_1450 : memref<1x16xf32, #tpu.memory_space<hbm>> -> memref<16xf32, #tpu.memory_space<hbm>>
      tpu.enqueue_dma source(%arg7 : memref<16xf32, #tpu.memory_space<vmem>>) target(%dma_start3A_1451 : memref<16xf32, #tpu.memory_space<hbm>>) target_semaphore(%run_scoped3A : memref<!tpu.dma_semaphore, #tpu.memory_space<semaphore_mem>>)
      %dma_wait3A_1452 = arith.constant 0 : i32
      %dma_wait3A_1453 = tpu.memref_slice %arg4[%add3A, %dma_wait3A_1452] : memref<32x16xf32, #tpu.memory_space<hbm>> -> memref<1x16xf32, #tpu.memory_space<hbm>>
      %dma_wait3A_1454 = tpu.memref_squeeze %dma_wait3A_1453 : memref<1x16xf32, #tpu.memory_space<hbm>> -> memref<16xf32, #tpu.memory_space<hbm>>
      %dma_wait3A_1455 = arith.constant 0 : i32
      %dma_wait3A_1456 = tpu.memref_slice %arg4[%add3A, %dma_wait3A_1455] : memref<32x16xf32, #tpu.memory_space<hbm>> -> memref<1x16xf32, #tpu.memory_space<hbm>>
      %dma_wait3A_1457 = tpu.memref_squeeze %dma_wait3A_1456 : memref<1x16xf32, #tpu.memory_space<hbm>> -> memref<16xf32, #tpu.memory_space<hbm>>
      tpu.wait_dma2 semaphore(%run_scoped3A : memref<!tpu.dma_semaphore, #tpu.memory_space<semaphore_mem>>) src(%arg7 : memref<16xf32, #tpu.memory_space<vmem>>) dst(%dma_wait3A_1457 : memref<16xf32, #tpu.memory_space<hbm>>)
      tpu.yield
    }) : () -> ()
    return
  }
}

module attributes {stable_mosaic.version = 14 : i64} {
  func.func @_sweep_body(%arg0: i32, %arg1: memref<16x16384xf32, #tpu.memory_space<vmem>>, %arg2: memref<1x16384xf32, #tpu.memory_space<vmem>>) attributes {dimension_semantics = [#tpu.dimension_semantics<arbitrary>], iteration_bounds = array<i64: 62>, scalar_prefetch = 0 : i64, scratch_operands = 0 : i64, tpu.core_type = #tpu.core_type<tc>, window_params = [{transform_indices = @transform_0, window_bounds = array<i64: 16, 16384>}, {transform_indices = @transform_1, window_bounds = array<i64: 1, 16384>}]} {
    %get3A = arith.constant 0 : index
    %get3A_0 = arith.constant 0 : index
    %get3A_1 = vector.load %arg1[%get3A, %get3A_0] : memref<16x16384xf32, #tpu.memory_space<vmem>>, vector<16x16384xf32>
    %mul3A = arith.mulf %get3A_1, %get3A_1 : vector<16x16384xf32>
    %reduce_sum3A = arith.constant dense<0.000000e+00> : vector<16384xf32>
    %reduce_sum3A_2 = vector.multi_reduction <add>, %mul3A, %reduce_sum3A [0] : vector<16x16384xf32> to vector<16384xf32>
    %broadcast_in_dim3A = vector.shape_cast %reduce_sum3A_2 : vector<16384xf32> to vector<1x16384xf32>
    %sqrt3A = math.sqrt %broadcast_in_dim3A : vector<1x16384xf32>
    %swap3A = arith.constant 0 : index
    %swap3A_3 = arith.constant 0 : index
    %swap3A_4 = vector.load %arg2[%swap3A, %swap3A_3] : memref<1x16384xf32, #tpu.memory_space<vmem>>, vector<1x16384xf32>
    tpu.vector_store %arg2[%swap3A, %swap3A_3], %sqrt3A {strides = array<i32>} : memref<1x16384xf32, #tpu.memory_space<vmem>>, vector<1x16384xf32>,
    return
  }
  func.func @transform_0(%arg0: i32) -> (i32, i32) {
    %c0_i32 = arith.constant 0 : i32
    %c0_i32_0 = arith.constant 0 : i32
    return %c0_i32, %arg0 : i32, i32
  }
  func.func @transform_1(%arg0: i32) -> (i32, i32) {
    %c0_i32 = arith.constant 0 : i32
    %c0_i32_0 = arith.constant 0 : i32
    return %c0_i32, %arg0 : i32, i32
  }
}

</mosaic_0001>

<sc_bundles>
// kernel: kernel.4.cloned.1.call-start
scs
__scs_entry_jumppad:
0x0: {  	(pc) =	sbr.rel $0x88, $3  }
0x1: {  	(tag) =	ssettag $0x0;
	lr =	simm.s32 $0x1  }
0x2: {  	[smem:$0x3F9F] =	sst lr;
	_ =	strace $0xD0000000  }
0x3: {  	_ = 	snop  }
0x4: {  	_ = 	snop  }
0x5: {  	_ = 	snop  }
0x6: {  	_ = 	snop  }
0x7: {  	_ = 	snop  }
__scs_overlays_trampoline_lowered:
0x8: {  	[smem:$0x3FAE] =	sst s0  }
0x9: {  	[smem:$0x3FAF] =	sst s1  }
0xa: {  	[smem:$0x3FB0] =	sst s2  }
0xb: {  	[smem:$0x3FB1] =	sst s3  }
0xc: {  	[smem:$0x3FB2] =	sst s4  }
0xd: {  	[smem:$0x3FB3] =	sst s5  }
0xe: {  	[smem:$0x3FB4] =	sst s6  }
0xf: {  	[smem:$0x3FB5] =	sst s7  }
0x10: {  	[smem:$0x3FB6] =	sst s8  }
0x11: {  	[smem:$0x3FB7] =	sst s9;
	s0 =	simm.s32 @!p0 $0x0  }
0x12: {  	s1 =	sld [smem:$0x3F9D];
	s0 =	simm.s32 @p0 $0x1  }
0x13: {  	[smem:$0x3FB8] =	sst s0;
	s0 =	simm.s32 @!p1 $0x0  }
0x14: {  	s2 =	sld [smem:$0x3F9C];
	s0 =	simm.s32 @p1 $0x1  }
0x15: {  	[smem:$0x3FB9] =	sst s0;
	s0 =	simm.s32 @!p2 $0x0  }
0x16: {  	s3 =	sld [smem:$0x3FDB];
	s0 =	simm.s32 @p2 $0x1  }
0x17: {  	s4 =	simm.s32 $0x1BF5;
	[smem:$0x3FBB] =	sst s0  }
0x18: {  	s0 =	sld [smem:$0x3F9E];
	_ =	swait.ge [sflag:s4], $0x0  }
0x19: {  	s7 =	sld [smem:$0x3F9F]  }
0x1a: {  	s8 =	sadd.s32 $0xFFFFE003, lr  }
0x1b: {  	s9 =	sadd.s32 $0xFFFFFEF7, lr;
	s5 =	simm.s32 $0xFFFFFFFF;
	p2 =	slt.u32 s8, $0xFFFFF086  }
0x1c: {  	p1 =	slt.u32 s9, $0xF7A;
	s5 =	simm.s32 @!p2 $0x0  }
0x1d: {  	s5 =	simm.s32 @p1 $0x1;
	p0 =	seq.s32 s7, s2  }
0x1e: {  	s7 =	smul.u32 @!p0 $0xF7A, s2;
	p2 =	seq.s32 @!p0 s5, $0x0  }
0x1f: {  	s9 =	smul.u32 $0xF7A, s1;
	s8 =	simm.s32 @!p0 $0x1BF5;
	p2 =	por !p2, p0  }
0x20: {  	[sflag:s8] =	ssyncset.s32 @!p0 $0xFFFFF086;
	s6 =	sadd.s32 @!p0 s3, s7;
	s7 =	simm.s32 @!p0 $0x108  }
0x21: {  	s3 =	sadd.s32 s3, s9;
	s6 =	sadd.s32 @!p0 $0x88, s6;
	s7 =	simm.s32 @p2 $0x1082  }
0x22: {  	[simem:s7], [sflag:s8] =	dma.local @!p0 [hbm:s6], $0xF7A  }
0x23: {  	s9 =	sor.u32 $0xD0000000, s2;
	s6 =	simm.s32 $0x108;
	_ =	swait.ge @!p0 [sflag:s8], $0x0  }
0x24: {  	s3 =	sadd.s32 $0x88, s3;
	s6 =	simm.s32 @!p1 $0x1082;
	[sflag:s4] =	ssyncset.s32 $0xFFFFF086  }
0x25: {  	[simem:s6], [sflag:s4] =	dma.local [hbm:s3], $0xF7A  }
0x26: {  	[smem:$0x3F9F] =	sst s1;
	(tag) =	ssettag s2;
	_ =	strace s9  }
0x27: {  	s1 =	sld [smem:$0x3FAF]  }
0x28: {  	s2 =	sld [smem:$0x3FB0]  }
0x29: {  	s4 =	sld [smem:$0x3FB2]  }
0x2a: {  	p0 =	seq.s32 s5, $0x0;
	s5 =	sld [smem:$0x3FB3]  }
0x2b: {  	s6 =	sld [smem:$0x3FB4]  }
0x2c: {  	s7 =	sld [smem:$0x3FB5]  }
0x2d: {  	s3 =	simm.s32 $0x108;
	s8 =	sld [smem:$0x3FB6]  }
0x2e: {  	s3 =	simm.s32 @!p0 $0x1082;
	s9 =	sld [smem:$0x3FB7]  }
0x2f: {  	lr =	sadd.s32 s0, s3;
	s0 =	sld [smem:$0x3FAE]  }
0x30: {  	s3 =	sld [smem:$0x3FB1]  }
0x31: {  	[smem:$0x3FBA] =	sst s10  }
0x32: {  	s10 =	sld [smem:$0x3FB8];
	_ =	sdelay $0x3  }
0x33: {  	p0 =	seq.s32 s10, $0x1;
	s10 =	sld [smem:$0x3FBA];
	_ =	sdelay $0x3  }
0x34: {  	[smem:$0x3FBA] =	sst s10  }
0x35: {  	s10 =	sld [smem:$0x3FB9];
	_ =	sdelay $0x3  }
0x36: {  	p1 =	seq.s32 s10, $0x1;
	s10 =	sld [smem:$0x3FBA];
	_ =	sdelay $0x3  }
0x37: {  	[smem:$0x3FBA] =	sst s10  }
0x38: {  	s10 =	sld [smem:$0x3FBB]  }
0x39: {  	_ = 	snop;
	(pc) =	sbr.ind lr, $3  }
0x3a: {  	_ = 	snop  }
0x3b: {  	_ = 	snop  }
0x3c: {  	p2 =	seq.s32 s10, $0x1;
	s10 =	sld [smem:$0x3FBA]  }
0x3d: {  	_ =	shalt  }
0x3e: {  	_ =	shalt  }
0x3f: {  	_ =	shalt  }
0x40: {  	_ =	shalt  }
0x41: {  	_ =	shalt  }
0x42: {  	_ =	shalt  }
0x43: {  	_ =	shalt  }
0x44: {  	_ =	shalt  }
0x45: {  	_ =	shalt  }
0x46: {  	_ =	shalt  }
0x47: {  	_ =	shalt  }
0x48: {  	_ =	shalt  }
0x49: {  	_ =	shalt  }
0x4a: {  	_ =	shalt  }
0x4b: {  	_ =	shalt  }
0x4c: {  	_ =	shalt  }
0x4d: {  	_ =	shalt  }
0x4e: {  	_ =	shalt  }
0x4f: {  	_ =	shalt  }
0x50: {  	_ =	shalt  }
0x51: {  	_ =	shalt  }
0x52: {  	_ =	shalt  }
0x53: {  	_ =	shalt  }
0x54: {  	_ =	shalt  }
0x55: {  	_ =	shalt  }
0x56: {  	_ =	shalt  }
0x57: {  	_ =	shalt  }
0x58: {  	_ =	shalt  }
0x59: {  	_ =	shalt  }
0x5a: {  	_ =	shalt  }
0x5b: {  	_ =	shalt  }
0x5c: {  	_ =	shalt  }
0x5d: {  	_ =	shalt  }
0x5e: {  	_ =	shalt  }
0x5f: {  	_ =	shalt  }
0x60: {  	_ =	shalt  }
0x61: {  	_ =	shalt  }
0x62: {  	_ =	shalt  }
0x63: {  	_ =	shalt  }
0x64: {  	_ =	shalt  }
0x65: {  	_ =	shalt  }
0x66: {  	_ =	shalt  }
0x67: {  	_ =	shalt  }
0x68: {  	_ =	shalt  }
0x69: {  	_ =	shalt  }
0x6a: {  	_ =	shalt  }
0x6b: {  	_ =	shalt  }
0x6c: {  	_ =	shalt  }
0x6d: {  	_ =	shalt  }
0x6e: {  	_ =	shalt  }
0x6f: {  	_ =	shalt  }
0x70: {  	_ =	shalt  }
0x71: {  	_ =	shalt  }
0x72: {  	_ =	shalt  }
0x73: {  	_ =	shalt  }
0x74: {  	_ =	shalt  }
0x75: {  	_ =	shalt  }
0x76: {  	_ =	shalt  }
0x77: {  	_ =	shalt  }
0x78: {  	_ =	shalt  }
0x79: {  	_ =	shalt  }
0x7a: {  	_ =	shalt  }
0x7b: {  	_ =	shalt  }
0x7c: {  	_ =	shalt  }
0x7d: {  	_ =	shalt  }
0x7e: {  	_ =	shalt  }
0x7f: {  	_ =	shalt  }
0x80: {  	_ =	shalt  }
0x81: {  	_ =	shalt  }
0x82: {  	_ =	shalt  }
0x83: {  	_ =	shalt  }
0x84: {  	_ =	shalt  }
0x85: {  	_ =	shalt  }
0x86: {  	_ =	shalt  }
0x87: {  	_ =	shalt  }
.Lfunc_end0:
.L_simem_size_0:
called_computation_lowered:
.L_overlay_start_0:
0x88: {  	s2 =	sld [smem:$0x3FD9]  }
0x89: {  	s3 =	sld [smem:$0x3FFE];
	_ =	sdelay $0x1  }
0x8a: {  	s1 =	srdreg.scid  }
0x8b: {  	s0 =	sand.u32 $0x1, s1  }
0x8c: {  	s17 =	sshll.u32 s0, $0xA;
	s2 =	sadd.s32 s3, s2  }
0x8d: {  	s2 =	sadd.s32 s2, s17  }
0x8e: {  	[smem:$0x3FC6] =	sst s2  }
0x8f: {  	_ = 	snop  }
0x90: {  	s2 =	sld [smem:$0x3FC8];
	(tm) =	ssettm $0x1  }
0x91: {  	s18 =	sld [smem:$0x3FFB];
	_ =	sdelay $0x3  }
0x92: {  	_ =	strace s18  }
0x93: {  	s3 =	sld [smem:$0x3FFC];
	_ =	sdelay $0x3  }
0x94: {  	_ =	strace s3  }
0x95: {  	s3 =	sld [smem:$0x3FFD];
	_ =	sdelay $0x3  }
0x96: {  	_ =	strace s3  }
0x97: {  	_ =	strace $0x8FFFFFFF  }
0x98: {  	s19 =	sld [smem:$0x3FDB];
	_ =	sdelay $0x1  }
0x99: {  	s4 =	simm.s32 $_scs_section_size  }
0x9a: {  	s5 =	simm.s32 $_size__tile_overlayer_lowered;
	s6 =	simm.s32 $_tile_overlayer_lowered  }
0x9b: {  	s22 =	simm.s32 $0x1BFF;
	s21 =	sshll.u32 s6, $0x1;
	s3 =	sadd.s32 s4, s19  }
0x9c: {  	s7 =	simm.s32 $0x0;
	s20 =	sshll.u32 s5, $0x1;
	s5 =	sadd.s32 s21, s3  }
0x9d: {  	[timem:s7], [sflag:s22] =	dma.local [hbm:s5], s20  }
0x9e: {  	_ =	swait.ge [sflag:s22], s20  }
0x9f: {  	s4 =	ssub.s32 $0x0, s20;
	[sflag:s22] =	ssyncset.done $0x0  }
0xa0: {  	[sflag:s22] =	ssyncadd.s32 s4;
	_ =	sdelay $0x1  }
0xa1: {  	s23 =	simm.s32 $0x1B8B  }
0xa2: {  	_ =	swait.ge [sflag:s23], $0x1  }
0xa3: {  	[sflag:s23] =	ssyncset.done $0x0  }
0xa4: {  	s25 =	simm.s32 $0x1B8E;
	s24 =	sld [smem:$0x3FFE];
	[sflag:s23] =	ssyncadd.s32 $0xFFFFFFFF  }
0xa5: {  	s26 =	simm.s32 $execute0_lowered;
	[smem:$0x3FD2] =	sst s25  }
0xa6: {  	s5 =	sshll.u32 s26, $0x1;
	_ =	strace $0x80000046;
	[dreg:$0x1] =	wrdreg $0xFFFFFFFF  }
0xa7: {  	s28 =	simm.s32 $_size_execute0_lowered;
	s3 =	sadd.s32 s3, s5;
	[dreg:$0x0] =	wrdreg $0x0  }
0xa8: {  	s5 =	sshll.u32 s28, $0x1;
	[dreg:$0x2] =	wrdreg s3  }
0xa9: {  	[dreg:$0x3] =	wrdreg s5  }
0xaa: {  	[dreg:$0x4] =	wrdreg $0xC0  }
0xab: {  	_ =	task [dreg:s7], $0x5FFFF  }
0xac: {  	[dreg:$0x1] =	wrdreg $0xFFFFFFFF  }
0xad: {  	[dreg:$0x0] =	wrdreg $0x60  }
0xae: {  	[dreg:$0x2] =	wrdreg s24  }
0xaf: {  	[dreg:$0x3] =	wrdreg s2  }
0xb0: {  	[dreg:$0x4] =	wrdreg $0x9  }
0xb1: {  	_ =	task.clear_ibuf [dreg:s7], $0x5FFFF;
	_ =	strace $0x90000046  }
0xb2: {  	s29 =	simm.s32 $0x9;
	_ =	strace $0x80000048  }
0xb3: {  	_ =	swait.ge [sflag:s29], $0x1  }
0xb4: {  	[sflag:s29] =	ssyncadd.s32 $0xFFFFFFFF  }
0xb5: {  	_ =	strace $0x90000048  }
0xb6: {  	_ =	sfence  }
0xb7: {  	s30 =	sld [smem:$0x0];
	_ =	sdelay $0x2  }
0xb8: {  	s31 =	sshll.u32 s1, $0xD;
	s1 =	sshrl.u32 s1, $0x2  }
0xb9: {  	s3 =	sand.u32 $0x4000, s31;
	s1 =	sadd.s32 s1, s30  }
0xba: {  	s0 =	sor.u32 s3, s0;
	s1 =	sshll.u32 s1, $0x11  }
0xbb: {  	s0 =	sor.u32 s1, s0  }
0xbc: {  	s0 =	sadd.s32 $0x8F2B, s0  }
0xbd: {  	[sflag:s0] =	ssyncadd.remote.s32 $0x1  }
0xbe: {  	_ =	sfence.sel $0xFFFF  }
0xbf: {  	[dreg:$0x0] =	wrdreg $0xFFFFFFFF;
	(pc) =	sbr.abs _section_cstart, $3  }
0xc0: {  	[dreg:$0x1] =	wrdreg $0xFFFFFFFF  }
0xc1: {  	_ =	task.clear_ibuf [dreg:s7], $0x2FFFF;
	_ =	strace $0x9FFFFFFF  }
0xc2: {  	(tm) =	ssettm $0x7FFFFFFF  }
0xc3: {  	_ =	shalt  }
tec
execute0_lowered:
.L_overlay_start_1:
0x0: {  	(tag) =	ssettag $0x1  }
0x1: {  	s2 =	rddreg [dreg:$0x0];
	s0 =	srdreg.scid  }
0x2: {  	s6 =	stileid.u32;
	s1 =	rddreg [dreg:$0x1]  }
0x3: {  	s3 =	simm.s32 $0x0;
	s0 =	sand.u32 $0x1, s0;
	s4 =	sshll.u32 s6, $0x1  }
0x4: {  	[smem:$0x7FF] =	sst s3;
	s6 =	sshll.u32 s6, $0x3;
	s4 =	sor.u32 s0, s4  }
0x5: {  	s0 =	ssub.s32 $0x2, s0;
	s5 =	sshll.u32 s4, $0xC;
	s4 =	sshll.u32 s4, $0x4  }
0x6: {  	_ =	strace $0x80000047;
	s7 =	sshrl.u32 s0, $0x1;
	s16 =	sadd.s32 s4, s2  }
0x7: {  	s5 =	sor.u32 s6, s5;
	s0 =	ssub.s32 s0, s7;
	s14 =	sadd.s32 $0x1EA00, s16  }
0x8: {  	s5 =	sand.u32 $0x3070, s5;
	s0 =	smax.u32 s0, $0x1;
	[dreg:$0x16] =	wrdreg s14  }
0x9: {  	s4 =	sadd.s32 s1, s5;
	[dreg:$0x17] =	wrdreg s0  }
0xa: {  	s1 =	sadd.s32 $0x80, s4;
	[smem:$0x7FC] =	sst s4  }
0xb: {  	s17 =	sadd.s32 $0x100, s4;
	[dreg:$0x3] =	wrdreg s1  }
0xc: {  	s18 =	sadd.s32 $0x180, s4;
	[dreg:$0x4] =	wrdreg s17  }
0xd: {  	s19 =	sadd.s32 $0x200, s4;
	[dreg:$0x5] =	wrdreg s18  }
0xe: {  	s20 =	sadd.s32 $0x280, s4;
	[dreg:$0x6] =	wrdreg s19  }
0xf: {  	s21 =	sadd.s32 $0x300, s4;
	[dreg:$0x7] =	wrdreg s20  }
0x10: {  	s22 =	sadd.s32 $0x380, s4;
	[dreg:$0x8] =	wrdreg s21  }
0x11: {  	s23 =	sadd.s32 $0x400, s4;
	[dreg:$0x9] =	wrdreg s22  }
0x12: {  	s24 =	sadd.s32 $0x480, s4;
	[dreg:$0xa] =	wrdreg s23  }
0x13: {  	s25 =	sadd.s32 $0x500, s4;
	[dreg:$0xb] =	wrdreg s24  }
0x14: {  	s26 =	sadd.s32 $0x580, s4;
	[dreg:$0xc] =	wrdreg s25  }
0x15: {  	s5 =	sadd.s32 $0x600, s4;
	[dreg:$0xd] =	wrdreg s26  }
0x16: {  	s7 =	sadd.s32 $0x680, s4;
	[dreg:$0xe] =	wrdreg s5  }
0x17: {  	s8 =	sadd.s32 $0x700, s4;
	[dreg:$0xf] =	wrdreg s7  }
0x18: {  	s9 =	sadd.s32 $0x780, s4;
	[dreg:$0x10] =	wrdreg s8  }
0x19: {  	s10 =	sadd.s32 $0x800, s4;
	[dreg:$0x11] =	wrdreg s9  }
0x1a: {  	s11 =	sadd.s32 $0x880, s4;
	[dreg:$0x12] =	wrdreg s10  }
0x1b: {  	s28 =	simm.s32 $0x500;
	s12 =	sadd.s32 $0x900, s4;
	[dreg:$0x13] =	wrdreg s11  }
0x1c: {  	s29 =	simm.s32 $0x580;
	s13 =	sadd.s32 $0x980, s4;
	[dreg:$0x14] =	wrdreg s12  }
0x1d: {  	s30 =	simm.s32 $0x600;
	s15 =	sadd.s32 $0xA00, s4;
	[dreg:$0x15] =	wrdreg s13  }
0x1e: {  	s31 =	simm.s32 $0x680;
	s16 =	sadd.s32 $0xA80, s4;
	[dreg:$0x18] =	wrdreg s15  }
0x1f: {  	s6 =	simm.s32 $0x980;
	s14 =	simm.s32 $0xB00;
	[dreg:$0x19] =	wrdreg s16  }
0x20: {  	s17 =	sadd.s32 $0xB00, s4;
	s18 =	sadd.s32 $0xB80, s4;
	s19 =	sadd.s32 $0xC00, s4  }
0x21: {  	s20 =	sadd.s32 $0xC80, s4;
	s21 =	sadd.s32 $0xD00, s4;
	[dreg:$0x1a] =	wrdreg s17  }
0x22: {  	s22 =	sadd.s32 $0xD80, s4;
	s23 =	sadd.s32 $0xE00, s4;
	[dreg:$0x1b] =	wrdreg s18  }
0x23: {  	s24 =	sadd.s32 $0xE80, s4;
	s25 =	sadd.s32 $0xF00, s4;
	[dreg:$0x1c] =	wrdreg s19  }
0x24: {  	s26 =	sadd.s32 $0xF80, s4;
	s10 =	simm.s32 $0x80;
	[dreg:$0x1d] =	wrdreg s20  }
0x25: {  	s15 =	simm.s32 $0x1;
	s9 =	simm.s32 $0x2;
	[dreg:$0x1e] =	wrdreg s21  }
0x26: {  	s11 =	simm.s32 $0x800;
	s5 =	simm.s32 $0x880;
	[dreg:$0x1f] =	wrdreg s22  }
0x27: {  	s12 =	simm.s32 $0x900;
	s13 =	simm.s32 $0xA00;
	[smem:$0x7F9] =	sst s23  }
0x28: {  	s7 =	simm.s32 $0xA80;
	s8 =	simm.s32 $0xB80;
	[smem:$0x7FA] =	sst s24  }
0x29: {  	s16 =	simm.s32 $0xC00;
	s4 =	simm.s32 $0xC80;
	[smem:$0x7FB] =	sst s25  }
0x2a: {  	[smem:$0x7FD] =	sst s26;
	s17 =	simm.s32 $0x0;
	s20 =	simm.s32 $0x180  }
0x2b: {  	s21 =	simm.s32 $0x200;
	s22 =	simm.s32 $0x280;
	s23 =	simm.s32 $0x300  }
0x2c: {  	s24 =	simm.s32 $0x380;
	s25 =	simm.s32 $0x400;
	s26 =	simm.s32 $0x480  }
.LBB2_1:
0x2d: {  	s0 =	sld [smem:$0x7FC];
	_ =	sdelay $0x2  }
0x2e: {  	[tilespmem:s3], [sflag:$0x1] =	stream.linear.gather [hbm4b:s0+s3], $0x80, $0x38;
	[tilespmem:$0x2080] =	vst v63  }
0x2f: {  	s18 =	rddreg [dreg:$0x3]  }
0x30: {  	[tilespmem:s10], [sflag:$0x1] =	stream.linear.gather [hbm4b:s18+s3], $0x80, $0x38;
	[tilespmem:$0x2080] =	vst v63  }
0x31: {  	s19 =	simm.s32 $0x100;
	s0 =	rddreg [dreg:$0x4]  }
0x32: {  	[tilespmem:s19], [sflag:$0x1] =	stream.linear.gather [hbm4b:s0+s3], $0x80, $0x38;
	[tilespmem:$0x2080] =	vst v63  }
0x33: {  	s1 =	rddreg [dreg:$0x5]  }
0x34: {  	[tilespmem:s20], [sflag:$0x1] =	stream.linear.gather [hbm4b:s1+s3], $0x80, $0x38;
	[tilespmem:$0x2080] =	vst v63  }
0x35: {  	s0 =	rddreg [dreg:$0x6]  }
0x36: {  	[tilespmem:s21], [sflag:$0x1] =	stream.linear.gather [hbm4b:s0+s3], $0x80, $0x38;
	[tilespmem:$0x2080] =	vst v63  }
0x37: {  	s1 =	rddreg [dreg:$0x7]  }
0x38: {  	[tilespmem:s22], [sflag:$0x1] =	stream.linear.gather [hbm4b:s1+s3], $0x80, $0x38;
	[tilespmem:$0x2080] =	vst v63  }
0x39: {  	s0 =	rddreg [dreg:$0x8]  }
0x3a: {  	[tilespmem:s23], [sflag:$0x1] =	stream.linear.gather [hbm4b:s0+s3], $0x80, $0x38;
	[tilespmem:$0x2080] =	vst v63  }
0x3b: {  	s1 =	rddreg [dreg:$0x9]  }
0x3c: {  	[tilespmem:s24], [sflag:$0x1] =	stream.linear.gather [hbm4b:s1+s3], $0x80, $0x38;
	[tilespmem:$0x2080] =	vst v63  }
0x3d: {  	s0 =	rddreg [dreg:$0xa]  }
0x3e: {  	[tilespmem:s25], [sflag:$0x1] =	stream.linear.gather [hbm4b:s0+s3], $0x80, $0x38;
	[tilespmem:$0x2080] =	vst v63  }
0x3f: {  	s1 =	rddreg [dreg:$0xb]  }
0x40: {  	[tilespmem:s26], [sflag:$0x1] =	stream.linear.gather [hbm4b:s1+s3], $0x80, $0x38;
	[tilespmem:$0x2080] =	vst v63  }
0x41: {  	s0 =	rddreg [dreg:$0xc]  }
0x42: {  	[tilespmem:s28], [sflag:$0x1] =	stream.linear.gather [hbm4b:s0+s3], $0x80, $0x38;
	[tilespmem:$0x2080] =	vst v63  }
0x43: {  	s1 =	rddreg [dreg:$0xd]  }
0x44: {  	[tilespmem:s29], [sflag:$0x1] =	stream.linear.gather [hbm4b:s1+s3], $0x80, $0x38;
	[tilespmem:$0x2080] =	vst v63  }
0x45: {  	s0 =	rddreg [dreg:$0xe]  }
0x46: {  	[tilespmem:s30], [sflag:$0x1] =	stream.linear.gather [hbm4b:s0+s3], $0x80, $0x38;
	[tilespmem:$0x2080] =	vst v63  }
0x47: {  	s1 =	rddreg [dreg:$0xf]  }
0x48: {  	[tilespmem:s31], [sflag:$0x1] =	stream.linear.gather [hbm4b:s1+s3], $0x80, $0x38;
	[tilespmem:$0x2080] =	vst v63  }
0x49: {  	s0 =	rddreg [dreg:$0x10];
	s1 =	simm.s32 $0x700  }
0x4a: {  	[tilespmem:s1], [sflag:$0x1] =	stream.linear.gather [hbm4b:s0+s3], $0x80, $0x38;
	[tilespmem:$0x2080] =	vst v63  }
0x4b: {  	s18 =	rddreg [dreg:$0x11];
	s0 =	simm.s32 $0x780  }
0x4c: {  	[tilespmem:s0], [sflag:$0x1] =	stream.linear.gather [hbm4b:s18+s3], $0x80, $0x38;
	[tilespmem:$0x2080] =	vst v63  }
0x4d: {  	s0 =	rddreg [dreg:$0x12]  }
0x4e: {  	[tilespmem:s11], [sflag:$0x1] =	stream.linear.gather [hbm4b:s0+s3], $0x80, $0x38;
	[tilespmem:$0x2080] =	vst v63  }
0x4f: {  	s0 =	rddreg [dreg:$0x13]  }
0x50: {  	[tilespmem:s5], [sflag:$0x1] =	stream.linear.gather [hbm4b:s0+s3], $0x80, $0x38;
	[tilespmem:$0x2080] =	vst v63  }
0x51: {  	s0 =	rddreg [dreg:$0x14]  }
0x52: {  	[tilespmem:s12], [sflag:$0x1] =	stream.linear.gather [hbm4b:s0+s3], $0x80, $0x38;
	[tilespmem:$0x2080] =	vst v63  }
0x53: {  	s0 =	rddreg [dreg:$0x15]  }
0x54: {  	[tilespmem:s6], [sflag:$0x1] =	stream.linear.gather [hbm4b:s0+s3], $0x80, $0x38;
	[tilespmem:$0x2080] =	vst v63  }
0x55: {  	s0 =	rddreg [dreg:$0x18]  }
0x56: {  	[tilespmem:s13], [sflag:$0x1] =	stream.linear.gather [hbm4b:s0+s3], $0x80, $0x38;
	[tilespmem:$0x2080] =	vst v63  }
0x57: {  	s0 =	rddreg [dreg:$0x19]  }
0x58: {  	[tilespmem:s7], [sflag:$0x1] =	stream.linear.gather [hbm4b:s0+s3], $0x80, $0x38;
	[tilespmem:$0x2080] =	vst v63  }
0x59: {  	s0 =	rddreg [dreg:$0x1a]  }
0x5a: {  	[tilespmem:s14], [sflag:$0x1] =	stream.linear.gather [hbm4b:s0+s3], $0x80, $0x38;
	[tilespmem:$0x2080] =	vst v63  }
0x5b: {  	s0 =	rddreg [dreg:$0x1b]  }
0x5c: {  	[tilespmem:s8], [sflag:$0x1] =	stream.linear.gather [hbm4b:s0+s3], $0x80, $0x38;
	[tilespmem:$0x2080] =	vst v63  }
0x5d: {  	s0 =	rddreg [dreg:$0x1c]  }
0x5e: {  	[tilespmem:s16], [sflag:$0x1] =	stream.linear.gather [hbm4b:s0+s3], $0x80, $0x38;
	[tilespmem:$0x2080] =	vst v63  }
0x5f: {  	s0 =	rddreg [dreg:$0x1d]  }
0x60: {  	[tilespmem:s4], [sflag:$0x1] =	stream.linear.gather [hbm4b:s0+s3], $0x80, $0x38;
	[tilespmem:$0x2080] =	vst v63  }
0x61: {  	s18 =	rddreg [dreg:$0x1e];
	s0 =	simm.s32 $0xD00  }
0x62: {  	[tilespmem:s0], [sflag:$0x1] =	stream.linear.gather [hbm4b:s18+s3], $0x80, $0x38;
	[tilespmem:$0x2080] =	vst v63  }
0x63: {  	s18 =	rddreg [dreg:$0x1f];
	s0 =	simm.s32 $0xD80  }
0x64: {  	[tilespmem:s0], [sflag:$0x1] =	stream.linear.gather [hbm4b:s18+s3], $0x80, $0x38;
	[tilespmem:$0x2080] =	vst v63  }
0x65: {  	s18 =	sld [smem:$0x7F9];
	_ =	sdelay $0x1  }
0x66: {  	s0 =	simm.s32 $0xE00  }
0x67: {  	[tilespmem:s0], [sflag:$0x1] =	stream.linear.gather [hbm4b:s18+s3], $0x80, $0x38;
	[tilespmem:$0x2080] =	vst v63  }
0x68: {  	s18 =	sld [smem:$0x7FA];
	_ =	sdelay $0x1  }
0x69: {  	s0 =	simm.s32 $0xE80  }
0x6a: {  	[tilespmem:s0], [sflag:$0x1] =	stream.linear.gather [hbm4b:s18+s3], $0x80, $0x38;
	[tilespmem:$0x2080] =	vst v63  }
0x6b: {  	s18 =	sld [smem:$0x7FB];
	_ =	sdelay $0x1  }
0x6c: {  	s0 =	simm.s32 $0xF00  }
0x6d: {  	[tilespmem:s0], [sflag:$0x1] =	stream.linear.gather [hbm4b:s18+s3], $0x80, $0x38;
	[tilespmem:$0x2080] =	vst v63  }
0x6e: {  	s18 =	sld [smem:$0x7FD];
	_ =	sdelay $0x1  }
0x6f: {  	s0 =	simm.s32 $0xF80  }
0x70: {  	[tilespmem:s0], [sflag:$0x1] =	stream.linear.gather [hbm4b:s18+s3], $0x80, $0x38;
	[tilespmem:$0x2080] =	vst v63  }
0x71: {  	_ =	swait.ge [sflag:s15], $0x80  }
0x72: {  	[sflag:s15] =	ssyncset.done $0x0  }
0x73: {  	[sflag:s15] =	ssyncadd.s32 $0xFFFFFF80  }
0x74: {  	_ =	swait.ge [sflag:s15], $0x80  }
0x75: {  	[sflag:s15] =	ssyncset.done $0x0  }
0x76: {  	[sflag:s15] =	ssyncadd.s32 $0xFFFFFF80  }
0x77: {  	_ =	swait.ge [sflag:s15], $0x80  }
0x78: {  	[sflag:s15] =	ssyncset.done $0x0  }
0x79: {  	[sflag:s15] =	ssyncadd.s32 $0xFFFFFF80  }
0x7a: {  	_ =	swait.ge [sflag:s15], $0x80  }
0x7b: {  	[sflag:s15] =	ssyncset.done $0x0  }
0x7c: {  	[sflag:s15] =	ssyncadd.s32 $0xFFFFFF80  }
0x7d: {  	_ =	swait.ge [sflag:s15], $0x80  }
0x7e: {  	[sflag:s15] =	ssyncset.done $0x0  }
0x7f: {  	[sflag:s15] =	ssyncadd.s32 $0xFFFFFF80  }
0x80: {  	_ =	swait.ge [sflag:s15], $0x80  }
0x81: {  	[sflag:s15] =	ssyncset.done $0x0  }
0x82: {  	[sflag:s15] =	ssyncadd.s32 $0xFFFFFF80  }
0x83: {  	_ =	swait.ge [sflag:s15], $0x80  }
0x84: {  	[sflag:s15] =	ssyncset.done $0x0  }
0x85: {  	[sflag:s15] =	ssyncadd.s32 $0xFFFFFF80  }
0x86: {  	_ =	swait.ge [sflag:s15], $0x80  }
0x87: {  	[sflag:s15] =	ssyncset.done $0x0  }
0x88: {  	[sflag:s15] =	ssyncadd.s32 $0xFFFFFF80  }
0x89: {  	_ =	swait.ge [sflag:s15], $0x80  }
0x8a: {  	[sflag:s15] =	ssyncset.done $0x0  }
0x8b: {  	[sflag:s15] =	ssyncadd.s32 $0xFFFFFF80  }
0x8c: {  	_ =	swait.ge [sflag:s15], $0x80  }
0x8d: {  	[sflag:s15] =	ssyncset.done $0x0  }
0x8e: {  	[sflag:s15] =	ssyncadd.s32 $0xFFFFFF80  }
0x8f: {  	_ =	swait.ge [sflag:s15], $0x80  }
0x90: {  	[sflag:s15] =	ssyncset.done $0x0  }
0x91: {  	[sflag:s15] =	ssyncadd.s32 $0xFFFFFF80  }
0x92: {  	_ =	swait.ge [sflag:s15], $0x80  }
0x93: {  	[sflag:s15] =	ssyncset.done $0x0  }
0x94: {  	[sflag:s15] =	ssyncadd.s32 $0xFFFFFF80  }
0x95: {  	_ =	swait.ge [sflag:s15], $0x80  }
0x96: {  	[sflag:s15] =	ssyncset.done $0x0  }
0x97: {  	[sflag:s15] =	ssyncadd.s32 $0xFFFFFF80  }
0x98: {  	_ =	swait.ge [sflag:s15], $0x80  }
0x99: {  	[sflag:s15] =	ssyncset.done $0x0  }
0x9a: {  	[sflag:s15] =	ssyncadd.s32 $0xFFFFFF80  }
0x9b: {  	_ =	swait.ge [sflag:s15], $0x80  }
0x9c: {  	[sflag:s15] =	ssyncset.done $0x0  }
0x9d: {  	[sflag:s15] =	ssyncadd.s32 $0xFFFFFF80  }
0x9e: {  	_ =	swait.ge [sflag:s15], $0x80  }
0x9f: {  	[sflag:s15] =	ssyncset.done $0x0  }
0xa0: {  	[sflag:s15] =	ssyncadd.s32 $0xFFFFFF80  }
0xa1: {  	_ =	swait.ge [sflag:s15], $0x80  }
0xa2: {  	[sflag:s15] =	ssyncset.done $0x0  }
0xa3: {  	[sflag:s15] =	ssyncadd.s32 $0xFFFFFF80  }
0xa4: {  	_ =	swait.ge [sflag:s15], $0x80  }
0xa5: {  	[sflag:s15] =	ssyncset.done $0x0  }
0xa6: {  	[sflag:s15] =	ssyncadd.s32 $0xFFFFFF80  }
0xa7: {  	_ =	swait.ge [sflag:s15], $0x80  }
0xa8: {  	[sflag:s15] =	ssyncset.done $0x0  }
0xa9: {  	[sflag:s15] =	ssyncadd.s32 $0xFFFFFF80  }
0xaa: {  	_ =	swait.ge [sflag:s15], $0x80  }
0xab: {  	[sflag:s15] =	ssyncset.done $0x0  }
0xac: {  	[sflag:s15] =	ssyncadd.s32 $0xFFFFFF80  }
0xad: {  	_ =	swait.ge [sflag:s15], $0x80  }
0xae: {  	[sflag:s15] =	ssyncset.done $0x0  }
0xaf: {  	[sflag:s15] =	ssyncadd.s32 $0xFFFFFF80  }
0xb0: {  	_ =	swait.ge [sflag:s15], $0x80  }
0xb1: {  	[sflag:s15] =	ssyncset.done $0x0  }
0xb2: {  	[sflag:s15] =	ssyncadd.s32 $0xFFFFFF80  }
0xb3: {  	_ =	swait.ge [sflag:s15], $0x80  }
0xb4: {  	[sflag:s15] =	ssyncset.done $0x0  }
0xb5: {  	[sflag:s15] =	ssyncadd.s32 $0xFFFFFF80  }
0xb6: {  	_ =	swait.ge [sflag:s15], $0x80  }
0xb7: {  	[sflag:s15] =	ssyncset.done $0x0  }
0xb8: {  	[sflag:s15] =	ssyncadd.s32 $0xFFFFFF80  }
0xb9: {  	_ =	swait.ge [sflag:s15], $0x80  }
0xba: {  	[sflag:s15] =	ssyncset.done $0x0  }
0xbb: {  	[sflag:s15] =	ssyncadd.s32 $0xFFFFFF80  }
0xbc: {  	_ =	swait.ge [sflag:s15], $0x80  }
0xbd: {  	[sflag:s15] =	ssyncset.done $0x0  }
0xbe: {  	[sflag:s15] =	ssyncadd.s32 $0xFFFFFF80  }
0xbf: {  	_ =	swait.ge [sflag:s15], $0x80  }
0xc0: {  	[sflag:s15] =	ssyncset.done $0x0  }
0xc1: {  	[sflag:s15] =	ssyncadd.s32 $0xFFFFFF80  }
0xc2: {  	_ =	swait.ge [sflag:s15], $0x80  }
0xc3: {  	[sflag:s15] =	ssyncset.done $0x0  }
0xc4: {  	[sflag:s15] =	ssyncadd.s32 $0xFFFFFF80  }
0xc5: {  	_ =	swait.ge [sflag:s15], $0x80  }
0xc6: {  	[sflag:s15] =	ssyncset.done $0x0  }
0xc7: {  	[sflag:s15] =	ssyncadd.s32 $0xFFFFFF80  }
0xc8: {  	_ =	swait.ge [sflag:s15], $0x80  }
0xc9: {  	[sflag:s15] =	ssyncset.done $0x0  }
0xca: {  	[sflag:s15] =	ssyncadd.s32 $0xFFFFFF80  }
0xcb: {  	_ =	swait.ge [sflag:s15], $0x80  }
0xcc: {  	[sflag:s15] =	ssyncset.done $0x0  }
0xcd: {  	[sflag:s15] =	ssyncadd.s32 $0xFFFFFF80  }
0xce: {  	_ =	swait.ge [sflag:s15], $0x80  }
0xcf: {  	[sflag:s15] =	ssyncset.done $0x0  }
0xd0: {  	s0 =	simm.s32 $0x1000;
	[sflag:s15] =	ssyncadd.s32 $0xFFFFFF80  }
0xd1: {  	[tilespmem:s0], [sflag:$0x2] =	stream.indirect.gather [hbm4b:s2+s10], $0x1, s3, s10, $0xb8;
	[tilespmem:$0x2080] =	vst v63  }
0xd2: {  	s0 =	simm.s32 $0x1080  }
0xd3: {  	[tilespmem:s0], [sflag:$0x2] =	stream.indirect.gather [hbm4b:s2+s10], $0x1, s10, s10, $0xb8;
	[tilespmem:$0x2080] =	vst v63  }
0xd4: {  	s0 =	simm.s32 $0x1100  }
0xd5: {  	[tilespmem:s0], [sflag:$0x2] =	stream.indirect.gather [hbm4b:s2+s10], $0x1, s19, s10, $0xb8;
	[tilespmem:$0x2080] =	vst v63  }
0xd6: {  	s19 =	simm.s32 $0x1180  }
0xd7: {  	[tilespmem:s19], [sflag:$0x2] =	stream.indirect.gather [hbm4b:s2+s10], $0x1, s20, s10, $0xb8;
	[tilespmem:$0x2080] =	vst v63  }
0xd8: {  	s0 =	simm.s32 $0x1200  }
0xd9: {  	[tilespmem:s0], [sflag:$0x2] =	stream.indirect.gather [hbm4b:s2+s10], $0x1, s21, s10, $0xb8;
	[tilespmem:$0x2080] =	vst v63  }
0xda: {  	s19 =	simm.s32 $0x1280  }
0xdb: {  	[tilespmem:s19], [sflag:$0x2] =	stream.indirect.gather [hbm4b:s2+s10], $0x1, s22, s10, $0xb8;
	[tilespmem:$0x2080] =	vst v63  }
0xdc: {  	s0 =	simm.s32 $0x1300  }
0xdd: {  	[tilespmem:s0], [sflag:$0x2] =	stream.indirect.gather [hbm4b:s2+s10], $0x1, s23, s10, $0xb8;
	[tilespmem:$0x2080] =	vst v63  }
0xde: {  	s19 =	simm.s32 $0x1380  }
0xdf: {  	[tilespmem:s19], [sflag:$0x2] =	stream.indirect.gather [hbm4b:s2+s10], $0x1, s24, s10, $0xb8;
	[tilespmem:$0x2080] =	vst v63  }
0xe0: {  	s0 =	simm.s32 $0x1400  }
0xe1: {  	[tilespmem:s0], [sflag:$0x2] =	stream.indirect.gather [hbm4b:s2+s10], $0x1, s25, s10, $0xb8;
	[tilespmem:$0x2080] =	vst v63  }
0xe2: {  	s19 =	simm.s32 $0x1480  }
0xe3: {  	[tilespmem:s19], [sflag:$0x2] =	stream.indirect.gather [hbm4b:s2+s10], $0x1, s26, s10, $0xb8;
	[tilespmem:$0x2080] =	vst v63  }
0xe4: {  	s0 =	simm.s32 $0x1500  }
0xe5: {  	[tilespmem:s0], [sflag:$0x2] =	stream.indirect.gather [hbm4b:s2+s10], $0x1, s28, s10, $0xb8;
	[tilespmem:$0x2080] =	vst v63  }
0xe6: {  	s19 =	simm.s32 $0x1580  }
0xe7: {  	[tilespmem:s19], [sflag:$0x2] =	stream.indirect.gather [hbm4b:s2+s10], $0x1, s29, s10, $0xb8;
	[tilespmem:$0x2080] =	vst v63  }
0xe8: {  	s0 =	simm.s32 $0x1600  }
0xe9: {  	[tilespmem:s0], [sflag:$0x2] =	stream.indirect.gather [hbm4b:s2+s10], $0x1, s30, s10, $0xb8;
	[tilespmem:$0x2080] =	vst v63  }
0xea: {  	s19 =	simm.s32 $0x1680  }
0xeb: {  	[tilespmem:s19], [sflag:$0x2] =	stream.indirect.gather [hbm4b:s2+s10], $0x1, s31, s10, $0xb8;
	[tilespmem:$0x2080] =	vst v63  }
0xec: {  	s0 =	simm.s32 $0x1700  }
0xed: {  	[tilespmem:s0], [sflag:$0x2] =	stream.indirect.gather [hbm4b:s2+s10], $0x1, s1, s10, $0xb8;
	[tilespmem:$0x2080] =	vst v63  }
0xee: {  	s18 =	simm.s32 $0x1780;
	s19 =	simm.s32 $0x780  }
0xef: {  	[tilespmem:s18], [sflag:$0x2] =	stream.indirect.gather [hbm4b:s2+s10], $0x1, s19, s10, $0xb8;
	[tilespmem:$0x2080] =	vst v63  }
0xf0: {  	s1 =	simm.s32 $0x1800  }
0xf1: {  	[tilespmem:s1], [sflag:$0x2] =	stream.indirect.gather [hbm4b:s2+s10], $0x1, s11, s10, $0xb8;
	[tilespmem:$0x2080] =	vst v63  }
0xf2: {  	s18 =	simm.s32 $0x1880  }
0xf3: {  	[tilespmem:s18], [sflag:$0x2] =	stream.indirect.gather [hbm4b:s2+s10], $0x1, s5, s10, $0xb8;
	[tilespmem:$0x2080] =	vst v63  }
0xf4: {  	s19 =	simm.s32 $0x1900  }
0xf5: {  	[tilespmem:s19], [sflag:$0x2] =	stream.indirect.gather [hbm4b:s2+s10], $0x1, s12, s10, $0xb8;
	[tilespmem:$0x2080] =	vst v63  }
0xf6: {  	s1 =	simm.s32 $0x1980  }
0xf7: {  	[tilespmem:s1], [sflag:$0x2] =	stream.indirect.gather [hbm4b:s2+s10], $0x1, s6, s10, $0xb8;
	[tilespmem:$0x2080] =	vst v63  }
0xf8: {  	s18 =	simm.s32 $0x1A00  }
0xf9: {  	[tilespmem:s18], [sflag:$0x2] =	stream.indirect.gather [hbm4b:s2+s10], $0x1, s13, s10, $0xb8;
	[tilespmem:$0x2080] =	vst v63  }
0xfa: {  	s19 =	simm.s32 $0x1A80  }
0xfb: {  	[tilespmem:s19], [sflag:$0x2] =	stream.indirect.gather [hbm4b:s2+s10], $0x1, s7, s10, $0xb8;
	[tilespmem:$0x2080] =	vst v63  }
0xfc: {  	s1 =	simm.s32 $0x1B00  }
0xfd: {  	[tilespmem:s1], [sflag:$0x2] =	stream.indirect.gather [hbm4b:s2+s10], $0x1, s14, s10, $0xb8;
	[tilespmem:$0x2080] =	vst v63  }
0xfe: {  	s18 =	simm.s32 $0x1B80  }
0xff: {  	[tilespmem:s18], [sflag:$0x2] =	stream.indirect.gather [hbm4b:s2+s10], $0x1, s8, s10, $0xb8;
	[tilespmem:$0x2080] =	vst v63  }
0x100: {  	s19 =	simm.s32 $0x1C00  }
0x101: {  	[tilespmem:s19], [sflag:$0x2] =	stream.indirect.gather [hbm4b:s2+s10], $0x1, s16, s10, $0xb8;
	[tilespmem:$0x2080] =	vst v63  }
0x102: {  	s1 =	simm.s32 $0x1C80  }
0x103: {  	[tilespmem:s1], [sflag:$0x2] =	stream.indirect.gather [hbm4b:s2+s10], $0x1, s4, s10, $0xb8;
	[tilespmem:$0x2080] =	vst v63  }
0x104: {  	s18 =	simm.s32 $0x1D00;
	s19 =	simm.s32 $0xD00  }
0x105: {  	[tilespmem:s18], [sflag:$0x2] =	stream.indirect.gather [hbm4b:s2+s10], $0x1, s19, s10, $0xb8;
	[tilespmem:$0x2080] =	vst v63  }
0x106: {  	s18 =	simm.s32 $0x1D80;
	s19 =	simm.s32 $0xD80  }
0x107: {  	[tilespmem:s18], [sflag:$0x2] =	stream.indirect.gather [hbm4b:s2+s10], $0x1, s19, s10, $0xb8;
	[tilespmem:$0x2080] =	vst v63  }
0x108: {  	s18 =	simm.s32 $0x1E00;
	s19 =	simm.s32 $0xE00  }
0x109: {  	[tilespmem:s18], [sflag:$0x2] =	stream.indirect.gather [hbm4b:s2+s10], $0x1, s19, s10, $0xb8;
	[tilespmem:$0x2080] =	vst v63  }
0x10a: {  	s18 =	simm.s32 $0x1E80;
	s19 =	simm.s32 $0xE80  }
0x10b: {  	[tilespmem:s18], [sflag:$0x2] =	stream.indirect.gather [hbm4b:s2+s10], $0x1, s19, s10, $0xb8;
	[tilespmem:$0x2080] =	vst v63  }
0x10c: {  	s18 =	simm.s32 $0x1F00;
	s19 =	simm.s32 $0xF00  }
0x10d: {  	[tilespmem:s18], [sflag:$0x2] =	stream.indirect.gather [hbm4b:s2+s10], $0x1, s19, s10, $0xb8;
	[tilespmem:$0x2080] =	vst v63  }
0x10e: {  	s1 =	simm.s32 $0x1F80;
	s18 =	simm.s32 $0xF80  }
0x10f: {  	[tilespmem:s1], [sflag:$0x2] =	stream.indirect.gather [hbm4b:s2+s10], $0x1, s18, s10, $0xb8;
	[tilespmem:$0x2080] =	vst v63  }
0x110: {  	_ =	swait.ge [sflag:s9], $0x80  }
0x111: {  	[sflag:s9] =	ssyncset.done $0x0  }
0x112: {  	[sflag:s9] =	ssyncadd.s32 $0xFFFFFF80  }
0x113: {  	_ =	swait.ge [sflag:s9], $0x80  }
0x114: {  	[sflag:s9] =	ssyncset.done $0x0  }
0x115: {  	[sflag:s9] =	ssyncadd.s32 $0xFFFFFF80  }
0x116: {  	_ =	swait.ge [sflag:s9], $0x80  }
0x117: {  	[sflag:s9] =	ssyncset.done $0x0  }
0x118: {  	[sflag:s9] =	ssyncadd.s32 $0xFFFFFF80  }
0x119: {  	_ =	swait.ge [sflag:s9], $0x80  }
0x11a: {  	[sflag:s9] =	ssyncset.done $0x0  }
0x11b: {  	[sflag:s9] =	ssyncadd.s32 $0xFFFFFF80  }
0x11c: {  	_ =	swait.ge [sflag:s9], $0x80  }
0x11d: {  	[sflag:s9] =	ssyncset.done $0x0  }
0x11e: {  	[sflag:s9] =	ssyncadd.s32 $0xFFFFFF80  }
0x11f: {  	_ =	swait.ge [sflag:s9], $0x80  }
0x120: {  	[sflag:s9] =	ssyncset.done $0x0  }
0x121: {  	[sflag:s9] =	ssyncadd.s32 $0xFFFFFF80  }
0x122: {  	_ =	swait.ge [sflag:s9], $0x80  }
0x123: {  	[sflag:s9] =	ssyncset.done $0x0  }
0x124: {  	[sflag:s9] =	ssyncadd.s32 $0xFFFFFF80  }
0x125: {  	_ =	swait.ge [sflag:s9], $0x80  }
0x126: {  	[sflag:s9] =	ssyncset.done $0x0  }
0x127: {  	[sflag:s9] =	ssyncadd.s32 $0xFFFFFF80  }
0x128: {  	_ =	swait.ge [sflag:s9], $0x80  }
0x129: {  	[sflag:s9] =	ssyncset.done $0x0  }
0x12a: {  	[sflag:s9] =	ssyncadd.s32 $0xFFFFFF80  }
0x12b: {  	_ =	swait.ge [sflag:s9], $0x80  }
0x12c: {  	[sflag:s9] =	ssyncset.done $0x0  }
0x12d: {  	[sflag:s9] =	ssyncadd.s32 $0xFFFFFF80  }
0x12e: {  	_ =	swait.ge [sflag:s9], $0x80  }
0x12f: {  	[sflag:s9] =	ssyncset.done $0x0  }
0x130: {  	[sflag:s9] =	ssyncadd.s32 $0xFFFFFF80  }
0x131: {  	_ =	swait.ge [sflag:s9], $0x80  }
0x132: {  	[sflag:s9] =	ssyncset.done $0x0  }
0x133: {  	[sflag:s9] =	ssyncadd.s32 $0xFFFFFF80  }
0x134: {  	_ =	swait.ge [sflag:s9], $0x80  }
0x135: {  	[sflag:s9] =	ssyncset.done $0x0  }
0x136: {  	[sflag:s9] =	ssyncadd.s32 $0xFFFFFF80  }
0x137: {  	_ =	swait.ge [sflag:s9], $0x80  }
0x138: {  	[sflag:s9] =	ssyncset.done $0x0  }
0x139: {  	[sflag:s9] =	ssyncadd.s32 $0xFFFFFF80  }
0x13a: {  	_ =	swait.ge [sflag:s9], $0x80  }
0x13b: {  	[sflag:s9] =	ssyncset.done $0x0  }
0x13c: {  	[sflag:s9] =	ssyncadd.s32 $0xFFFFFF80  }
0x13d: {  	_ =	swait.ge [sflag:s9], $0x80  }
0x13e: {  	[sflag:s9] =	ssyncset.done $0x0  }
0x13f: {  	[sflag:s9] =	ssyncadd.s32 $0xFFFFFF80  }
0x140: {  	_ =	swait.ge [sflag:s9], $0x80  }
0x141: {  	[sflag:s9] =	ssyncset.done $0x0  }
0x142: {  	[sflag:s9] =	ssyncadd.s32 $0xFFFFFF80  }
0x143: {  	_ =	swait.ge [sflag:s9], $0x80  }
0x144: {  	[sflag:s9] =	ssyncset.done $0x0  }
0x145: {  	[sflag:s9] =	ssyncadd.s32 $0xFFFFFF80  }
0x146: {  	_ =	swait.ge [sflag:s9], $0x80  }
0x147: {  	[sflag:s9] =	ssyncset.done $0x0  }
0x148: {  	[sflag:s9] =	ssyncadd.s32 $0xFFFFFF80  }
0x149: {  	_ =	swait.ge [sflag:s9], $0x80  }
0x14a: {  	[sflag:s9] =	ssyncset.done $0x0  }
0x14b: {  	[sflag:s9] =	ssyncadd.s32 $0xFFFFFF80  }
0x14c: {  	_ =	swait.ge [sflag:s9], $0x80  }
0x14d: {  	[sflag:s9] =	ssyncset.done $0x0  }
0x14e: {  	[sflag:s9] =	ssyncadd.s32 $0xFFFFFF80  }
0x14f: {  	_ =	swait.ge [sflag:s9], $0x80  }
0x150: {  	[sflag:s9] =	ssyncset.done $0x0  }
0x151: {  	[sflag:s9] =	ssyncadd.s32 $0xFFFFFF80  }
0x152: {  	_ =	swait.ge [sflag:s9], $0x80  }
0x153: {  	[sflag:s9] =	ssyncset.done $0x0  }
0x154: {  	[sflag:s9] =	ssyncadd.s32 $0xFFFFFF80  }
0x155: {  	_ =	swait.ge [sflag:s9], $0x80  }
0x156: {  	[sflag:s9] =	ssyncset.done $0x0  }
0x157: {  	[sflag:s9] =	ssyncadd.s32 $0xFFFFFF80  }
0x158: {  	_ =	swait.ge [sflag:s9], $0x80  }
0x159: {  	[sflag:s9] =	ssyncset.done $0x0  }
0x15a: {  	[sflag:s9] =	ssyncadd.s32 $0xFFFFFF80  }
0x15b: {  	_ =	swait.ge [sflag:s9], $0x80  }
0x15c: {  	[sflag:s9] =	ssyncset.done $0x0  }
0x15d: {  	[sflag:s9] =	ssyncadd.s32 $0xFFFFFF80  }
0x15e: {  	_ =	swait.ge [sflag:s9], $0x80  }
0x15f: {  	[sflag:s9] =	ssyncset.done $0x0  }
0x160: {  	[sflag:s9] =	ssyncadd.s32 $0xFFFFFF80  }
0x161: {  	_ =	swait.ge [sflag:s9], $0x80  }
0x162: {  	[sflag:s9] =	ssyncset.done $0x0  }
0x163: {  	[sflag:s9] =	ssyncadd.s32 $0xFFFFFF80  }
0x164: {  	_ =	swait.ge [sflag:s9], $0x80  }
0x165: {  	[sflag:s9] =	ssyncset.done $0x0  }
0x166: {  	[sflag:s9] =	ssyncadd.s32 $0xFFFFFF80  }
0x167: {  	_ =	swait.ge [sflag:s9], $0x80  }
0x168: {  	[sflag:s9] =	ssyncset.done $0x0  }
0x169: {  	[sflag:s9] =	ssyncadd.s32 $0xFFFFFF80  }
0x16a: {  	_ =	swait.ge [sflag:s9], $0x80  }
0x16b: {  	[sflag:s9] =	ssyncset.done $0x0  }
0x16c: {  	[sflag:s9] =	ssyncadd.s32 $0xFFFFFF80  }
0x16d: {  	_ =	swait.ge [sflag:s9], $0x80  }
0x16e: {  	[sflag:s9] =	ssyncset.done $0x0  }
0x16f: {  	s19 =	simm.s32 $0x0;
	[sflag:s9] =	ssyncadd.s32 $0xFFFFFF80  }
0x170: {  	v0 =	vld [tilespmem:s19+$0x1000];
	_ =	sdelay $0x1  }
0x171: {  	v1 =	vld [tilespmem:s19+$0x1010];
	_ =	sdelay $0x1  }
0x172: {  	v2 =	vimm.f32 $0.0e+00;
	v3 =	vld [tilespmem:s19+$0x1020]  }
0x173: {  	v0 =	vadd.f32 v0, v2  }
0x174: {  	v2 =	vld [tilespmem:s19+$0x1030]  }
0x175: {  	v0 =	vadd.f32 v1, v0  }
0x176: {  	v1 =	vld [tilespmem:s19+$0x1040]  }
0x177: {  	v0 =	vadd.f32 v3, v0;
	_ =	sdelay $0x1  }
0x178: {  	v3 =	vld [tilespmem:s19+$0x1050];
	v0 =	vadd.f32 v2, v0;
	_ =	sdelay $0x1  }
0x179: {  	v2 =	vadd.f32 v1, v0;
	v1 =	vld [tilespmem:s19+$0x1060];
	_ =	sdelay $0x1  }
0x17a: {  	v0 =	vld [tilespmem:s19+$0x1070]  }
0x17b: {  	s18 =	simm.s32 $0x80;
	s19 =	simm.s32 $0x400;
	v2 =	vadd.f32 v3, v2  }
.LBB2_2:
0x17c: {  	p0 =	sne.s32 s19, $0x3E00;
	v3 =	vld [tilespmem:s18+$0x1000]  }
0x17d: {  	v1 =	vadd.f32 v1, v2  }
0x17e: {  	v2 =	vld [tilespmem:s18+$0x1010]  }
0x17f: {  	v0 =	vadd.f32 v0, v1  }
0x180: {  	v1 =	vld [tilespmem:s18+$0x1020]  }
0x181: {  	v0 =	vadd.f32 v3, v0  }
0x182: {  	v3 =	vld [tilespmem:s18+$0x1030]  }
0x183: {  	v0 =	vadd.f32 v2, v0  }
0x184: {  	v2 =	vld [tilespmem:s18+$0x1040]  }
0x185: {  	v0 =	vadd.f32 v1, v0  }
0x186: {  	v4 =	vld [tilespmem:s18+$0x1050]  }
.Ltmp0:
0x187: {  	v0 =	vadd.f32 v3, v0;
	(pc) =	sbr.rel @p0 .LBB2_2-.Ltmp0, $4  }
0x188: {  	v1 =	vld [tilespmem:s18+$0x1060]  }
0x189: {  	v2 =	vadd.f32 v2, v0  }
0x18a: {  	v0 =	vld [tilespmem:s18+$0x1070]  }
0x18b: {  	s18 =	sshra.s32 s19, $0x2;
	s19 =	sadd.s32 $0x200, s19;
	v2 =	vadd.f32 v4, v2  }
0x18c: {  	v3 =	vld [tilespmem:s18+$0x1000]  }
0x18d: {  	v1 =	vadd.f32 v1, v2  }
0x18e: {  	v57 =	vld [tilespmem:s18+$0x1010]  }
0x18f: {  	v0 =	vadd.f32 v0, v1  }
0x190: {  	v58 =	vld [tilespmem:s18+$0x1020]  }
0x191: {  	v0 =	vadd.f32 v3, v0  }
0x192: {  	v59 =	vld [tilespmem:s18+$0x1030]  }
0x193: {  	v0 =	vadd.f32 v57, v0  }
0x194: {  	v60 =	vld [tilespmem:s18+$0x1040]  }
0x195: {  	v0 =	vadd.f32 v58, v0  }
0x196: {  	v61 =	vld [tilespmem:s18+$0x1050]  }
0x197: {  	v0 =	vadd.f32 v59, v0  }
0x198: {  	v62 =	vld [tilespmem:s18+$0x1060]  }
0x199: {  	v0 =	vadd.f32 v60, v0  }
0x19a: {  	v63 =	vld [tilespmem:s18+$0x1070]  }
0x19b: {  	v0 =	vadd.f32 v61, v0;
	_ =	sdelay $0x1  }
0x19c: {  	v0 =	vadd.f32 v62, v0;
	_ =	sdelay $0x1  }
0x19d: {  	v0 =	vadd.f32 v63, v0;
	_ =	sdelay $0x1  }
0x19e: {  	s19 =	rddreg [dreg:$0x16];
	s0 =	simm.s32 $0x2000;
	s1 =	simm.s32 $0x3;
	[tilespmem:$0x2000] =	vst v0  }
0x19f: {  	[hbm4b:s19+s3] =	stream.linear.scatter [tilespmem:s0], [sflag:$0x3], $0x80, $0x38;
	[tilespmem:$0x2080] =	vst v63  }
0x1a0: {  	_ =	swait.ge [sflag:s1], $0x80  }
0x1a1: {  	s17 =	sadd.s32 $0x1, s17;
	s19 =	rddreg [dreg:$0x17]  }
0x1a2: {  	p0 =	sne.s32 s17, s19  }
.Ltmp1:
0x1a3: {  	_ = 	snop;
	(pc) =	sbr.rel @p0 .LBB2_1-.Ltmp1, $3  }
0x1a4: {  	_ =	sdelay $0x1  }
0x1a5: {  	[sflag:s1] =	ssyncset.done $0x0  }
0x1a6: {  	[sflag:s1] =	ssyncadd.s32 $0xFFFFFF80  }
0x1a7: {  	_ =	sfence.sel $0x180000  }
0x1a8: {  	[bflag:$0x0] =	sbarrier.arrive $0xFFFF  }
0x1a9: {  	_ =	strace $0x90000047  }
0x1aa: {  	s0 =	stileid.u32;
	[bflag:$0x2] =	sbarrier.arrive $0xFFFF  }
0x1ab: {  	p0 =	sne.s32 s0, $0x0;
	s0 =	rddreg [dreg:$0x2]  }
0x1ac: {  	s0 =	sadd.s32 @!p0 $0x100000, s0  }
0x1ad: {  	[sflag:s0] =	ssyncadd.tile.s32 @!p0 $0x1;
	_ =	shalt  }
.Lfunc_end2:
_tile_overlayer_lowered:
.L_overlay_start_2:
0x1ae: {  	(tag) =	ssettag $0x2  }
0x1af: {  	s0 =	rddreg [dreg:$0x0];
	s2 =	stileid.u32  }
0x1b0: {  	s1 =	rddreg [dreg:$0x1];
	p0 =	sne.s32 s2, $0x0  }
0x1b1: {  	s3 =	rddreg [dreg:$0x2];
	[bflag:$0x3] =	sbarrier.arrive $0xFFFF;
	s2 =	simm.s32 @!p0 $0x1C03  }
0x1b2: {  	[timem:s3], [sflag:s2] =	dma.local @!p0 [hbm:s0], s1  }
0x1b3: {  	s0 =	simm.s32 @!p0 $0x3  }
0x1b4: {  	_ =	swait.ge @!p0 [sflag:s0], s1  }
0x1b5: {  	s1 =	ssub.s32 @!p0 $0x0, s1;
	[sflag:s0] =	ssyncset.done @!p0 $0x0  }
0x1b6: {  	[sflag:s0] =	ssyncadd.s32 @!p0 s1  }
0x1b7: {  	[bflag:$0x3] =	sbarrier.arrive $0xFFFF  }
0x1b8: {  	_ =	shalt  }

</sc_bundles>
